<compile_context>
chip_gen: v7x
topology: tpu7x:2x2x1
jax: 0.10.2.dev20260603
libtpu: 0.0.44.dev20260713+nightly
codegen_flags: <defaults>
</compile_context>

<pallas_src>
import functools

import jax
import jax.numpy as jnp
from jax import lax
from jax.experimental import pallas as pl
from jax.experimental.pallas import tpu as pltpu
from jax.experimental.pallas import tpu_sc as plsc

N = 10000
E = 320000
D = 128
OUT_C = 128

NC = 2
NS = 16
L = 16
NW = NC * NS

CHUNK = 128
CPT = -(-E // (NW * CHUNK))
EPT = CPT * CHUNK
E_PAD = NW * EPT

RPT = 640
N_PAD = NS * RPT

XPT = 320
XC = 3
XW = (CHUNK, CHUNK, XPT - 2 * CHUNK)

_mesh = plsc.VectorSubcoreMesh(core_axis_name="c", subcore_axis_name="s")
_f32 = jnp.float32


def _deg_gather_body(eint_hbm, xidx_hbm, emb_hbm, degp_hbm, xg_hbm,
                     idx_v, xidx_v, ones_v, xrows_v, deg_sh, sem):
    c = lax.axis_index("c")
    s = lax.axis_index("s")
    w = c * NS + s

    def _fill(val):
        def body(i, carry):
            ones_v[i, :] = jnp.full((L,), val, _f32)
            return carry
        lax.fori_loop(0, CHUNK, body, 0)

    _fill(0.0)
    for k in range(RPT // CHUNK):
        pltpu.sync_copy(ones_v, deg_sh.at[pl.ds(s * RPT + k * CHUNK, CHUNK)])
    _fill(1.0)

    pltpu.sync_copy(xidx_hbm.at[w], xidx_v)
    for k in range(XC):
        pltpu.async_copy(emb_hbm.at[xidx_v.at[k]], xrows_v, sem).wait()
        pltpu.sync_copy(xrows_v.at[pl.ds(0, XW[k])],
                        xg_hbm.at[pl.ds(w * XPT + k * CHUNK, XW[k])])

    plsc.subcore_barrier()

    pltpu.sync_copy(eint_hbm.at[w, 0], idx_v.at[0])

    def _deg_loop(j, carry):
        cur = lax.rem(j, 2)

        @pl.when(j + 1 < CPT)
        def _fetch_next():
            pltpu.async_copy(eint_hbm.at[w, j + 1], idx_v.at[1 - cur], sem)

        pltpu.sync_copy(ones_v, deg_sh.at[idx_v.at[cur, 1]], add=True)

        @pl.when(j + 1 < CPT)
        def _wait_next():
            pltpu.make_async_copy(eint_hbm.at[w, j + 1],
                                  idx_v.at[1 - cur], sem).wait()
        return carry
    lax.fori_loop(0, CPT, _deg_loop, 0)

    plsc.subcore_barrier()
    pltpu.sync_copy(deg_sh.at[pl.ds(s * RPT, RPT)],
                    degp_hbm.at[c, pl.ds(s * RPT, RPT)])


_deg_gather = functools.partial(
    pl.kernel,
    out_type=[
        jax.ShapeDtypeStruct((NC, N_PAD, L), _f32),
        jax.ShapeDtypeStruct((N_PAD, D), _f32),
    ],
    mesh=_mesh,
    scratch_types=[
        pltpu.VMEM((2, 2, CHUNK), jnp.int32),
        pltpu.VMEM((XC, CHUNK), jnp.int32),
        pltpu.VMEM((CHUNK, L), _f32),
        pltpu.VMEM((CHUNK, D), _f32),
        pltpu.VMEM_SHARED((N_PAD, L), _f32),
        pltpu.SemaphoreType.DMA,
    ],
)(_deg_gather_body)


def _hop_body(eint_hbm, y_hbm, out_hbm, idx_v, rows_v, acc_sh, sem_i, sem_g):
    c = lax.axis_index("c")
    s = lax.axis_index("s")
    w = c * NS + s

    def _z(i, carry):
        r = i // (D // L)
        l = i % (D // L)
        rows_v[0, r, pl.ds(l * L, L)] = jnp.zeros((L,), _f32)
        return carry
    lax.fori_loop(0, CHUNK * (D // L), _z, 0)

    for k in range(RPT // CHUNK):
        pltpu.sync_copy(rows_v.at[0],
                        acc_sh.at[pl.ds(s * RPT + k * CHUNK, CHUNK)])

    plsc.subcore_barrier()

    pltpu.sync_copy(eint_hbm.at[w, 0], idx_v.at[0])
    pltpu.async_copy(y_hbm.at[idx_v.at[0, 0]], rows_v.at[0], sem_g)

    def _loop(j, carry):
        cur = lax.rem(j, 2)
        nxt = 1 - cur

        @pl.when(j + 1 < CPT)
        def _fetch_idx():
            pltpu.async_copy(eint_hbm.at[w, j + 1], idx_v.at[nxt], sem_i)
            pltpu.make_async_copy(eint_hbm.at[w, j + 1],
                                  idx_v.at[nxt], sem_i).wait()

        pltpu.make_async_copy(y_hbm.at[idx_v.at[cur, 0]],
                              rows_v.at[cur], sem_g).wait()

        @pl.when(j + 1 < CPT)
        def _gather_next():
            pltpu.async_copy(y_hbm.at[idx_v.at[nxt, 0]], rows_v.at[nxt], sem_g)

        pltpu.sync_copy(rows_v.at[cur], acc_sh.at[idx_v.at[cur, 1]], add=True)
        return carry
    lax.fori_loop(0, CPT, _loop, 0)

    plsc.subcore_barrier()
    pltpu.sync_copy(acc_sh.at[pl.ds(s * RPT, RPT)],
                    out_hbm.at[c, pl.ds(s * RPT, RPT)])


_hop = functools.partial(
    pl.kernel,
    out_type=jax.ShapeDtypeStruct((NC, N_PAD, D), _f32),
    mesh=_mesh,
    scratch_types=[
        pltpu.VMEM((2, 2, CHUNK), jnp.int32),
        pltpu.VMEM((2, CHUNK, D), _f32),
        pltpu.VMEM_SHARED((N_PAD, D), _f32),
        pltpu.SemaphoreType.DMA,
        pltpu.SemaphoreType.DMA,
    ],
)(_hop_body)


def _scale1_body(xg_ref, degp_ref, y_ref, dinv_ref):
    deg = degp_ref[0][:, 0:1] + degp_ref[1][:, 0:1] + 1.0
    dinv = lax.rsqrt(deg)
    dinv_ref[...] = dinv
    y_ref[...] = xg_ref[...] * dinv


_scale1 = pl.pallas_call(
    _scale1_body,
    out_shape=[
        jax.ShapeDtypeStruct((N_PAD, D), _f32),
        jax.ShapeDtypeStruct((N_PAD, 1), _f32),
    ],
)


def _scale2_body(p_ref, y_ref, dinv_ref, z_ref):
    d = dinv_ref[...]
    z_ref[...] = (p_ref[0] + p_ref[1] + y_ref[...]) * (d * d)


_scale2 = pl.pallas_call(
    _scale2_body,
    out_shape=jax.ShapeDtypeStruct((N_PAD, D), _f32),
)


def _final_body(q_ref, z_ref, dinv_ref, w_ref, b_ref, o_ref):
    h = (q_ref[0] + q_ref[1] + z_ref[...]) * dinv_ref[...]
    o_ref[...] = lax.dot_general(
        h, w_ref[...], (((1,), (1,)), ((), ())),
        preferred_element_type=_f32) + b_ref[...]


_final = pl.pallas_call(
    _final_body,
    out_shape=jax.ShapeDtypeStruct((N_PAD, OUT_C), _f32),
)


@jax.jit
def kernel(x_indices, ei, emb_table, W, b):
    i32 = jnp.int32
    src_p = jnp.concatenate(
        [ei[0], jnp.zeros((E_PAD - E,), i32)]).reshape(NW, CPT, CHUNK)
    dst_p = jnp.concatenate(
        [ei[1], jnp.full((E_PAD - E,), N, i32)]).reshape(NW, CPT, CHUNK)
    eint = jnp.stack([src_p, dst_p], axis=2)
    xi = jnp.concatenate(
        [x_indices.astype(i32), jnp.zeros((N_PAD - N,), i32)]).reshape(NW, XPT)
    xi_p = jnp.zeros((NW, XC * CHUNK), i32).at[:, :XPT].set(xi).reshape(
        NW, XC, CHUNK)

    degp, xg = _deg_gather(eint, xi_p, emb_table)
    y, dinv = _scale1(xg, degp)
    p = _hop(eint, y)
    z = _scale2(p, y, dinv)
    q = _hop(eint, z)
    out = _final(q, z, dinv, W, b.reshape(1, OUT_C))
    return out[:N]

# --- scband reference (transcript-rebuilt; emitter-appended) ---
"""Pipeline reference for scband-sgconv-net-48541720379899 (READ-ONLY COPY).

The authoritative reference and input builder live on the scoring server;
editing this copy changes nothing except your own understanding.
"""

import jax, jax.numpy as jnp
import numpy as np

N_NODES = 10000
N_EDGES = 320000
EMB_DIM = 128
OUT_C = 128
K_HOPS = 2


def setup_inputs(seed: int = 0) -> dict:
    key = jax.random.key(seed)
    k1, k2, k3 = jax.random.split(key, 3)
    x_indices = jnp.arange(N_NODES, dtype=jnp.int32)
    ei = jax.random.randint(k1, (2, N_EDGES), 0, N_NODES, dtype=jnp.int32)
    emb_table = jax.random.normal(k2, (N_NODES, EMB_DIM), dtype=jnp.float32)
    W = jax.random.normal(k3, (OUT_C, EMB_DIM), dtype=jnp.float32) * (1.0 / np.sqrt(EMB_DIM))
    b = jnp.zeros((OUT_C,), dtype=jnp.float32)
    return {"x_indices": x_indices, "ei": ei, "emb_table": emb_table, "W": W, "b": b}


def reference(x_indices, ei, emb_table, W, b):
    # Embedding lookup
    x = jnp.take(emb_table, x_indices, axis=0)
    N = x.shape[0]
    # gcn_norm with added self-loops (symmetric normalization), as in PyG SGConv
    loop = jnp.arange(N, dtype=ei.dtype)
    src = jnp.concatenate([ei[0], loop])
    dst = jnp.concatenate([ei[1], loop])
    deg = jnp.zeros((N,), dtype=x.dtype).at[dst].add(1.0)
    deg_inv_sqrt = jnp.where(deg > 0, jax.lax.rsqrt(jnp.maximum(deg, 1e-12)), 0.0)
    norm = deg_inv_sqrt[src] * deg_inv_sqrt[dst]
    # K rounds of propagation: x <- D^-1/2 (A+I) D^-1/2 x
    for _ in range(K_HOPS):
        msgs = norm[:, None] * jnp.take(x, src, axis=0)
        x = jnp.zeros((N, x.shape[1]), dtype=x.dtype).at[dst].add(msgs)
    # Final linear projection (SGConv lin layer, bias=True)
    return x @ W.T + b

if __name__ == "__main__":
    import jax
    _d = setup_inputs()
    print(jax.jit(kernel)(*tuple(_d.values())))

</pallas_src>

<mosaic_0001>
#map = affine_map<(d0, d1) -> (0, 0, 0, 0)>
#map1 = affine_map<(d0, d1) -> (0, 0)>
#map2 = affine_map<(d0, d1) -> (0, 0, 0)>
module attributes {stable_mosaic.version = 14 : i64} {
  func.func @_hop_body(%arg0: i32, %arg1: i32, %arg2: memref<32x79x2x128xi32, #tpu.memory_space<hbm>>, %arg3: memref<10240x128xf32, #tpu.memory_space<hbm>>, %arg4: memref<2x10240x128xf32, #tpu.memory_space<hbm>>, %arg5: memref<2x2x128xi32, #tpu.memory_space<vmem>>, %arg6: memref<2x128x128xf32, #tpu.memory_space<vmem>>, %arg7: memref<10240x128xf32, #tpu.memory_space<vmem_shared>>, %arg8: memref<!tpu.dma_semaphore, #tpu.memory_space<semaphore_mem>>, %arg9: memref<!tpu.dma_semaphore, #tpu.memory_space<semaphore_mem>>) attributes {dimension_semantics = [#tpu.dimension_semantics<core_parallel>, #tpu.dimension_semantics<subcore_parallel>], iteration_bounds = array<i64: 2, 16>, scalar_prefetch = 0 : i64, scratch_operands = 5 : i64, tpu.core_type = #tpu.core_type<sc_vector_subcore>, window_params = [{transform_indices = #map}, {transform_indices = #map1}, {transform_indices = #map2}]} {
    %mul3A = arith.constant 16 : i32
    %mul3A_0 = arith.muli %arg0, %mul3A : i32
    %add3A = arith.addi %mul3A_0, %arg1 : i32
    %scan3A = arith.constant 0 : i32
    %scan3A_1 = arith.constant 0 : i32
    %scan3A_2 = arith.constant 1024 : i32
    %scan3A_3 = arith.addi %scan3A_1, %scan3A_2 : i32
    %scan3A_4 = arith.constant 1 : i32
    scf.for %scan3A_55 = %scan3A_1 to %scan3A_3 step %scan3A_4  : i32 {
      %jit3A = arith.constant 8 : i32
      %div3A = arith.divsi %scan3A_55, %jit3A : i32
      %sign3A = arith.constant 0 : i32
      %sign3A_56 = arith.cmpi sgt, %scan3A_55, %sign3A : i32
      %sign3A_57 = arith.extui %sign3A_56 : i1 to i32
      %sign3A_58 = arith.constant 0 : i32
      %sign3A_59 = arith.cmpi slt, %scan3A_55, %sign3A_58 : i32
      %sign3A_60 = arith.extui %sign3A_59 : i1 to i32
      %sign3A_61 = arith.subi %sign3A_57, %sign3A_60 : i32
      %sign3A_62 = arith.constant 0 : i32
      %sign3A_63 = arith.cmpi sgt, %jit3A, %sign3A_62 : i32
      %sign3A_64 = arith.extui %sign3A_63 : i1 to i32
      %sign3A_65 = arith.constant 0 : i32
      %sign3A_66 = arith.cmpi slt, %jit3A, %sign3A_65 : i32
      %sign3A_67 = arith.extui %sign3A_66 : i1 to i32
      %sign3A_68 = arith.subi %sign3A_64, %sign3A_67 : i32
      %ne3A = arith.cmpi ne, %sign3A_61, %sign3A_68 : i32
      %rem3A = arith.remsi %scan3A_55, %jit3A : i32
      %ne3A_69 = arith.constant 0 : i32
      %ne3A_70 = arith.cmpi ne, %rem3A, %ne3A_69 : i32
      %and3A = arith.andi %ne3A, %ne3A_70 : i1
      %sub3A = arith.constant 1 : i32
      %sub3A_71 = arith.subi %div3A, %sub3A : i32
      %select_n3A = arith.select %and3A, %sub3A_71, %div3A : i32
      %jit3A_72 = arith.constant 8 : i32
      %eq3A = arith.constant 0 : i32
      %eq3A_73 = arith.cmpi eq, %jit3A_72, %eq3A : i32
      %jit3A_74 = arith.constant 1 : i32
      %select_n3A_75 = arith.select %eq3A_73, %jit3A_74, %jit3A_72 : i32
      %rem3A_76 = arith.remsi %scan3A_55, %select_n3A_75 : i32
      %ne3A_77 = arith.constant 0 : i32
      %ne3A_78 = arith.cmpi ne, %rem3A_76, %ne3A_77 : i32
      %lt3A = arith.constant 0 : i32
      %lt3A_79 = arith.cmpi slt, %rem3A_76, %lt3A : i32
      %lt3A_80 = arith.constant 0 : i32
      %lt3A_81 = arith.cmpi slt, %select_n3A_75, %lt3A_80 : i32
      %ne3A_82 = arith.xori %lt3A_79, %lt3A_81 : i1
      %and3A_83 = arith.andi %ne3A_82, %ne3A_78 : i1
      %add3A_84 = arith.addi %rem3A_76, %select_n3A_75 : i32
      %select_n3A_85 = arith.select %and3A_83, %add3A_84, %rem3A_76 : i32
      %broadcast_in_dim3A = arith.constant 0.000000e+00 : f32
      %broadcast_in_dim3A_86 = vector.broadcast %broadcast_in_dim3A : f32 to vector<16xf32>
      %mul3A_87 = arith.constant 16 : i32
      %mul3A_88 = arith.muli %select_n3A_85, %mul3A_87 : i32
      %swap3A = arith.constant 0 : i32
      %swap3A_89 = arith.index_cast %swap3A : i32 to index
      %swap3A_90 = arith.index_cast %select_n3A : i32 to index
      %swap3A_91 = arith.index_cast %mul3A_88 : i32 to index
      %swap3A_92 = tpu.vector_load %arg6[%swap3A_89, %swap3A_90, %swap3A_91] {strides = array<i32>} : memref<2x128x128xf32, #tpu.memory_space<vmem>>, vector<1x1x16xf32>,
      %swap3A_93 = vector.shape_cast %swap3A_92 : vector<1x1x16xf32> to vector<16xf32>
      %swap3A_94 = vector.shape_cast %broadcast_in_dim3A_86 : vector<16xf32> to vector<1x1x16xf32>
      tpu.vector_store %arg6[%swap3A_89, %swap3A_90, %swap3A_91], %swap3A_94 {strides = array<i32>} : memref<2x128x128xf32, #tpu.memory_space<vmem>>, vector<1x1x16xf32>,
    }
    %scan3A_5 = arith.constant 1024 : i32
    %mul3A_6 = arith.constant 640 : i32
    %mul3A_7 = arith.muli %arg1, %mul3A_6 : i32
    %add3A_8 = arith.constant 0 : i32
    %add3A_9 = arith.addi %mul3A_7, %add3A_8 : i32
    %run_scoped3A = arith.constant 0 : i32
    "tpu.region"() ({
      %run_scoped3A_55 = tpu.sem_alloc : memref<!tpu.dma_semaphore, #tpu.memory_space<semaphore_mem>>
      %dma_start3A_56 = arith.constant 0 : i32
      %dma_start3A_57 = arith.constant 0 : i32
      %dma_start3A_58 = tpu.memref_slice %arg6[%run_scoped3A, %dma_start3A_56, %dma_start3A_57] : memref<2x128x128xf32, #tpu.memory_space<vmem>> -> memref<1x128x128xf32, #tpu.memory_space<vmem>>
      %dma_start3A_59 = tpu.memref_squeeze %dma_start3A_58 : memref<1x128x128xf32, #tpu.memory_space<vmem>> -> memref<128x128xf32, #tpu.memory_space<vmem>>
      %dma_start3A_60 = arith.constant 0 : i32
      %dma_start3A_61 = tpu.memref_slice %arg7[%add3A_9, %dma_start3A_60] : memref<10240x128xf32, #tpu.memory_space<vmem_shared>> -> memref<128x128xf32, #tpu.memory_space<vmem_shared>>
      %dma_start3A_62 = arith.constant 0 : i32
      %dma_start3A_63 = tpu.memref_slice %arg7[%add3A_9, %dma_start3A_62] : memref<10240x128xf32, #tpu.memory_space<vmem_shared>> -> memref<128x128xf32, #tpu.memory_space<vmem_shared>>
      %dma_start3A_64 = arith.constant 0 : i32
      %dma_start3A_65 = arith.constant 0 : i32
      %dma_start3A_66 = tpu.memref_slice %arg6[%run_scoped3A, %dma_start3A_64, %dma_start3A_65] : memref<2x128x128xf32, #tpu.memory_space<vmem>> -> memref<1x128x128xf32, #tpu.memory_space<vmem>>
      %dma_start3A_67 = tpu.memref_squeeze %dma_start3A_66 : memref<1x128x128xf32, #tpu.memory_space<vmem>> -> memref<128x128xf32, #tpu.memory_space<vmem>>
      tpu.enqueue_dma source(%dma_start3A_67 : memref<128x128xf32, #tpu.memory_space<vmem>>) target(%dma_start3A_63 : memref<128x128xf32, #tpu.memory_space<vmem_shared>>) target_semaphore(%run_scoped3A_55 : memref<!tpu.dma_semaphore, #tpu.memory_space<semaphore_mem>>)
      %dma_wait3A = arith.constant 0 : i32
      %dma_wait3A_68 = arith.constant 0 : i32
      %dma_wait3A_69 = tpu.memref_slice %arg6[%run_scoped3A, %dma_wait3A, %dma_wait3A_68] : memref<2x128x128xf32, #tpu.memory_space<vmem>> -> memref<1x128x128xf32, #tpu.memory_space<vmem>>
      %dma_wait3A_70 = tpu.memref_squeeze %dma_wait3A_69 : memref<1x128x128xf32, #tpu.memory_space<vmem>> -> memref<128x128xf32, #tpu.memory_space<vmem>>
      %dma_wait3A_71 = arith.constant 0 : i32
      %dma_wait3A_72 = tpu.memref_slice %arg7[%add3A_9, %dma_wait3A_71] : memref<10240x128xf32, #tpu.memory_space<vmem_shared>> -> memref<128x128xf32, #tpu.memory_space<vmem_shared>>
      %dma_wait3A_73 = arith.constant 0 : i32
      %dma_wait3A_74 = tpu.memref_slice %arg7[%add3A_9, %dma_wait3A_73] : memref<10240x128xf32, #tpu.memory_space<vmem_shared>> -> memref<128x128xf32, #tpu.memory_space<vmem_shared>>
      %dma_wait3A_75 = arith.constant 0 : i32
      %dma_wait3A_76 = arith.constant 0 : i32
      %dma_wait3A_77 = tpu.memref_slice %arg6[%run_scoped3A, %dma_wait3A_75, %dma_wait3A_76] : memref<2x128x128xf32, #tpu.memory_space<vmem>> -> memref<1x128x128xf32, #tpu.memory_space<vmem>>
      %dma_wait3A_78 = tpu.memref_squeeze %dma_wait3A_77 : memref<1x128x128xf32, #tpu.memory_space<vmem>> -> memref<128x128xf32, #tpu.memory_space<vmem>>
      tpu.wait_dma2 semaphore(%run_scoped3A_55 : memref<!tpu.dma_semaphore, #tpu.memory_space<semaphore_mem>>) src(%dma_wait3A_78 : memref<128x128xf32, #tpu.memory_space<vmem>>) dst(%dma_wait3A_74 : memref<128x128xf32, #tpu.memory_space<vmem_shared>>)
      tpu.yield
    }) : () -> ()
    %mul3A_10 = arith.constant 640 : i32
    %mul3A_11 = arith.muli %arg1, %mul3A_10 : i32
    %add3A_12 = arith.constant 128 : i32
    %add3A_13 = arith.addi %mul3A_11, %add3A_12 : i32
    %run_scoped3A_14 = arith.constant 0 : i32
    "tpu.region"() ({
      %run_scoped3A_55 = tpu.sem_alloc : memref<!tpu.dma_semaphore, #tpu.memory_space<semaphore_mem>>
      %dma_start3A_56 = arith.constant 0 : i32
      %dma_start3A_57 = arith.constant 0 : i32
      %dma_start3A_58 = tpu.memref_slice %arg6[%run_scoped3A_14, %dma_start3A_56, %dma_start3A_57] : memref<2x128x128xf32, #tpu.memory_space<vmem>> -> memref<1x128x128xf32, #tpu.memory_space<vmem>>
      %dma_start3A_59 = tpu.memref_squeeze %dma_start3A_58 : memref<1x128x128xf32, #tpu.memory_space<vmem>> -> memref<128x128xf32, #tpu.memory_space<vmem>>
      %dma_start3A_60 = arith.constant 0 : i32
      %dma_start3A_61 = tpu.memref_slice %arg7[%add3A_13, %dma_start3A_60] : memref<10240x128xf32, #tpu.memory_space<vmem_shared>> -> memref<128x128xf32, #tpu.memory_space<vmem_shared>>
      %dma_start3A_62 = arith.constant 0 : i32
      %dma_start3A_63 = tpu.memref_slice %arg7[%add3A_13, %dma_start3A_62] : memref<10240x128xf32, #tpu.memory_space<vmem_shared>> -> memref<128x128xf32, #tpu.memory_space<vmem_shared>>
      %dma_start3A_64 = arith.constant 0 : i32
      %dma_start3A_65 = arith.constant 0 : i32
      %dma_start3A_66 = tpu.memref_slice %arg6[%run_scoped3A_14, %dma_start3A_64, %dma_start3A_65] : memref<2x128x128xf32, #tpu.memory_space<vmem>> -> memref<1x128x128xf32, #tpu.memory_space<vmem>>
      %dma_start3A_67 = tpu.memref_squeeze %dma_start3A_66 : memref<1x128x128xf32, #tpu.memory_space<vmem>> -> memref<128x128xf32, #tpu.memory_space<vmem>>
      tpu.enqueue_dma source(%dma_start3A_67 : memref<128x128xf32, #tpu.memory_space<vmem>>) target(%dma_start3A_63 : memref<128x128xf32, #tpu.memory_space<vmem_shared>>) target_semaphore(%run_scoped3A_55 : memref<!tpu.dma_semaphore, #tpu.memory_space<semaphore_mem>>)
      %dma_wait3A = arith.constant 0 : i32
      %dma_wait3A_68 = arith.constant 0 : i32
      %dma_wait3A_69 = tpu.memref_slice %arg6[%run_scoped3A_14, %dma_wait3A, %dma_wait3A_68] : memref<2x128x128xf32, #tpu.memory_space<vmem>> -> memref<1x128x128xf32, #tpu.memory_space<vmem>>
      %dma_wait3A_70 = tpu.memref_squeeze %dma_wait3A_69 : memref<1x128x128xf32, #tpu.memory_space<vmem>> -> memref<128x128xf32, #tpu.memory_space<vmem>>
      %dma_wait3A_71 = arith.constant 0 : i32
      %dma_wait3A_72 = tpu.memref_slice %arg7[%add3A_13, %dma_wait3A_71] : memref<10240x128xf32, #tpu.memory_space<vmem_shared>> -> memref<128x128xf32, #tpu.memory_space<vmem_shared>>
      %dma_wait3A_73 = arith.constant 0 : i32
      %dma_wait3A_74 = tpu.memref_slice %arg7[%add3A_13, %dma_wait3A_73] : memref<10240x128xf32, #tpu.memory_space<vmem_shared>> -> memref<128x128xf32, #tpu.memory_space<vmem_shared>>
      %dma_wait3A_75 = arith.constant 0 : i32
      %dma_wait3A_76 = arith.constant 0 : i32
      %dma_wait3A_77 = tpu.memref_slice %arg6[%run_scoped3A_14, %dma_wait3A_75, %dma_wait3A_76] : memref<2x128x128xf32, #tpu.memory_space<vmem>> -> memref<1x128x128xf32, #tpu.memory_space<vmem>>
      %dma_wait3A_78 = tpu.memref_squeeze %dma_wait3A_77 : memref<1x128x128xf32, #tpu.memory_space<vmem>> -> memref<128x128xf32, #tpu.memory_space<vmem>>
      tpu.wait_dma2 semaphore(%run_scoped3A_55 : memref<!tpu.dma_semaphore, #tpu.memory_space<semaphore_mem>>) src(%dma_wait3A_78 : memref<128x128xf32, #tpu.memory_space<vmem>>) dst(%dma_wait3A_74 : memref<128x128xf32, #tpu.memory_space<vmem_shared>>)
      tpu.yield
    }) : () -> ()
    %mul3A_15 = arith.constant 640 : i32
    %mul3A_16 = arith.muli %arg1, %mul3A_15 : i32
    %add3A_17 = arith.constant 256 : i32
    %add3A_18 = arith.addi %mul3A_16, %add3A_17 : i32
    %run_scoped3A_19 = arith.constant 0 : i32
    "tpu.region"() ({
      %run_scoped3A_55 = tpu.sem_alloc : memref<!tpu.dma_semaphore, #tpu.memory_space<semaphore_mem>>
      %dma_start3A_56 = arith.constant 0 : i32
      %dma_start3A_57 = arith.constant 0 : i32
      %dma_start3A_58 = tpu.memref_slice %arg6[%run_scoped3A_19, %dma_start3A_56, %dma_start3A_57] : memref<2x128x128xf32, #tpu.memory_space<vmem>> -> memref<1x128x128xf32, #tpu.memory_space<vmem>>
      %dma_start3A_59 = tpu.memref_squeeze %dma_start3A_58 : memref<1x128x128xf32, #tpu.memory_space<vmem>> -> memref<128x128xf32, #tpu.memory_space<vmem>>
      %dma_start3A_60 = arith.constant 0 : i32
      %dma_start3A_61 = tpu.memref_slice %arg7[%add3A_18, %dma_start3A_60] : memref<10240x128xf32, #tpu.memory_space<vmem_shared>> -> memref<128x128xf32, #tpu.memory_space<vmem_shared>>
      %dma_start3A_62 = arith.constant 0 : i32
      %dma_start3A_63 = tpu.memref_slice %arg7[%add3A_18, %dma_start3A_62] : memref<10240x128xf32, #tpu.memory_space<vmem_shared>> -> memref<128x128xf32, #tpu.memory_space<vmem_shared>>
      %dma_start3A_64 = arith.constant 0 : i32
      %dma_start3A_65 = arith.constant 0 : i32
      %dma_start3A_66 = tpu.memref_slice %arg6[%run_scoped3A_19, %dma_start3A_64, %dma_start3A_65] : memref<2x128x128xf32, #tpu.memory_space<vmem>> -> memref<1x128x128xf32, #tpu.memory_space<vmem>>
      %dma_start3A_67 = tpu.memref_squeeze %dma_start3A_66 : memref<1x128x128xf32, #tpu.memory_space<vmem>> -> memref<128x128xf32, #tpu.memory_space<vmem>>
      tpu.enqueue_dma source(%dma_start3A_67 : memref<128x128xf32, #tpu.memory_space<vmem>>) target(%dma_start3A_63 : memref<128x128xf32, #tpu.memory_space<vmem_shared>>) target_semaphore(%run_scoped3A_55 : memref<!tpu.dma_semaphore, #tpu.memory_space<semaphore_mem>>)
      %dma_wait3A = arith.constant 0 : i32
      %dma_wait3A_68 = arith.constant 0 : i32
      %dma_wait3A_69 = tpu.memref_slice %arg6[%run_scoped3A_19, %dma_wait3A, %dma_wait3A_68] : memref<2x128x128xf32, #tpu.memory_space<vmem>> -> memref<1x128x128xf32, #tpu.memory_space<vmem>>
      %dma_wait3A_70 = tpu.memref_squeeze %dma_wait3A_69 : memref<1x128x128xf32, #tpu.memory_space<vmem>> -> memref<128x128xf32, #tpu.memory_space<vmem>>
      %dma_wait3A_71 = arith.constant 0 : i32
      %dma_wait3A_72 = tpu.memref_slice %arg7[%add3A_18, %dma_wait3A_71] : memref<10240x128xf32, #tpu.memory_space<vmem_shared>> -> memref<128x128xf32, #tpu.memory_space<vmem_shared>>
      %dma_wait3A_73 = arith.constant 0 : i32
      %dma_wait3A_74 = tpu.memref_slice %arg7[%add3A_18, %dma_wait3A_73] : memref<10240x128xf32, #tpu.memory_space<vmem_shared>> -> memref<128x128xf32, #tpu.memory_space<vmem_shared>>
      %dma_wait3A_75 = arith.constant 0 : i32
      %dma_wait3A_76 = arith.constant 0 : i32
      %dma_wait3A_77 = tpu.memref_slice %arg6[%run_scoped3A_19, %dma_wait3A_75, %dma_wait3A_76] : memref<2x128x128xf32, #tpu.memory_space<vmem>> -> memref<1x128x128xf32, #tpu.memory_space<vmem>>
      %dma_wait3A_78 = tpu.memref_squeeze %dma_wait3A_77 : memref<1x128x128xf32, #tpu.memory_space<vmem>> -> memref<128x128xf32, #tpu.memory_space<vmem>>
      tpu.wait_dma2 semaphore(%run_scoped3A_55 : memref<!tpu.dma_semaphore, #tpu.memory_space<semaphore_mem>>) src(%dma_wait3A_78 : memref<128x128xf32, #tpu.memory_space<vmem>>) dst(%dma_wait3A_74 : memref<128x128xf32, #tpu.memory_space<vmem_shared>>)
      tpu.yield
    }) : () -> ()
    %mul3A_20 = arith.constant 640 : i32
    %mul3A_21 = arith.muli %arg1, %mul3A_20 : i32
    %add3A_22 = arith.constant 384 : i32
    %add3A_23 = arith.addi %mul3A_21, %add3A_22 : i32
    %run_scoped3A_24 = arith.constant 0 : i32
    "tpu.region"() ({
      %run_scoped3A_55 = tpu.sem_alloc : memref<!tpu.dma_semaphore, #tpu.memory_space<semaphore_mem>>
      %dma_start3A_56 = arith.constant 0 : i32
      %dma_start3A_57 = arith.constant 0 : i32
      %dma_start3A_58 = tpu.memref_slice %arg6[%run_scoped3A_24, %dma_start3A_56, %dma_start3A_57] : memref<2x128x128xf32, #tpu.memory_space<vmem>> -> memref<1x128x128xf32, #tpu.memory_space<vmem>>
      %dma_start3A_59 = tpu.memref_squeeze %dma_start3A_58 : memref<1x128x128xf32, #tpu.memory_space<vmem>> -> memref<128x128xf32, #tpu.memory_space<vmem>>
      %dma_start3A_60 = arith.constant 0 : i32
      %dma_start3A_61 = tpu.memref_slice %arg7[%add3A_23, %dma_start3A_60] : memref<10240x128xf32, #tpu.memory_space<vmem_shared>> -> memref<128x128xf32, #tpu.memory_space<vmem_shared>>
      %dma_start3A_62 = arith.constant 0 : i32
      %dma_start3A_63 = tpu.memref_slice %arg7[%add3A_23, %dma_start3A_62] : memref<10240x128xf32, #tpu.memory_space<vmem_shared>> -> memref<128x128xf32, #tpu.memory_space<vmem_shared>>
      %dma_start3A_64 = arith.constant 0 : i32
      %dma_start3A_65 = arith.constant 0 : i32
      %dma_start3A_66 = tpu.memref_slice %arg6[%run_scoped3A_24, %dma_start3A_64, %dma_start3A_65] : memref<2x128x128xf32, #tpu.memory_space<vmem>> -> memref<1x128x128xf32, #tpu.memory_space<vmem>>
      %dma_start3A_67 = tpu.memref_squeeze %dma_start3A_66 : memref<1x128x128xf32, #tpu.memory_space<vmem>> -> memref<128x128xf32, #tpu.memory_space<vmem>>
      tpu.enqueue_dma source(%dma_start3A_67 : memref<128x128xf32, #tpu.memory_space<vmem>>) target(%dma_start3A_63 : memref<128x128xf32, #tpu.memory_space<vmem_shared>>) target_semaphore(%run_scoped3A_55 : memref<!tpu.dma_semaphore, #tpu.memory_space<semaphore_mem>>)
      %dma_wait3A = arith.constant 0 : i32
      %dma_wait3A_68 = arith.constant 0 : i32
      %dma_wait3A_69 = tpu.memref_slice %arg6[%run_scoped3A_24, %dma_wait3A, %dma_wait3A_68] : memref<2x128x128xf32, #tpu.memory_space<vmem>> -> memref<1x128x128xf32, #tpu.memory_space<vmem>>
      %dma_wait3A_70 = tpu.memref_squeeze %dma_wait3A_69 : memref<1x128x128xf32, #tpu.memory_space<vmem>> -> memref<128x128xf32, #tpu.memory_space<vmem>>
      %dma_wait3A_71 = arith.constant 0 : i32
      %dma_wait3A_72 = tpu.memref_slice %arg7[%add3A_23, %dma_wait3A_71] : memref<10240x128xf32, #tpu.memory_space<vmem_shared>> -> memref<128x128xf32, #tpu.memory_space<vmem_shared>>
      %dma_wait3A_73 = arith.constant 0 : i32
      %dma_wait3A_74 = tpu.memref_slice %arg7[%add3A_23, %dma_wait3A_73] : memref<10240x128xf32, #tpu.memory_space<vmem_shared>> -> memref<128x128xf32, #tpu.memory_space<vmem_shared>>
      %dma_wait3A_75 = arith.constant 0 : i32
      %dma_wait3A_76 = arith.constant 0 : i32
      %dma_wait3A_77 = tpu.memref_slice %arg6[%run_scoped3A_24, %dma_wait3A_75, %dma_wait3A_76] : memref<2x128x128xf32, #tpu.memory_space<vmem>> -> memref<1x128x128xf32, #tpu.memory_space<vmem>>
      %dma_wait3A_78 = tpu.memref_squeeze %dma_wait3A_77 : memref<1x128x128xf32, #tpu.memory_space<vmem>> -> memref<128x128xf32, #tpu.memory_space<vmem>>
      tpu.wait_dma2 semaphore(%run_scoped3A_55 : memref<!tpu.dma_semaphore, #tpu.memory_space<semaphore_mem>>) src(%dma_wait3A_78 : memref<128x128xf32, #tpu.memory_space<vmem>>) dst(%dma_wait3A_74 : memref<128x128xf32, #tpu.memory_space<vmem_shared>>)
      tpu.yield
    }) : () -> ()
    %mul3A_25 = arith.constant 640 : i32
    %mul3A_26 = arith.muli %arg1, %mul3A_25 : i32
    %add3A_27 = arith.constant 512 : i32
    %add3A_28 = arith.addi %mul3A_26, %add3A_27 : i32
    %run_scoped3A_29 = arith.constant 0 : i32
    "tpu.region"() ({
      %run_scoped3A_55 = tpu.sem_alloc : memref<!tpu.dma_semaphore, #tpu.memory_space<semaphore_mem>>
      %dma_start3A_56 = arith.constant 0 : i32
      %dma_start3A_57 = arith.constant 0 : i32
      %dma_start3A_58 = tpu.memref_slice %arg6[%run_scoped3A_29, %dma_start3A_56, %dma_start3A_57] : memref<2x128x128xf32, #tpu.memory_space<vmem>> -> memref<1x128x128xf32, #tpu.memory_space<vmem>>
      %dma_start3A_59 = tpu.memref_squeeze %dma_start3A_58 : memref<1x128x128xf32, #tpu.memory_space<vmem>> -> memref<128x128xf32, #tpu.memory_space<vmem>>
      %dma_start3A_60 = arith.constant 0 : i32
      %dma_start3A_61 = tpu.memref_slice %arg7[%add3A_28, %dma_start3A_60] : memref<10240x128xf32, #tpu.memory_space<vmem_shared>> -> memref<128x128xf32, #tpu.memory_space<vmem_shared>>
      %dma_start3A_62 = arith.constant 0 : i32
      %dma_start3A_63 = tpu.memref_slice %arg7[%add3A_28, %dma_start3A_62] : memref<10240x128xf32, #tpu.memory_space<vmem_shared>> -> memref<128x128xf32, #tpu.memory_space<vmem_shared>>
      %dma_start3A_64 = arith.constant 0 : i32
      %dma_start3A_65 = arith.constant 0 : i32
      %dma_start3A_66 = tpu.memref_slice %arg6[%run_scoped3A_29, %dma_start3A_64, %dma_start3A_65] : memref<2x128x128xf32, #tpu.memory_space<vmem>> -> memref<1x128x128xf32, #tpu.memory_space<vmem>>
      %dma_start3A_67 = tpu.memref_squeeze %dma_start3A_66 : memref<1x128x128xf32, #tpu.memory_space<vmem>> -> memref<128x128xf32, #tpu.memory_space<vmem>>
      tpu.enqueue_dma source(%dma_start3A_67 : memref<128x128xf32, #tpu.memory_space<vmem>>) target(%dma_start3A_63 : memref<128x128xf32, #tpu.memory_space<vmem_shared>>) target_semaphore(%run_scoped3A_55 : memref<!tpu.dma_semaphore, #tpu.memory_space<semaphore_mem>>)
      %dma_wait3A = arith.constant 0 : i32
      %dma_wait3A_68 = arith.constant 0 : i32
      %dma_wait3A_69 = tpu.memref_slice %arg6[%run_scoped3A_29, %dma_wait3A, %dma_wait3A_68] : memref<2x128x128xf32, #tpu.memory_space<vmem>> -> memref<1x128x128xf32, #tpu.memory_space<vmem>>
      %dma_wait3A_70 = tpu.memref_squeeze %dma_wait3A_69 : memref<1x128x128xf32, #tpu.memory_space<vmem>> -> memref<128x128xf32, #tpu.memory_space<vmem>>
      %dma_wait3A_71 = arith.constant 0 : i32
      %dma_wait3A_72 = tpu.memref_slice %arg7[%add3A_28, %dma_wait3A_71] : memref<10240x128xf32, #tpu.memory_space<vmem_shared>> -> memref<128x128xf32, #tpu.memory_space<vmem_shared>>
      %dma_wait3A_73 = arith.constant 0 : i32
      %dma_wait3A_74 = tpu.memref_slice %arg7[%add3A_28, %dma_wait3A_73] : memref<10240x128xf32, #tpu.memory_space<vmem_shared>> -> memref<128x128xf32, #tpu.memory_space<vmem_shared>>
      %dma_wait3A_75 = arith.constant 0 : i32
      %dma_wait3A_76 = arith.constant 0 : i32
      %dma_wait3A_77 = tpu.memref_slice %arg6[%run_scoped3A_29, %dma_wait3A_75, %dma_wait3A_76] : memref<2x128x128xf32, #tpu.memory_space<vmem>> -> memref<1x128x128xf32, #tpu.memory_space<vmem>>
      %dma_wait3A_78 = tpu.memref_squeeze %dma_wait3A_77 : memref<1x128x128xf32, #tpu.memory_space<vmem>> -> memref<128x128xf32, #tpu.memory_space<vmem>>
      tpu.wait_dma2 semaphore(%run_scoped3A_55 : memref<!tpu.dma_semaphore, #tpu.memory_space<semaphore_mem>>) src(%dma_wait3A_78 : memref<128x128xf32, #tpu.memory_space<vmem>>) dst(%dma_wait3A_74 : memref<128x128xf32, #tpu.memory_space<vmem_shared>>)
      tpu.yield
    }) : () -> ()
    %barrier3A = arith.constant 0 : index
    tpu.barrier barrier_id(%barrier3A)
    %run_scoped3A_30 = arith.constant 0 : i32
    %run_scoped3A_31 = arith.constant 0 : i32
    "tpu.region"() ({
      %run_scoped3A_55 = tpu.sem_alloc : memref<!tpu.dma_semaphore, #tpu.memory_space<semaphore_mem>>
      %dma_start3A_56 = arith.constant 0 : i32
      %dma_start3A_57 = arith.constant 0 : i32
      %dma_start3A_58 = tpu.memref_slice %arg5[%run_scoped3A_31, %dma_start3A_56, %dma_start3A_57] : memref<2x2x128xi32, #tpu.memory_space<vmem>> -> memref<1x2x128xi32, #tpu.memory_space<vmem>>
      %dma_start3A_59 = tpu.memref_squeeze %dma_start3A_58 : memref<1x2x128xi32, #tpu.memory_space<vmem>> -> memref<2x128xi32, #tpu.memory_space<vmem>>
      %dma_start3A_60 = arith.constant 0 : i32
      %dma_start3A_61 = arith.constant 0 : i32
      %dma_start3A_62 = tpu.memref_slice %arg2[%add3A, %run_scoped3A_30, %dma_start3A_60, %dma_start3A_61] : memref<32x79x2x128xi32, #tpu.memory_space<hbm>> -> memref<1x1x2x128xi32, #tpu.memory_space<hbm>>
      %dma_start3A_63 = tpu.memref_squeeze %dma_start3A_62 : memref<1x1x2x128xi32, #tpu.memory_space<hbm>> -> memref<2x128xi32, #tpu.memory_space<hbm>>
      %dma_start3A_64 = arith.constant 0 : i32
      %dma_start3A_65 = arith.constant 0 : i32
      %dma_start3A_66 = tpu.memref_slice %arg5[%run_scoped3A_31, %dma_start3A_64, %dma_start3A_65] : memref<2x2x128xi32, #tpu.memory_space<vmem>> -> memref<1x2x128xi32, #tpu.memory_space<vmem>>
      %dma_start3A_67 = tpu.memref_squeeze %dma_start3A_66 : memref<1x2x128xi32, #tpu.memory_space<vmem>> -> memref<2x128xi32, #tpu.memory_space<vmem>>
      %dma_start3A_68 = arith.constant 0 : i32
      %dma_start3A_69 = arith.constant 0 : i32
      %dma_start3A_70 = tpu.memref_slice %arg2[%add3A, %run_scoped3A_30, %dma_start3A_68, %dma_start3A_69] : memref<32x79x2x128xi32, #tpu.memory_space<hbm>> -> memref<1x1x2x128xi32, #tpu.memory_space<hbm>>
      %dma_start3A_71 = tpu.memref_squeeze %dma_start3A_70 : memref<1x1x2x128xi32, #tpu.memory_space<hbm>> -> memref<2x128xi32, #tpu.memory_space<hbm>>
      tpu.enqueue_dma source(%dma_start3A_71 : memref<2x128xi32, #tpu.memory_space<hbm>>) target(%dma_start3A_67 : memref<2x128xi32, #tpu.memory_space<vmem>>) target_semaphore(%run_scoped3A_55 : memref<!tpu.dma_semaphore, #tpu.memory_space<semaphore_mem>>)
      %dma_wait3A = arith.constant 0 : i32
      %dma_wait3A_72 = arith.constant 0 : i32
      %dma_wait3A_73 = tpu.memref_slice %arg5[%run_scoped3A_31, %dma_wait3A, %dma_wait3A_72] : memref<2x2x128xi32, #tpu.memory_space<vmem>> -> memref<1x2x128xi32, #tpu.memory_space<vmem>>
      %dma_wait3A_74 = tpu.memref_squeeze %dma_wait3A_73 : memref<1x2x128xi32, #tpu.memory_space<vmem>> -> memref<2x128xi32, #tpu.memory_space<vmem>>
      %dma_wait3A_75 = arith.constant 0 : i32
      %dma_wait3A_76 = arith.constant 0 : i32
      %dma_wait3A_77 = tpu.memref_slice %arg2[%add3A, %run_scoped3A_30, %dma_wait3A_75, %dma_wait3A_76] : memref<32x79x2x128xi32, #tpu.memory_space<hbm>> -> memref<1x1x2x128xi32, #tpu.memory_space<hbm>>
      %dma_wait3A_78 = tpu.memref_squeeze %dma_wait3A_77 : memref<1x1x2x128xi32, #tpu.memory_space<hbm>> -> memref<2x128xi32, #tpu.memory_space<hbm>>
      %dma_wait3A_79 = arith.constant 0 : i32
      %dma_wait3A_80 = arith.constant 0 : i32
      %dma_wait3A_81 = tpu.memref_slice %arg5[%run_scoped3A_31, %dma_wait3A_79, %dma_wait3A_80] : memref<2x2x128xi32, #tpu.memory_space<vmem>> -> memref<1x2x128xi32, #tpu.memory_space<vmem>>
      %dma_wait3A_82 = tpu.memref_squeeze %dma_wait3A_81 : memref<1x2x128xi32, #tpu.memory_space<vmem>> -> memref<2x128xi32, #tpu.memory_space<vmem>>
      %dma_wait3A_83 = arith.constant 0 : i32
      %dma_wait3A_84 = arith.constant 0 : i32
      %dma_wait3A_85 = tpu.memref_slice %arg2[%add3A, %run_scoped3A_30, %dma_wait3A_83, %dma_wait3A_84] : memref<32x79x2x128xi32, #tpu.memory_space<hbm>> -> memref<1x1x2x128xi32, #tpu.memory_space<hbm>>
      %dma_wait3A_86 = tpu.memref_squeeze %dma_wait3A_85 : memref<1x1x2x128xi32, #tpu.memory_space<hbm>> -> memref<2x128xi32, #tpu.memory_space<hbm>>
      tpu.wait_dma2 semaphore(%run_scoped3A_55 : memref<!tpu.dma_semaphore, #tpu.memory_space<semaphore_mem>>) src(%dma_wait3A_86 : memref<2x128xi32, #tpu.memory_space<hbm>>) dst(%dma_wait3A_82 : memref<2x128xi32, #tpu.memory_space<vmem>>)
      tpu.yield
    }) : () -> ()
    %dma_start3A = arith.constant 0 : i32
    %dma_start3A_32 = arith.constant 0 : i32
    %dma_start3A_33 = arith.constant 0 : i32
    %dma_start3A_34 = arith.constant 0 : i32
    %dma_start3A_35 = arith.constant 0 : i32
    %dma_start3A_36 = tpu.memref_slice %arg6[%dma_start3A_33, %dma_start3A_34, %dma_start3A_35] : memref<2x128x128xf32, #tpu.memory_space<vmem>> -> memref<1x128x128xf32, #tpu.memory_space<vmem>>
    %dma_start3A_37 = tpu.memref_squeeze %dma_start3A_36 : memref<1x128x128xf32, #tpu.memory_space<vmem>> -> memref<128x128xf32, #tpu.memory_space<vmem>>
    %dma_start3A_38 = arith.constant 0 : i32
    %dma_start3A_39 = tpu.memref_slice %arg5[%dma_start3A, %dma_start3A_32, %dma_start3A_38] : memref<2x2x128xi32, #tpu.memory_space<vmem>> -> memref<1x1x128xi32, #tpu.memory_space<vmem>>
    %dma_start3A_40 = tpu.memref_squeeze %dma_start3A_39 : memref<1x1x128xi32, #tpu.memory_space<vmem>> -> memref<128xi32, #tpu.memory_space<vmem>>
    %dma_start3A_41 = arith.constant 0 : i32
    %dma_start3A_42 = arith.constant 0 : i32
    %dma_start3A_43 = tpu.memref_slice %arg3[%dma_start3A_41, %dma_start3A_42] : memref<10240x128xf32, #tpu.memory_space<hbm>> -> memref<10240x128xf32, #tpu.memory_space<hbm>>
    tpu.enqueue_indirect_dma source(%dma_start3A_43 : memref<10240x128xf32, #tpu.memory_space<hbm>>) target(%dma_start3A_37 : memref<128x128xf32, #tpu.memory_space<vmem>>) offsets(%dma_start3A_40 : memref<128xi32, #tpu.memory_space<vmem>>) semaphore(%arg9 : memref<!tpu.dma_semaphore, #tpu.memory_space<semaphore_mem>>)
    %scan3A_44 = arith.constant 0 : i32
    %scan3A_45 = arith.constant 0 : i32
    %scan3A_46 = arith.constant 79 : i32
    %scan3A_47 = arith.addi %scan3A_45, %scan3A_46 : i32
    %scan3A_48 = arith.constant 1 : i32
    scf.for %scan3A_55 = %scan3A_45 to %scan3A_47 step %scan3A_48  : i32 {
      %rem3A = arith.constant 2 : i32
      %rem3A_56 = arith.remsi %scan3A_55, %rem3A : i32
      %sub3A = arith.constant 1 : i32
      %sub3A_57 = arith.subi %sub3A, %rem3A_56 : i32
      %add3A_58 = arith.constant 1 : i32
      %add3A_59 = arith.addi %scan3A_55, %add3A_58 : i32
      %lt3A = arith.constant 79 : i32
      %lt3A_60 = arith.cmpi slt, %add3A_59, %lt3A : i32
      %convert_element_type3A = arith.extui %lt3A_60 : i1 to i32
      %cond3A = arith.constant 0 : i32
      %cond3A_61 = arith.cmpi ne, %convert_element_type3A, %cond3A : i32
      scf.if %cond3A_61 {
        %add3A_80 = arith.constant 1 : i32
        %add3A_81 = arith.addi %scan3A_55, %add3A_80 : i32
        %dma_start3A_82 = arith.constant 0 : i32
        %dma_start3A_83 = arith.constant 0 : i32
        %dma_start3A_84 = tpu.memref_slice %arg5[%sub3A_57, %dma_start3A_82, %dma_start3A_83] : memref<2x2x128xi32, #tpu.memory_space<vmem>> -> memref<1x2x128xi32, #tpu.memory_space<vmem>>
        %dma_start3A_85 = tpu.memref_squeeze %dma_start3A_84 : memref<1x2x128xi32, #tpu.memory_space<vmem>> -> memref<2x128xi32, #tpu.memory_space<vmem>>
        %dma_start3A_86 = arith.constant 0 : i32
        %dma_start3A_87 = arith.constant 0 : i32
        %dma_start3A_88 = tpu.memref_slice %arg2[%add3A, %add3A_81, %dma_start3A_86, %dma_start3A_87] : memref<32x79x2x128xi32, #tpu.memory_space<hbm>> -> memref<1x1x2x128xi32, #tpu.memory_space<hbm>>
        %dma_start3A_89 = tpu.memref_squeeze %dma_start3A_88 : memref<1x1x2x128xi32, #tpu.memory_space<hbm>> -> memref<2x128xi32, #tpu.memory_space<hbm>>
        %dma_start3A_90 = arith.constant 0 : i32
        %dma_start3A_91 = arith.constant 0 : i32
        %dma_start3A_92 = tpu.memref_slice %arg5[%sub3A_57, %dma_start3A_90, %dma_start3A_91] : memref<2x2x128xi32, #tpu.memory_space<vmem>> -> memref<1x2x128xi32, #tpu.memory_space<vmem>>
        %dma_start3A_93 = tpu.memref_squeeze %dma_start3A_92 : memref<1x2x128xi32, #tpu.memory_space<vmem>> -> memref<2x128xi32, #tpu.memory_space<vmem>>
        %dma_start3A_94 = arith.constant 0 : i32
        %dma_start3A_95 = arith.constant 0 : i32
        %dma_start3A_96 = tpu.memref_slice %arg2[%add3A, %add3A_81, %dma_start3A_94, %dma_start3A_95] : memref<32x79x2x128xi32, #tpu.memory_space<hbm>> -> memref<1x1x2x128xi32, #tpu.memory_space<hbm>>
        %dma_start3A_97 = tpu.memref_squeeze %dma_start3A_96 : memref<1x1x2x128xi32, #tpu.memory_space<hbm>> -> memref<2x128xi32, #tpu.memory_space<hbm>>
        tpu.enqueue_dma source(%dma_start3A_97 : memref<2x128xi32, #tpu.memory_space<hbm>>) target(%dma_start3A_93 : memref<2x128xi32, #tpu.memory_space<vmem>>) target_semaphore(%arg8 : memref<!tpu.dma_semaphore, #tpu.memory_space<semaphore_mem>>)
        %add3A_98 = arith.constant 1 : i32
        %add3A_99 = arith.addi %scan3A_55, %add3A_98 : i32
        %dma_wait3A_100 = arith.constant 0 : i32
        %dma_wait3A_101 = arith.constant 0 : i32
        %dma_wait3A_102 = tpu.memref_slice %arg5[%sub3A_57, %dma_wait3A_100, %dma_wait3A_101] : memref<2x2x128xi32, #tpu.memory_space<vmem>> -> memref<1x2x128xi32, #tpu.memory_space<vmem>>
        %dma_wait3A_103 = tpu.memref_squeeze %dma_wait3A_102 : memref<1x2x128xi32, #tpu.memory_space<vmem>> -> memref<2x128xi32, #tpu.memory_space<vmem>>
        %dma_wait3A_104 = arith.constant 0 : i32
        %dma_wait3A_105 = arith.constant 0 : i32
        %dma_wait3A_106 = tpu.memref_slice %arg2[%add3A, %add3A_99, %dma_wait3A_104, %dma_wait3A_105] : memref<32x79x2x128xi32, #tpu.memory_space<hbm>> -> memref<1x1x2x128xi32, #tpu.memory_space<hbm>>
        %dma_wait3A_107 = tpu.memref_squeeze %dma_wait3A_106 : memref<1x1x2x128xi32, #tpu.memory_space<hbm>> -> memref<2x128xi32, #tpu.memory_space<hbm>>
        %dma_wait3A_108 = arith.constant 0 : i32
        %dma_wait3A_109 = arith.constant 0 : i32
        %dma_wait3A_110 = tpu.memref_slice %arg5[%sub3A_57, %dma_wait3A_108, %dma_wait3A_109] : memref<2x2x128xi32, #tpu.memory_space<vmem>> -> memref<1x2x128xi32, #tpu.memory_space<vmem>>
        %dma_wait3A_111 = tpu.memref_squeeze %dma_wait3A_110 : memref<1x2x128xi32, #tpu.memory_space<vmem>> -> memref<2x128xi32, #tpu.memory_space<vmem>>
        %dma_wait3A_112 = arith.constant 0 : i32
        %dma_wait3A_113 = arith.constant 0 : i32
        %dma_wait3A_114 = tpu.memref_slice %arg2[%add3A, %add3A_99, %dma_wait3A_112, %dma_wait3A_113] : memref<32x79x2x128xi32, #tpu.memory_space<hbm>> -> memref<1x1x2x128xi32, #tpu.memory_space<hbm>>
        %dma_wait3A_115 = tpu.memref_squeeze %dma_wait3A_114 : memref<1x1x2x128xi32, #tpu.memory_space<hbm>> -> memref<2x128xi32, #tpu.memory_space<hbm>>
        tpu.wait_dma2 semaphore(%arg8 : memref<!tpu.dma_semaphore, #tpu.memory_space<semaphore_mem>>) src(%dma_wait3A_115 : memref<2x128xi32, #tpu.memory_space<hbm>>) dst(%dma_wait3A_111 : memref<2x128xi32, #tpu.memory_space<vmem>>)
      } else {
      }
      %dma_wait3A = arith.constant 0 : i32
      %dma_wait3A_62 = arith.constant 0 : i32
      %dma_wait3A_63 = arith.constant 0 : i32
      %dma_wait3A_64 = tpu.memref_slice %arg6[%rem3A_56, %dma_wait3A_62, %dma_wait3A_63] : memref<2x128x128xf32, #tpu.memory_space<vmem>> -> memref<1x128x128xf32, #tpu.memory_space<vmem>>
      %dma_wait3A_65 = tpu.memref_squeeze %dma_wait3A_64 : memref<1x128x128xf32, #tpu.memory_space<vmem>> -> memref<128x128xf32, #tpu.memory_space<vmem>>
      %dma_wait3A_66 = arith.constant 0 : i32
      %dma_wait3A_67 = tpu.memref_slice %arg5[%rem3A_56, %dma_wait3A, %dma_wait3A_66] : memref<2x2x128xi32, #tpu.memory_space<vmem>> -> memref<1x1x128xi32, #tpu.memory_space<vmem>>
      %dma_wait3A_68 = tpu.memref_squeeze %dma_wait3A_67 : memref<1x1x128xi32, #tpu.memory_space<vmem>> -> memref<128xi32, #tpu.memory_space<vmem>>
      %dma_wait3A_69 = arith.constant 0 : i32
      %dma_wait3A_70 = arith.constant 0 : i32
      %dma_wait3A_71 = tpu.memref_slice %arg3[%dma_wait3A_69, %dma_wait3A_70] : memref<10240x128xf32, #tpu.memory_space<hbm>> -> memref<10240x128xf32, #tpu.memory_space<hbm>>
      tpu.wait_indirect_dma semaphore(%arg9 : memref<!tpu.dma_semaphore, #tpu.memory_space<semaphore_mem>>) src(%dma_wait3A_71 : memref<10240x128xf32, #tpu.memory_space<hbm>>) dst(%dma_wait3A_65 : memref<128x128xf32, #tpu.memory_space<vmem>>)
      %add3A_72 = arith.constant 1 : i32
      %add3A_73 = arith.addi %scan3A_55, %add3A_72 : i32
      %lt3A_74 = arith.constant 79 : i32
      %lt3A_75 = arith.cmpi slt, %add3A_73, %lt3A_74 : i32
      %convert_element_type3A_76 = arith.extui %lt3A_75 : i1 to i32
      %cond3A_77 = arith.constant 0 : i32
      %cond3A_78 = arith.cmpi ne, %convert_element_type3A_76, %cond3A_77 : i32
      scf.if %cond3A_78 {
        %dma_start3A_80 = arith.constant 0 : i32
        %dma_start3A_81 = arith.constant 0 : i32
        %dma_start3A_82 = arith.constant 0 : i32
        %dma_start3A_83 = tpu.memref_slice %arg6[%sub3A_57, %dma_start3A_81, %dma_start3A_82] : memref<2x128x128xf32, #tpu.memory_space<vmem>> -> memref<1x128x128xf32, #tpu.memory_space<vmem>>
        %dma_start3A_84 = tpu.memref_squeeze %dma_start3A_83 : memref<1x128x128xf32, #tpu.memory_space<vmem>> -> memref<128x128xf32, #tpu.memory_space<vmem>>
        %dma_start3A_85 = arith.constant 0 : i32
        %dma_start3A_86 = tpu.memref_slice %arg5[%sub3A_57, %dma_start3A_80, %dma_start3A_85] : memref<2x2x128xi32, #tpu.memory_space<vmem>> -> memref<1x1x128xi32, #tpu.memory_space<vmem>>
        %dma_start3A_87 = tpu.memref_squeeze %dma_start3A_86 : memref<1x1x128xi32, #tpu.memory_space<vmem>> -> memref<128xi32, #tpu.memory_space<vmem>>
        %dma_start3A_88 = arith.constant 0 : i32
        %dma_start3A_89 = arith.constant 0 : i32
        %dma_start3A_90 = tpu.memref_slice %arg3[%dma_start3A_88, %dma_start3A_89] : memref<10240x128xf32, #tpu.memory_space<hbm>> -> memref<10240x128xf32, #tpu.memory_space<hbm>>
        tpu.enqueue_indirect_dma source(%dma_start3A_90 : memref<10240x128xf32, #tpu.memory_space<hbm>>) target(%dma_start3A_84 : memref<128x128xf32, #tpu.memory_space<vmem>>) offsets(%dma_start3A_87 : memref<128xi32, #tpu.memory_space<vmem>>) semaphore(%arg9 : memref<!tpu.dma_semaphore, #tpu.memory_space<semaphore_mem>>)
      } else {
      }
      %run_scoped3A_79 = arith.constant 1 : i32
      "tpu.region"() ({
        %run_scoped3A_80 = tpu.sem_alloc : memref<!tpu.dma_semaphore, #tpu.memory_space<semaphore_mem>>
        %dma_start3A_81 = arith.constant 0 : i32
        %dma_start3A_82 = arith.constant 0 : i32
        %dma_start3A_83 = tpu.memref_slice %arg6[%rem3A_56, %dma_start3A_81, %dma_start3A_82] : memref<2x128x128xf32, #tpu.memory_space<vmem>> -> memref<1x128x128xf32, #tpu.memory_space<vmem>>
        %dma_start3A_84 = tpu.memref_squeeze %dma_start3A_83 : memref<1x128x128xf32, #tpu.memory_space<vmem>> -> memref<128x128xf32, #tpu.memory_space<vmem>>
        %dma_start3A_85 = arith.constant 0 : i32
        %dma_start3A_86 = tpu.memref_slice %arg5[%rem3A_56, %run_scoped3A_79, %dma_start3A_85] : memref<2x2x128xi32, #tpu.memory_space<vmem>> -> memref<1x1x128xi32, #tpu.memory_space<vmem>>
        %dma_start3A_87 = tpu.memref_squeeze %dma_start3A_86 : memref<1x1x128xi32, #tpu.memory_space<vmem>> -> memref<128xi32, #tpu.memory_space<vmem>>
        %dma_start3A_88 = arith.constant 0 : i32
        %dma_start3A_89 = arith.constant 0 : i32
        %dma_start3A_90 = tpu.memref_slice %arg7[%dma_start3A_88, %dma_start3A_89] : memref<10240x128xf32, #tpu.memory_space<vmem_shared>> -> memref<10240x128xf32, #tpu.memory_space<vmem_shared>>
        tpu.enqueue_indirect_dma source(%dma_start3A_84 : memref<128x128xf32, #tpu.memory_space<vmem>>) target(%dma_start3A_90 : memref<10240x128xf32, #tpu.memory_space<vmem_shared>>) offsets(%dma_start3A_87 : memref<128xi32, #tpu.memory_space<vmem>>) semaphore(%run_scoped3A_80 : memref<!tpu.dma_semaphore, #tpu.memory_space<semaphore_mem>>) {add = true}
        %dma_wait3A_91 = arith.constant 0 : i32
        %dma_wait3A_92 = arith.constant 0 : i32
        %dma_wait3A_93 = tpu.memref_slice %arg6[%rem3A_56, %dma_wait3A_91, %dma_wait3A_92] : memref<2x128x128xf32, #tpu.memory_space<vmem>> -> memref<1x128x128xf32, #tpu.memory_space<vmem>>
        %dma_wait3A_94 = tpu.memref_squeeze %dma_wait3A_93 : memref<1x128x128xf32, #tpu.memory_space<vmem>> -> memref<128x128xf32, #tpu.memory_space<vmem>>
        %dma_wait3A_95 = arith.constant 0 : i32
        %dma_wait3A_96 = tpu.memref_slice %arg5[%rem3A_56, %run_scoped3A_79, %dma_wait3A_95] : memref<2x2x128xi32, #tpu.memory_space<vmem>> -> memref<1x1x128xi32, #tpu.memory_space<vmem>>
        %dma_wait3A_97 = tpu.memref_squeeze %dma_wait3A_96 : memref<1x1x128xi32, #tpu.memory_space<vmem>> -> memref<128xi32, #tpu.memory_space<vmem>>
        %dma_wait3A_98 = arith.constant 0 : i32
        %dma_wait3A_99 = arith.constant 0 : i32
        %dma_wait3A_100 = tpu.memref_slice %arg7[%dma_wait3A_98, %dma_wait3A_99] : memref<10240x128xf32, #tpu.memory_space<vmem_shared>> -> memref<10240x128xf32, #tpu.memory_space<vmem_shared>>
        tpu.wait_indirect_dma semaphore(%run_scoped3A_80 : memref<!tpu.dma_semaphore, #tpu.memory_space<semaphore_mem>>) src(%dma_wait3A_94 : memref<128x128xf32, #tpu.memory_space<vmem>>) dst(%dma_wait3A_100 : memref<10240x128xf32, #tpu.memory_space<vmem_shared>>)
        tpu.yield
      }) : () -> ()
    }
    %scan3A_49 = arith.constant 79 : i32
    %barrier3A_50 = arith.constant 0 : index
    tpu.barrier barrier_id(%barrier3A_50)
    %mul3A_51 = arith.constant 640 : i32
    %mul3A_52 = arith.muli %arg1, %mul3A_51 : i32
    %mul3A_53 = arith.constant 640 : i32
    %mul3A_54 = arith.muli %arg1, %mul3A_53 : i32
    "tpu.region"() ({
      %run_scoped3A_55 = tpu.sem_alloc : memref<!tpu.dma_semaphore, #tpu.memory_space<semaphore_mem>>
      %dma_start3A_56 = arith.constant 0 : i32
      %dma_start3A_57 = tpu.memref_slice %arg4[%arg0, %mul3A_54, %dma_start3A_56] : memref<2x10240x128xf32, #tpu.memory_space<hbm>> -> memref<1x640x128xf32, #tpu.memory_space<hbm>>
      %dma_start3A_58 = tpu.memref_squeeze %dma_start3A_57 : memref<1x640x128xf32, #tpu.memory_space<hbm>> -> memref<640x128xf32, #tpu.memory_space<hbm>>
      %dma_start3A_59 = arith.constant 0 : i32
      %dma_start3A_60 = tpu.memref_slice %arg7[%mul3A_52, %dma_start3A_59] : memref<10240x128xf32, #tpu.memory_space<vmem_shared>> -> memref<640x128xf32, #tpu.memory_space<vmem_shared>>
      tpu.enqueue_dma source(%dma_start3A_60 : memref<640x128xf32, #tpu.memory_space<vmem_shared>>) target(%dma_start3A_58 : memref<640x128xf32, #tpu.memory_space<hbm>>) target_semaphore(%run_scoped3A_55 : memref<!tpu.dma_semaphore, #tpu.memory_space<semaphore_mem>>)
      %dma_wait3A = arith.constant 0 : i32
      %dma_wait3A_61 = tpu.memref_slice %arg4[%arg0, %mul3A_54, %dma_wait3A] : memref<2x10240x128xf32, #tpu.memory_space<hbm>> -> memref<1x640x128xf32, #tpu.memory_space<hbm>>
      %dma_wait3A_62 = tpu.memref_squeeze %dma_wait3A_61 : memref<1x640x128xf32, #tpu.memory_space<hbm>> -> memref<640x128xf32, #tpu.memory_space<hbm>>
      %dma_wait3A_63 = arith.constant 0 : i32
      %dma_wait3A_64 = tpu.memref_slice %arg7[%mul3A_52, %dma_wait3A_63] : memref<10240x128xf32, #tpu.memory_space<vmem_shared>> -> memref<640x128xf32, #tpu.memory_space<vmem_shared>>
      tpu.wait_dma2 semaphore(%run_scoped3A_55 : memref<!tpu.dma_semaphore, #tpu.memory_space<semaphore_mem>>) src(%dma_wait3A_64 : memref<640x128xf32, #tpu.memory_space<vmem_shared>>) dst(%dma_wait3A_62 : memref<640x128xf32, #tpu.memory_space<hbm>>)
      tpu.yield
    }) : () -> ()
    return
  }
}

#map = affine_map<(d0, d1) -> (0, 0, 0, 0)>
#map1 = affine_map<(d0, d1) -> (0, 0)>
#map2 = affine_map<(d0, d1) -> (0, 0, 0)>
module attributes {stable_mosaic.version = 14 : i64} {
  func.func @_hop_body(%arg0: i32, %arg1: i32, %arg2: memref<32x79x2x128xi32, #tpu.memory_space<hbm>>, %arg3: memref<10240x128xf32, #tpu.memory_space<hbm>>, %arg4: memref<2x10240x128xf32, #tpu.memory_space<hbm>>, %arg5: memref<2x2x128xi32, #tpu.memory_space<vmem>>, %arg6: memref<2x128x128xf32, #tpu.memory_space<vmem>>, %arg7: memref<10240x128xf32, #tpu.memory_space<vmem_shared>>, %arg8: memref<!tpu.dma_semaphore, #tpu.memory_space<semaphore_mem>>, %arg9: memref<!tpu.dma_semaphore, #tpu.memory_space<semaphore_mem>>) attributes {dimension_semantics = [#tpu.dimension_semantics<core_parallel>, #tpu.dimension_semantics<subcore_parallel>], iteration_bounds = array<i64: 2, 16>, scalar_prefetch = 0 : i64, scratch_operands = 5 : i64, tpu.core_type = #tpu.core_type<sc_vector_subcore>, window_params = [{transform_indices = #map}, {transform_indices = #map1}, {transform_indices = #map2}]} {
    %mul3A = arith.constant 16 : i32
    %mul3A_0 = arith.muli %arg0, %mul3A : i32
    %add3A = arith.addi %mul3A_0, %arg1 : i32
    %scan3A = arith.constant 0 : i32
    %scan3A_1 = arith.constant 0 : i32
    %scan3A_2 = arith.constant 1024 : i32
    %scan3A_3 = arith.addi %scan3A_1, %scan3A_2 : i32
    %scan3A_4 = arith.constant 1 : i32
    scf.for %scan3A_55 = %scan3A_1 to %scan3A_3 step %scan3A_4  : i32 {
      %jit3A = arith.constant 8 : i32
      %div3A = arith.divsi %scan3A_55, %jit3A : i32
      %sign3A = arith.constant 0 : i32
      %sign3A_56 = arith.cmpi sgt, %scan3A_55, %sign3A : i32
      %sign3A_57 = arith.extui %sign3A_56 : i1 to i32
      %sign3A_58 = arith.constant 0 : i32
      %sign3A_59 = arith.cmpi slt, %scan3A_55, %sign3A_58 : i32
      %sign3A_60 = arith.extui %sign3A_59 : i1 to i32
      %sign3A_61 = arith.subi %sign3A_57, %sign3A_60 : i32
      %sign3A_62 = arith.constant 0 : i32
      %sign3A_63 = arith.cmpi sgt, %jit3A, %sign3A_62 : i32
      %sign3A_64 = arith.extui %sign3A_63 : i1 to i32
      %sign3A_65 = arith.constant 0 : i32
      %sign3A_66 = arith.cmpi slt, %jit3A, %sign3A_65 : i32
      %sign3A_67 = arith.extui %sign3A_66 : i1 to i32
      %sign3A_68 = arith.subi %sign3A_64, %sign3A_67 : i32
      %ne3A = arith.cmpi ne, %sign3A_61, %sign3A_68 : i32
      %rem3A = arith.remsi %scan3A_55, %jit3A : i32
      %ne3A_69 = arith.constant 0 : i32
      %ne3A_70 = arith.cmpi ne, %rem3A, %ne3A_69 : i32
      %and3A = arith.andi %ne3A, %ne3A_70 : i1
      %sub3A = arith.constant 1 : i32
      %sub3A_71 = arith.subi %div3A, %sub3A : i32
      %select_n3A = arith.select %and3A, %sub3A_71, %div3A : i32
      %jit3A_72 = arith.constant 8 : i32
      %eq3A = arith.constant 0 : i32
      %eq3A_73 = arith.cmpi eq, %jit3A_72, %eq3A : i32
      %jit3A_74 = arith.constant 1 : i32
      %select_n3A_75 = arith.select %eq3A_73, %jit3A_74, %jit3A_72 : i32
      %rem3A_76 = arith.remsi %scan3A_55, %select_n3A_75 : i32
      %ne3A_77 = arith.constant 0 : i32
      %ne3A_78 = arith.cmpi ne, %rem3A_76, %ne3A_77 : i32
      %lt3A = arith.constant 0 : i32
      %lt3A_79 = arith.cmpi slt, %rem3A_76, %lt3A : i32
      %lt3A_80 = arith.constant 0 : i32
      %lt3A_81 = arith.cmpi slt, %select_n3A_75, %lt3A_80 : i32
      %ne3A_82 = arith.xori %lt3A_79, %lt3A_81 : i1
      %and3A_83 = arith.andi %ne3A_82, %ne3A_78 : i1
      %add3A_84 = arith.addi %rem3A_76, %select_n3A_75 : i32
      %select_n3A_85 = arith.select %and3A_83, %add3A_84, %rem3A_76 : i32
      %broadcast_in_dim3A = arith.constant 0.000000e+00 : f32
      %broadcast_in_dim3A_86 = vector.broadcast %broadcast_in_dim3A : f32 to vector<16xf32>
      %mul3A_87 = arith.constant 16 : i32
      %mul3A_88 = arith.muli %select_n3A_85, %mul3A_87 : i32
      %swap3A = arith.constant 0 : i32
      %swap3A_89 = arith.index_cast %swap3A : i32 to index
      %swap3A_90 = arith.index_cast %select_n3A : i32 to index
      %swap3A_91 = arith.index_cast %mul3A_88 : i32 to index
      %swap3A_92 = tpu.vector_load %arg6[%swap3A_89, %swap3A_90, %swap3A_91] {strides = array<i32>} : memref<2x128x128xf32, #tpu.memory_space<vmem>>, vector<1x1x16xf32>,
      %swap3A_93 = vector.shape_cast %swap3A_92 : vector<1x1x16xf32> to vector<16xf32>
      %swap3A_94 = vector.shape_cast %broadcast_in_dim3A_86 : vector<16xf32> to vector<1x1x16xf32>
      tpu.vector_store %arg6[%swap3A_89, %swap3A_90, %swap3A_91], %swap3A_94 {strides = array<i32>} : memref<2x128x128xf32, #tpu.memory_space<vmem>>, vector<1x1x16xf32>,
    }
    %scan3A_5 = arith.constant 1024 : i32
    %mul3A_6 = arith.constant 640 : i32
    %mul3A_7 = arith.muli %arg1, %mul3A_6 : i32
    %add3A_8 = arith.constant 0 : i32
    %add3A_9 = arith.addi %mul3A_7, %add3A_8 : i32
    %run_scoped3A = arith.constant 0 : i32
    "tpu.region"() ({
      %run_scoped3A_55 = tpu.sem_alloc : memref<!tpu.dma_semaphore, #tpu.memory_space<semaphore_mem>>
      %dma_start3A_56 = arith.constant 0 : i32
      %dma_start3A_57 = arith.constant 0 : i32
      %dma_start3A_58 = tpu.memref_slice %arg6[%run_scoped3A, %dma_start3A_56, %dma_start3A_57] : memref<2x128x128xf32, #tpu.memory_space<vmem>> -> memref<1x128x128xf32, #tpu.memory_space<vmem>>
      %dma_start3A_59 = tpu.memref_squeeze %dma_start3A_58 : memref<1x128x128xf32, #tpu.memory_space<vmem>> -> memref<128x128xf32, #tpu.memory_space<vmem>>
      %dma_start3A_60 = arith.constant 0 : i32
      %dma_start3A_61 = tpu.memref_slice %arg7[%add3A_9, %dma_start3A_60] : memref<10240x128xf32, #tpu.memory_space<vmem_shared>> -> memref<128x128xf32, #tpu.memory_space<vmem_shared>>
      %dma_start3A_62 = arith.constant 0 : i32
      %dma_start3A_63 = tpu.memref_slice %arg7[%add3A_9, %dma_start3A_62] : memref<10240x128xf32, #tpu.memory_space<vmem_shared>> -> memref<128x128xf32, #tpu.memory_space<vmem_shared>>
      %dma_start3A_64 = arith.constant 0 : i32
      %dma_start3A_65 = arith.constant 0 : i32
      %dma_start3A_66 = tpu.memref_slice %arg6[%run_scoped3A, %dma_start3A_64, %dma_start3A_65] : memref<2x128x128xf32, #tpu.memory_space<vmem>> -> memref<1x128x128xf32, #tpu.memory_space<vmem>>
      %dma_start3A_67 = tpu.memref_squeeze %dma_start3A_66 : memref<1x128x128xf32, #tpu.memory_space<vmem>> -> memref<128x128xf32, #tpu.memory_space<vmem>>
      tpu.enqueue_dma source(%dma_start3A_67 : memref<128x128xf32, #tpu.memory_space<vmem>>) target(%dma_start3A_63 : memref<128x128xf32, #tpu.memory_space<vmem_shared>>) target_semaphore(%run_scoped3A_55 : memref<!tpu.dma_semaphore, #tpu.memory_space<semaphore_mem>>)
      %dma_wait3A = arith.constant 0 : i32
      %dma_wait3A_68 = arith.constant 0 : i32
      %dma_wait3A_69 = tpu.memref_slice %arg6[%run_scoped3A, %dma_wait3A, %dma_wait3A_68] : memref<2x128x128xf32, #tpu.memory_space<vmem>> -> memref<1x128x128xf32, #tpu.memory_space<vmem>>
      %dma_wait3A_70 = tpu.memref_squeeze %dma_wait3A_69 : memref<1x128x128xf32, #tpu.memory_space<vmem>> -> memref<128x128xf32, #tpu.memory_space<vmem>>
      %dma_wait3A_71 = arith.constant 0 : i32
      %dma_wait3A_72 = tpu.memref_slice %arg7[%add3A_9, %dma_wait3A_71] : memref<10240x128xf32, #tpu.memory_space<vmem_shared>> -> memref<128x128xf32, #tpu.memory_space<vmem_shared>>
      %dma_wait3A_73 = arith.constant 0 : i32
      %dma_wait3A_74 = tpu.memref_slice %arg7[%add3A_9, %dma_wait3A_73] : memref<10240x128xf32, #tpu.memory_space<vmem_shared>> -> memref<128x128xf32, #tpu.memory_space<vmem_shared>>
      %dma_wait3A_75 = arith.constant 0 : i32
      %dma_wait3A_76 = arith.constant 0 : i32
      %dma_wait3A_77 = tpu.memref_slice %arg6[%run_scoped3A, %dma_wait3A_75, %dma_wait3A_76] : memref<2x128x128xf32, #tpu.memory_space<vmem>> -> memref<1x128x128xf32, #tpu.memory_space<vmem>>
      %dma_wait3A_78 = tpu.memref_squeeze %dma_wait3A_77 : memref<1x128x128xf32, #tpu.memory_space<vmem>> -> memref<128x128xf32, #tpu.memory_space<vmem>>
      tpu.wait_dma2 semaphore(%run_scoped3A_55 : memref<!tpu.dma_semaphore, #tpu.memory_space<semaphore_mem>>) src(%dma_wait3A_78 : memref<128x128xf32, #tpu.memory_space<vmem>>) dst(%dma_wait3A_74 : memref<128x128xf32, #tpu.memory_space<vmem_shared>>)
      tpu.yield
    }) : () -> ()
    %mul3A_10 = arith.constant 640 : i32
    %mul3A_11 = arith.muli %arg1, %mul3A_10 : i32
    %add3A_12 = arith.constant 128 : i32
    %add3A_13 = arith.addi %mul3A_11, %add3A_12 : i32
    %run_scoped3A_14 = arith.constant 0 : i32
    "tpu.region"() ({
      %run_scoped3A_55 = tpu.sem_alloc : memref<!tpu.dma_semaphore, #tpu.memory_space<semaphore_mem>>
      %dma_start3A_56 = arith.constant 0 : i32
      %dma_start3A_57 = arith.constant 0 : i32
      %dma_start3A_58 = tpu.memref_slice %arg6[%run_scoped3A_14, %dma_start3A_56, %dma_start3A_57] : memref<2x128x128xf32, #tpu.memory_space<vmem>> -> memref<1x128x128xf32, #tpu.memory_space<vmem>>
      %dma_start3A_59 = tpu.memref_squeeze %dma_start3A_58 : memref<1x128x128xf32, #tpu.memory_space<vmem>> -> memref<128x128xf32, #tpu.memory_space<vmem>>
      %dma_start3A_60 = arith.constant 0 : i32
      %dma_start3A_61 = tpu.memref_slice %arg7[%add3A_13, %dma_start3A_60] : memref<10240x128xf32, #tpu.memory_space<vmem_shared>> -> memref<128x128xf32, #tpu.memory_space<vmem_shared>>
      %dma_start3A_62 = arith.constant 0 : i32
      %dma_start3A_63 = tpu.memref_slice %arg7[%add3A_13, %dma_start3A_62] : memref<10240x128xf32, #tpu.memory_space<vmem_shared>> -> memref<128x128xf32, #tpu.memory_space<vmem_shared>>
      %dma_start3A_64 = arith.constant 0 : i32
      %dma_start3A_65 = arith.constant 0 : i32
      %dma_start3A_66 = tpu.memref_slice %arg6[%run_scoped3A_14, %dma_start3A_64, %dma_start3A_65] : memref<2x128x128xf32, #tpu.memory_space<vmem>> -> memref<1x128x128xf32, #tpu.memory_space<vmem>>
      %dma_start3A_67 = tpu.memref_squeeze %dma_start3A_66 : memref<1x128x128xf32, #tpu.memory_space<vmem>> -> memref<128x128xf32, #tpu.memory_space<vmem>>
      tpu.enqueue_dma source(%dma_start3A_67 : memref<128x128xf32, #tpu.memory_space<vmem>>) target(%dma_start3A_63 : memref<128x128xf32, #tpu.memory_space<vmem_shared>>) target_semaphore(%run_scoped3A_55 : memref<!tpu.dma_semaphore, #tpu.memory_space<semaphore_mem>>)
      %dma_wait3A = arith.constant 0 : i32
      %dma_wait3A_68 = arith.constant 0 : i32
      %dma_wait3A_69 = tpu.memref_slice %arg6[%run_scoped3A_14, %dma_wait3A, %dma_wait3A_68] : memref<2x128x128xf32, #tpu.memory_space<vmem>> -> memref<1x128x128xf32, #tpu.memory_space<vmem>>
      %dma_wait3A_70 = tpu.memref_squeeze %dma_wait3A_69 : memref<1x128x128xf32, #tpu.memory_space<vmem>> -> memref<128x128xf32, #tpu.memory_space<vmem>>
      %dma_wait3A_71 = arith.constant 0 : i32
      %dma_wait3A_72 = tpu.memref_slice %arg7[%add3A_13, %dma_wait3A_71] : memref<10240x128xf32, #tpu.memory_space<vmem_shared>> -> memref<128x128xf32, #tpu.memory_space<vmem_shared>>
      %dma_wait3A_73 = arith.constant 0 : i32
      %dma_wait3A_74 = tpu.memref_slice %arg7[%add3A_13, %dma_wait3A_73] : memref<10240x128xf32, #tpu.memory_space<vmem_shared>> -> memref<128x128xf32, #tpu.memory_space<vmem_shared>>
      %dma_wait3A_75 = arith.constant 0 : i32
      %dma_wait3A_76 = arith.constant 0 : i32
      %dma_wait3A_77 = tpu.memref_slice %arg6[%run_scoped3A_14, %dma_wait3A_75, %dma_wait3A_76] : memref<2x128x128xf32, #tpu.memory_space<vmem>> -> memref<1x128x128xf32, #tpu.memory_space<vmem>>
      %dma_wait3A_78 = tpu.memref_squeeze %dma_wait3A_77 : memref<1x128x128xf32, #tpu.memory_space<vmem>> -> memref<128x128xf32, #tpu.memory_space<vmem>>
      tpu.wait_dma2 semaphore(%run_scoped3A_55 : memref<!tpu.dma_semaphore, #tpu.memory_space<semaphore_mem>>) src(%dma_wait3A_78 : memref<128x128xf32, #tpu.memory_space<vmem>>) dst(%dma_wait3A_74 : memref<128x128xf32, #tpu.memory_space<vmem_shared>>)
      tpu.yield
    }) : () -> ()
    %mul3A_15 = arith.constant 640 : i32
    %mul3A_16 = arith.muli %arg1, %mul3A_15 : i32
    %add3A_17 = arith.constant 256 : i32
    %add3A_18 = arith.addi %mul3A_16, %add3A_17 : i32
    %run_scoped3A_19 = arith.constant 0 : i32
    "tpu.region"() ({
      %run_scoped3A_55 = tpu.sem_alloc : memref<!tpu.dma_semaphore, #tpu.memory_space<semaphore_mem>>
      %dma_start3A_56 = arith.constant 0 : i32
      %dma_start3A_57 = arith.constant 0 : i32
      %dma_start3A_58 = tpu.memref_slice %arg6[%run_scoped3A_19, %dma_start3A_56, %dma_start3A_57] : memref<2x128x128xf32, #tpu.memory_space<vmem>> -> memref<1x128x128xf32, #tpu.memory_space<vmem>>
      %dma_start3A_59 = tpu.memref_squeeze %dma_start3A_58 : memref<1x128x128xf32, #tpu.memory_space<vmem>> -> memref<128x128xf32, #tpu.memory_space<vmem>>
      %dma_start3A_60 = arith.constant 0 : i32
      %dma_start3A_61 = tpu.memref_slice %arg7[%add3A_18, %dma_start3A_60] : memref<10240x128xf32, #tpu.memory_space<vmem_shared>> -> memref<128x128xf32, #tpu.memory_space<vmem_shared>>
      %dma_start3A_62 = arith.constant 0 : i32
      %dma_start3A_63 = tpu.memref_slice %arg7[%add3A_18, %dma_start3A_62] : memref<10240x128xf32, #tpu.memory_space<vmem_shared>> -> memref<128x128xf32, #tpu.memory_space<vmem_shared>>
      %dma_start3A_64 = arith.constant 0 : i32
      %dma_start3A_65 = arith.constant 0 : i32
      %dma_start3A_66 = tpu.memref_slice %arg6[%run_scoped3A_19, %dma_start3A_64, %dma_start3A_65] : memref<2x128x128xf32, #tpu.memory_space<vmem>> -> memref<1x128x128xf32, #tpu.memory_space<vmem>>
      %dma_start3A_67 = tpu.memref_squeeze %dma_start3A_66 : memref<1x128x128xf32, #tpu.memory_space<vmem>> -> memref<128x128xf32, #tpu.memory_space<vmem>>
      tpu.enqueue_dma source(%dma_start3A_67 : memref<128x128xf32, #tpu.memory_space<vmem>>) target(%dma_start3A_63 : memref<128x128xf32, #tpu.memory_space<vmem_shared>>) target_semaphore(%run_scoped3A_55 : memref<!tpu.dma_semaphore, #tpu.memory_space<semaphore_mem>>)
      %dma_wait3A = arith.constant 0 : i32
      %dma_wait3A_68 = arith.constant 0 : i32
      %dma_wait3A_69 = tpu.memref_slice %arg6[%run_scoped3A_19, %dma_wait3A, %dma_wait3A_68] : memref<2x128x128xf32, #tpu.memory_space<vmem>> -> memref<1x128x128xf32, #tpu.memory_space<vmem>>
      %dma_wait3A_70 = tpu.memref_squeeze %dma_wait3A_69 : memref<1x128x128xf32, #tpu.memory_space<vmem>> -> memref<128x128xf32, #tpu.memory_space<vmem>>
      %dma_wait3A_71 = arith.constant 0 : i32
      %dma_wait3A_72 = tpu.memref_slice %arg7[%add3A_18, %dma_wait3A_71] : memref<10240x128xf32, #tpu.memory_space<vmem_shared>> -> memref<128x128xf32, #tpu.memory_space<vmem_shared>>
      %dma_wait3A_73 = arith.constant 0 : i32
      %dma_wait3A_74 = tpu.memref_slice %arg7[%add3A_18, %dma_wait3A_73] : memref<10240x128xf32, #tpu.memory_space<vmem_shared>> -> memref<128x128xf32, #tpu.memory_space<vmem_shared>>
      %dma_wait3A_75 = arith.constant 0 : i32
      %dma_wait3A_76 = arith.constant 0 : i32
      %dma_wait3A_77 = tpu.memref_slice %arg6[%run_scoped3A_19, %dma_wait3A_75, %dma_wait3A_76] : memref<2x128x128xf32, #tpu.memory_space<vmem>> -> memref<1x128x128xf32, #tpu.memory_space<vmem>>
      %dma_wait3A_78 = tpu.memref_squeeze %dma_wait3A_77 : memref<1x128x128xf32, #tpu.memory_space<vmem>> -> memref<128x128xf32, #tpu.memory_space<vmem>>
      tpu.wait_dma2 semaphore(%run_scoped3A_55 : memref<!tpu.dma_semaphore, #tpu.memory_space<semaphore_mem>>) src(%dma_wait3A_78 : memref<128x128xf32, #tpu.memory_space<vmem>>) dst(%dma_wait3A_74 : memref<128x128xf32, #tpu.memory_space<vmem_shared>>)
      tpu.yield
    }) : () -> ()
    %mul3A_20 = arith.constant 640 : i32
    %mul3A_21 = arith.muli %arg1, %mul3A_20 : i32
    %add3A_22 = arith.constant 384 : i32
    %add3A_23 = arith.addi %mul3A_21, %add3A_22 : i32
    %run_scoped3A_24 = arith.constant 0 : i32
    "tpu.region"() ({
      %run_scoped3A_55 = tpu.sem_alloc : memref<!tpu.dma_semaphore, #tpu.memory_space<semaphore_mem>>
      %dma_start3A_56 = arith.constant 0 : i32
      %dma_start3A_57 = arith.constant 0 : i32
      %dma_start3A_58 = tpu.memref_slice %arg6[%run_scoped3A_24, %dma_start3A_56, %dma_start3A_57] : memref<2x128x128xf32, #tpu.memory_space<vmem>> -> memref<1x128x128xf32, #tpu.memory_space<vmem>>
      %dma_start3A_59 = tpu.memref_squeeze %dma_start3A_58 : memref<1x128x128xf32, #tpu.memory_space<vmem>> -> memref<128x128xf32, #tpu.memory_space<vmem>>
      %dma_start3A_60 = arith.constant 0 : i32
      %dma_start3A_61 = tpu.memref_slice %arg7[%add3A_23, %dma_start3A_60] : memref<10240x128xf32, #tpu.memory_space<vmem_shared>> -> memref<128x128xf32, #tpu.memory_space<vmem_shared>>
      %dma_start3A_62 = arith.constant 0 : i32
      %dma_start3A_63 = tpu.memref_slice %arg7[%add3A_23, %dma_start3A_62] : memref<10240x128xf32, #tpu.memory_space<vmem_shared>> -> memref<128x128xf32, #tpu.memory_space<vmem_shared>>
      %dma_start3A_64 = arith.constant 0 : i32
      %dma_start3A_65 = arith.constant 0 : i32
      %dma_start3A_66 = tpu.memref_slice %arg6[%run_scoped3A_24, %dma_start3A_64, %dma_start3A_65] : memref<2x128x128xf32, #tpu.memory_space<vmem>> -> memref<1x128x128xf32, #tpu.memory_space<vmem>>
      %dma_start3A_67 = tpu.memref_squeeze %dma_start3A_66 : memref<1x128x128xf32, #tpu.memory_space<vmem>> -> memref<128x128xf32, #tpu.memory_space<vmem>>
      tpu.enqueue_dma source(%dma_start3A_67 : memref<128x128xf32, #tpu.memory_space<vmem>>) target(%dma_start3A_63 : memref<128x128xf32, #tpu.memory_space<vmem_shared>>) target_semaphore(%run_scoped3A_55 : memref<!tpu.dma_semaphore, #tpu.memory_space<semaphore_mem>>)
      %dma_wait3A = arith.constant 0 : i32
      %dma_wait3A_68 = arith.constant 0 : i32
      %dma_wait3A_69 = tpu.memref_slice %arg6[%run_scoped3A_24, %dma_wait3A, %dma_wait3A_68] : memref<2x128x128xf32, #tpu.memory_space<vmem>> -> memref<1x128x128xf32, #tpu.memory_space<vmem>>
      %dma_wait3A_70 = tpu.memref_squeeze %dma_wait3A_69 : memref<1x128x128xf32, #tpu.memory_space<vmem>> -> memref<128x128xf32, #tpu.memory_space<vmem>>
      %dma_wait3A_71 = arith.constant 0 : i32
      %dma_wait3A_72 = tpu.memref_slice %arg7[%add3A_23, %dma_wait3A_71] : memref<10240x128xf32, #tpu.memory_space<vmem_shared>> -> memref<128x128xf32, #tpu.memory_space<vmem_shared>>
      %dma_wait3A_73 = arith.constant 0 : i32
      %dma_wait3A_74 = tpu.memref_slice %arg7[%add3A_23, %dma_wait3A_73] : memref<10240x128xf32, #tpu.memory_space<vmem_shared>> -> memref<128x128xf32, #tpu.memory_space<vmem_shared>>
      %dma_wait3A_75 = arith.constant 0 : i32
      %dma_wait3A_76 = arith.constant 0 : i32
      %dma_wait3A_77 = tpu.memref_slice %arg6[%run_scoped3A_24, %dma_wait3A_75, %dma_wait3A_76] : memref<2x128x128xf32, #tpu.memory_space<vmem>> -> memref<1x128x128xf32, #tpu.memory_space<vmem>>
      %dma_wait3A_78 = tpu.memref_squeeze %dma_wait3A_77 : memref<1x128x128xf32, #tpu.memory_space<vmem>> -> memref<128x128xf32, #tpu.memory_space<vmem>>
      tpu.wait_dma2 semaphore(%run_scoped3A_55 : memref<!tpu.dma_semaphore, #tpu.memory_space<semaphore_mem>>) src(%dma_wait3A_78 : memref<128x128xf32, #tpu.memory_space<vmem>>) dst(%dma_wait3A_74 : memref<128x128xf32, #tpu.memory_space<vmem_shared>>)
      tpu.yield
    }) : () -> ()
    %mul3A_25 = arith.constant 640 : i32
    %mul3A_26 = arith.muli %arg1, %mul3A_25 : i32
    %add3A_27 = arith.constant 512 : i32
    %add3A_28 = arith.addi %mul3A_26, %add3A_27 : i32
    %run_scoped3A_29 = arith.constant 0 : i32
    "tpu.region"() ({
      %run_scoped3A_55 = tpu.sem_alloc : memref<!tpu.dma_semaphore, #tpu.memory_space<semaphore_mem>>
      %dma_start3A_56 = arith.constant 0 : i32
      %dma_start3A_57 = arith.constant 0 : i32
      %dma_start3A_58 = tpu.memref_slice %arg6[%run_scoped3A_29, %dma_start3A_56, %dma_start3A_57] : memref<2x128x128xf32, #tpu.memory_space<vmem>> -> memref<1x128x128xf32, #tpu.memory_space<vmem>>
      %dma_start3A_59 = tpu.memref_squeeze %dma_start3A_58 : memref<1x128x128xf32, #tpu.memory_space<vmem>> -> memref<128x128xf32, #tpu.memory_space<vmem>>
      %dma_start3A_60 = arith.constant 0 : i32
      %dma_start3A_61 = tpu.memref_slice %arg7[%add3A_28, %dma_start3A_60] : memref<10240x128xf32, #tpu.memory_space<vmem_shared>> -> memref<128x128xf32, #tpu.memory_space<vmem_shared>>
      %dma_start3A_62 = arith.constant 0 : i32
      %dma_start3A_63 = tpu.memref_slice %arg7[%add3A_28, %dma_start3A_62] : memref<10240x128xf32, #tpu.memory_space<vmem_shared>> -> memref<128x128xf32, #tpu.memory_space<vmem_shared>>
      %dma_start3A_64 = arith.constant 0 : i32
      %dma_start3A_65 = arith.constant 0 : i32
      %dma_start3A_66 = tpu.memref_slice %arg6[%run_scoped3A_29, %dma_start3A_64, %dma_start3A_65] : memref<2x128x128xf32, #tpu.memory_space<vmem>> -> memref<1x128x128xf32, #tpu.memory_space<vmem>>
      %dma_start3A_67 = tpu.memref_squeeze %dma_start3A_66 : memref<1x128x128xf32, #tpu.memory_space<vmem>> -> memref<128x128xf32, #tpu.memory_space<vmem>>
      tpu.enqueue_dma source(%dma_start3A_67 : memref<128x128xf32, #tpu.memory_space<vmem>>) target(%dma_start3A_63 : memref<128x128xf32, #tpu.memory_space<vmem_shared>>) target_semaphore(%run_scoped3A_55 : memref<!tpu.dma_semaphore, #tpu.memory_space<semaphore_mem>>)
      %dma_wait3A = arith.constant 0 : i32
      %dma_wait3A_68 = arith.constant 0 : i32
      %dma_wait3A_69 = tpu.memref_slice %arg6[%run_scoped3A_29, %dma_wait3A, %dma_wait3A_68] : memref<2x128x128xf32, #tpu.memory_space<vmem>> -> memref<1x128x128xf32, #tpu.memory_space<vmem>>
      %dma_wait3A_70 = tpu.memref_squeeze %dma_wait3A_69 : memref<1x128x128xf32, #tpu.memory_space<vmem>> -> memref<128x128xf32, #tpu.memory_space<vmem>>
      %dma_wait3A_71 = arith.constant 0 : i32
      %dma_wait3A_72 = tpu.memref_slice %arg7[%add3A_28, %dma_wait3A_71] : memref<10240x128xf32, #tpu.memory_space<vmem_shared>> -> memref<128x128xf32, #tpu.memory_space<vmem_shared>>
      %dma_wait3A_73 = arith.constant 0 : i32
      %dma_wait3A_74 = tpu.memref_slice %arg7[%add3A_28, %dma_wait3A_73] : memref<10240x128xf32, #tpu.memory_space<vmem_shared>> -> memref<128x128xf32, #tpu.memory_space<vmem_shared>>
      %dma_wait3A_75 = arith.constant 0 : i32
      %dma_wait3A_76 = arith.constant 0 : i32
      %dma_wait3A_77 = tpu.memref_slice %arg6[%run_scoped3A_29, %dma_wait3A_75, %dma_wait3A_76] : memref<2x128x128xf32, #tpu.memory_space<vmem>> -> memref<1x128x128xf32, #tpu.memory_space<vmem>>
      %dma_wait3A_78 = tpu.memref_squeeze %dma_wait3A_77 : memref<1x128x128xf32, #tpu.memory_space<vmem>> -> memref<128x128xf32, #tpu.memory_space<vmem>>
      tpu.wait_dma2 semaphore(%run_scoped3A_55 : memref<!tpu.dma_semaphore, #tpu.memory_space<semaphore_mem>>) src(%dma_wait3A_78 : memref<128x128xf32, #tpu.memory_space<vmem>>) dst(%dma_wait3A_74 : memref<128x128xf32, #tpu.memory_space<vmem_shared>>)
      tpu.yield
    }) : () -> ()
    %barrier3A = arith.constant 0 : index
    tpu.barrier barrier_id(%barrier3A)
    %run_scoped3A_30 = arith.constant 0 : i32
    %run_scoped3A_31 = arith.constant 0 : i32
    "tpu.region"() ({
      %run_scoped3A_55 = tpu.sem_alloc : memref<!tpu.dma_semaphore, #tpu.memory_space<semaphore_mem>>
      %dma_start3A_56 = arith.constant 0 : i32
      %dma_start3A_57 = arith.constant 0 : i32
      %dma_start3A_58 = tpu.memref_slice %arg5[%run_scoped3A_31, %dma_start3A_56, %dma_start3A_57] : memref<2x2x128xi32, #tpu.memory_space<vmem>> -> memref<1x2x128xi32, #tpu.memory_space<vmem>>
      %dma_start3A_59 = tpu.memref_squeeze %dma_start3A_58 : memref<1x2x128xi32, #tpu.memory_space<vmem>> -> memref<2x128xi32, #tpu.memory_space<vmem>>
      %dma_start3A_60 = arith.constant 0 : i32
      %dma_start3A_61 = arith.constant 0 : i32
      %dma_start3A_62 = tpu.memref_slice %arg2[%add3A, %run_scoped3A_30, %dma_start3A_60, %dma_start3A_61] : memref<32x79x2x128xi32, #tpu.memory_space<hbm>> -> memref<1x1x2x128xi32, #tpu.memory_space<hbm>>
      %dma_start3A_63 = tpu.memref_squeeze %dma_start3A_62 : memref<1x1x2x128xi32, #tpu.memory_space<hbm>> -> memref<2x128xi32, #tpu.memory_space<hbm>>
      %dma_start3A_64 = arith.constant 0 : i32
      %dma_start3A_65 = arith.constant 0 : i32
      %dma_start3A_66 = tpu.memref_slice %arg5[%run_scoped3A_31, %dma_start3A_64, %dma_start3A_65] : memref<2x2x128xi32, #tpu.memory_space<vmem>> -> memref<1x2x128xi32, #tpu.memory_space<vmem>>
      %dma_start3A_67 = tpu.memref_squeeze %dma_start3A_66 : memref<1x2x128xi32, #tpu.memory_space<vmem>> -> memref<2x128xi32, #tpu.memory_space<vmem>>
      %dma_start3A_68 = arith.constant 0 : i32
      %dma_start3A_69 = arith.constant 0 : i32
      %dma_start3A_70 = tpu.memref_slice %arg2[%add3A, %run_scoped3A_30, %dma_start3A_68, %dma_start3A_69] : memref<32x79x2x128xi32, #tpu.memory_space<hbm>> -> memref<1x1x2x128xi32, #tpu.memory_space<hbm>>
      %dma_start3A_71 = tpu.memref_squeeze %dma_start3A_70 : memref<1x1x2x128xi32, #tpu.memory_space<hbm>> -> memref<2x128xi32, #tpu.memory_space<hbm>>
      tpu.enqueue_dma source(%dma_start3A_71 : memref<2x128xi32, #tpu.memory_space<hbm>>) target(%dma_start3A_67 : memref<2x128xi32, #tpu.memory_space<vmem>>) target_semaphore(%run_scoped3A_55 : memref<!tpu.dma_semaphore, #tpu.memory_space<semaphore_mem>>)
      %dma_wait3A = arith.constant 0 : i32
      %dma_wait3A_72 = arith.constant 0 : i32
      %dma_wait3A_73 = tpu.memref_slice %arg5[%run_scoped3A_31, %dma_wait3A, %dma_wait3A_72] : memref<2x2x128xi32, #tpu.memory_space<vmem>> -> memref<1x2x128xi32, #tpu.memory_space<vmem>>
      %dma_wait3A_74 = tpu.memref_squeeze %dma_wait3A_73 : memref<1x2x128xi32, #tpu.memory_space<vmem>> -> memref<2x128xi32, #tpu.memory_space<vmem>>
      %dma_wait3A_75 = arith.constant 0 : i32
      %dma_wait3A_76 = arith.constant 0 : i32
      %dma_wait3A_77 = tpu.memref_slice %arg2[%add3A, %run_scoped3A_30, %dma_wait3A_75, %dma_wait3A_76] : memref<32x79x2x128xi32, #tpu.memory_space<hbm>> -> memref<1x1x2x128xi32, #tpu.memory_space<hbm>>
      %dma_wait3A_78 = tpu.memref_squeeze %dma_wait3A_77 : memref<1x1x2x128xi32, #tpu.memory_space<hbm>> -> memref<2x128xi32, #tpu.memory_space<hbm>>
      %dma_wait3A_79 = arith.constant 0 : i32
      %dma_wait3A_80 = arith.constant 0 : i32
      %dma_wait3A_81 = tpu.memref_slice %arg5[%run_scoped3A_31, %dma_wait3A_79, %dma_wait3A_80] : memref<2x2x128xi32, #tpu.memory_space<vmem>> -> memref<1x2x128xi32, #tpu.memory_space<vmem>>
      %dma_wait3A_82 = tpu.memref_squeeze %dma_wait3A_81 : memref<1x2x128xi32, #tpu.memory_space<vmem>> -> memref<2x128xi32, #tpu.memory_space<vmem>>
      %dma_wait3A_83 = arith.constant 0 : i32
      %dma_wait3A_84 = arith.constant 0 : i32
      %dma_wait3A_85 = tpu.memref_slice %arg2[%add3A, %run_scoped3A_30, %dma_wait3A_83, %dma_wait3A_84] : memref<32x79x2x128xi32, #tpu.memory_space<hbm>> -> memref<1x1x2x128xi32, #tpu.memory_space<hbm>>
      %dma_wait3A_86 = tpu.memref_squeeze %dma_wait3A_85 : memref<1x1x2x128xi32, #tpu.memory_space<hbm>> -> memref<2x128xi32, #tpu.memory_space<hbm>>
      tpu.wait_dma2 semaphore(%run_scoped3A_55 : memref<!tpu.dma_semaphore, #tpu.memory_space<semaphore_mem>>) src(%dma_wait3A_86 : memref<2x128xi32, #tpu.memory_space<hbm>>) dst(%dma_wait3A_82 : memref<2x128xi32, #tpu.memory_space<vmem>>)
      tpu.yield
    }) : () -> ()
    %dma_start3A = arith.constant 0 : i32
    %dma_start3A_32 = arith.constant 0 : i32
    %dma_start3A_33 = arith.constant 0 : i32
    %dma_start3A_34 = arith.constant 0 : i32
    %dma_start3A_35 = arith.constant 0 : i32
    %dma_start3A_36 = tpu.memref_slice %arg6[%dma_start3A_33, %dma_start3A_34, %dma_start3A_35] : memref<2x128x128xf32, #tpu.memory_space<vmem>> -> memref<1x128x128xf32, #tpu.memory_space<vmem>>
    %dma_start3A_37 = tpu.memref_squeeze %dma_start3A_36 : memref<1x128x128xf32, #tpu.memory_space<vmem>> -> memref<128x128xf32, #tpu.memory_space<vmem>>
    %dma_start3A_38 = arith.constant 0 : i32
    %dma_start3A_39 = tpu.memref_slice %arg5[%dma_start3A, %dma_start3A_32, %dma_start3A_38] : memref<2x2x128xi32, #tpu.memory_space<vmem>> -> memref<1x1x128xi32, #tpu.memory_space<vmem>>
    %dma_start3A_40 = tpu.memref_squeeze %dma_start3A_39 : memref<1x1x128xi32, #tpu.memory_space<vmem>> -> memref<128xi32, #tpu.memory_space<vmem>>
    %dma_start3A_41 = arith.constant 0 : i32
    %dma_start3A_42 = arith.constant 0 : i32
    %dma_start3A_43 = tpu.memref_slice %arg3[%dma_start3A_41, %dma_start3A_42] : memref<10240x128xf32, #tpu.memory_space<hbm>> -> memref<10240x128xf32, #tpu.memory_space<hbm>>
    tpu.enqueue_indirect_dma source(%dma_start3A_43 : memref<10240x128xf32, #tpu.memory_space<hbm>>) target(%dma_start3A_37 : memref<128x128xf32, #tpu.memory_space<vmem>>) offsets(%dma_start3A_40 : memref<128xi32, #tpu.memory_space<vmem>>) semaphore(%arg9 : memref<!tpu.dma_semaphore, #tpu.memory_space<semaphore_mem>>)
    %scan3A_44 = arith.constant 0 : i32
    %scan3A_45 = arith.constant 0 : i32
    %scan3A_46 = arith.constant 79 : i32
    %scan3A_47 = arith.addi %scan3A_45, %scan3A_46 : i32
    %scan3A_48 = arith.constant 1 : i32
    scf.for %scan3A_55 = %scan3A_45 to %scan3A_47 step %scan3A_48  : i32 {
      %rem3A = arith.constant 2 : i32
      %rem3A_56 = arith.remsi %scan3A_55, %rem3A : i32
      %sub3A = arith.constant 1 : i32
      %sub3A_57 = arith.subi %sub3A, %rem3A_56 : i32
      %add3A_58 = arith.constant 1 : i32
      %add3A_59 = arith.addi %scan3A_55, %add3A_58 : i32
      %lt3A = arith.constant 79 : i32
      %lt3A_60 = arith.cmpi slt, %add3A_59, %lt3A : i32
      %convert_element_type3A = arith.extui %lt3A_60 : i1 to i32
      %cond3A = arith.constant 0 : i32
      %cond3A_61 = arith.cmpi ne, %convert_element_type3A, %cond3A : i32
      scf.if %cond3A_61 {
        %add3A_80 = arith.constant 1 : i32
        %add3A_81 = arith.addi %scan3A_55, %add3A_80 : i32
        %dma_start3A_82 = arith.constant 0 : i32
        %dma_start3A_83 = arith.constant 0 : i32
        %dma_start3A_84 = tpu.memref_slice %arg5[%sub3A_57, %dma_start3A_82, %dma_start3A_83] : memref<2x2x128xi32, #tpu.memory_space<vmem>> -> memref<1x2x128xi32, #tpu.memory_space<vmem>>
        %dma_start3A_85 = tpu.memref_squeeze %dma_start3A_84 : memref<1x2x128xi32, #tpu.memory_space<vmem>> -> memref<2x128xi32, #tpu.memory_space<vmem>>
        %dma_start3A_86 = arith.constant 0 : i32
        %dma_start3A_87 = arith.constant 0 : i32
        %dma_start3A_88 = tpu.memref_slice %arg2[%add3A, %add3A_81, %dma_start3A_86, %dma_start3A_87] : memref<32x79x2x128xi32, #tpu.memory_space<hbm>> -> memref<1x1x2x128xi32, #tpu.memory_space<hbm>>
        %dma_start3A_89 = tpu.memref_squeeze %dma_start3A_88 : memref<1x1x2x128xi32, #tpu.memory_space<hbm>> -> memref<2x128xi32, #tpu.memory_space<hbm>>
        %dma_start3A_90 = arith.constant 0 : i32
        %dma_start3A_91 = arith.constant 0 : i32
        %dma_start3A_92 = tpu.memref_slice %arg5[%sub3A_57, %dma_start3A_90, %dma_start3A_91] : memref<2x2x128xi32, #tpu.memory_space<vmem>> -> memref<1x2x128xi32, #tpu.memory_space<vmem>>
        %dma_start3A_93 = tpu.memref_squeeze %dma_start3A_92 : memref<1x2x128xi32, #tpu.memory_space<vmem>> -> memref<2x128xi32, #tpu.memory_space<vmem>>
        %dma_start3A_94 = arith.constant 0 : i32
        %dma_start3A_95 = arith.constant 0 : i32
        %dma_start3A_96 = tpu.memref_slice %arg2[%add3A, %add3A_81, %dma_start3A_94, %dma_start3A_95] : memref<32x79x2x128xi32, #tpu.memory_space<hbm>> -> memref<1x1x2x128xi32, #tpu.memory_space<hbm>>
        %dma_start3A_97 = tpu.memref_squeeze %dma_start3A_96 : memref<1x1x2x128xi32, #tpu.memory_space<hbm>> -> memref<2x128xi32, #tpu.memory_space<hbm>>
        tpu.enqueue_dma source(%dma_start3A_97 : memref<2x128xi32, #tpu.memory_space<hbm>>) target(%dma_start3A_93 : memref<2x128xi32, #tpu.memory_space<vmem>>) target_semaphore(%arg8 : memref<!tpu.dma_semaphore, #tpu.memory_space<semaphore_mem>>)
        %add3A_98 = arith.constant 1 : i32
        %add3A_99 = arith.addi %scan3A_55, %add3A_98 : i32
        %dma_wait3A_100 = arith.constant 0 : i32
        %dma_wait3A_101 = arith.constant 0 : i32
        %dma_wait3A_102 = tpu.memref_slice %arg5[%sub3A_57, %dma_wait3A_100, %dma_wait3A_101] : memref<2x2x128xi32, #tpu.memory_space<vmem>> -> memref<1x2x128xi32, #tpu.memory_space<vmem>>
        %dma_wait3A_103 = tpu.memref_squeeze %dma_wait3A_102 : memref<1x2x128xi32, #tpu.memory_space<vmem>> -> memref<2x128xi32, #tpu.memory_space<vmem>>
        %dma_wait3A_104 = arith.constant 0 : i32
        %dma_wait3A_105 = arith.constant 0 : i32
        %dma_wait3A_106 = tpu.memref_slice %arg2[%add3A, %add3A_99, %dma_wait3A_104, %dma_wait3A_105] : memref<32x79x2x128xi32, #tpu.memory_space<hbm>> -> memref<1x1x2x128xi32, #tpu.memory_space<hbm>>
        %dma_wait3A_107 = tpu.memref_squeeze %dma_wait3A_106 : memref<1x1x2x128xi32, #tpu.memory_space<hbm>> -> memref<2x128xi32, #tpu.memory_space<hbm>>
        %dma_wait3A_108 = arith.constant 0 : i32
        %dma_wait3A_109 = arith.constant 0 : i32
        %dma_wait3A_110 = tpu.memref_slice %arg5[%sub3A_57, %dma_wait3A_108, %dma_wait3A_109] : memref<2x2x128xi32, #tpu.memory_space<vmem>> -> memref<1x2x128xi32, #tpu.memory_space<vmem>>
        %dma_wait3A_111 = tpu.memref_squeeze %dma_wait3A_110 : memref<1x2x128xi32, #tpu.memory_space<vmem>> -> memref<2x128xi32, #tpu.memory_space<vmem>>
        %dma_wait3A_112 = arith.constant 0 : i32
        %dma_wait3A_113 = arith.constant 0 : i32
        %dma_wait3A_114 = tpu.memref_slice %arg2[%add3A, %add3A_99, %dma_wait3A_112, %dma_wait3A_113] : memref<32x79x2x128xi32, #tpu.memory_space<hbm>> -> memref<1x1x2x128xi32, #tpu.memory_space<hbm>>
        %dma_wait3A_115 = tpu.memref_squeeze %dma_wait3A_114 : memref<1x1x2x128xi32, #tpu.memory_space<hbm>> -> memref<2x128xi32, #tpu.memory_space<hbm>>
        tpu.wait_dma2 semaphore(%arg8 : memref<!tpu.dma_semaphore, #tpu.memory_space<semaphore_mem>>) src(%dma_wait3A_115 : memref<2x128xi32, #tpu.memory_space<hbm>>) dst(%dma_wait3A_111 : memref<2x128xi32, #tpu.memory_space<vmem>>)
      } else {
      }
      %dma_wait3A = arith.constant 0 : i32
      %dma_wait3A_62 = arith.constant 0 : i32
      %dma_wait3A_63 = arith.constant 0 : i32
      %dma_wait3A_64 = tpu.memref_slice %arg6[%rem3A_56, %dma_wait3A_62, %dma_wait3A_63] : memref<2x128x128xf32, #tpu.memory_space<vmem>> -> memref<1x128x128xf32, #tpu.memory_space<vmem>>
      %dma_wait3A_65 = tpu.memref_squeeze %dma_wait3A_64 : memref<1x128x128xf32, #tpu.memory_space<vmem>> -> memref<128x128xf32, #tpu.memory_space<vmem>>
      %dma_wait3A_66 = arith.constant 0 : i32
      %dma_wait3A_67 = tpu.memref_slice %arg5[%rem3A_56, %dma_wait3A, %dma_wait3A_66] : memref<2x2x128xi32, #tpu.memory_space<vmem>> -> memref<1x1x128xi32, #tpu.memory_space<vmem>>
      %dma_wait3A_68 = tpu.memref_squeeze %dma_wait3A_67 : memref<1x1x128xi32, #tpu.memory_space<vmem>> -> memref<128xi32, #tpu.memory_space<vmem>>
      %dma_wait3A_69 = arith.constant 0 : i32
      %dma_wait3A_70 = arith.constant 0 : i32
      %dma_wait3A_71 = tpu.memref_slice %arg3[%dma_wait3A_69, %dma_wait3A_70] : memref<10240x128xf32, #tpu.memory_space<hbm>> -> memref<10240x128xf32, #tpu.memory_space<hbm>>
      tpu.wait_indirect_dma semaphore(%arg9 : memref<!tpu.dma_semaphore, #tpu.memory_space<semaphore_mem>>) src(%dma_wait3A_71 : memref<10240x128xf32, #tpu.memory_space<hbm>>) dst(%dma_wait3A_65 : memref<128x128xf32, #tpu.memory_space<vmem>>)
      %add3A_72 = arith.constant 1 : i32
      %add3A_73 = arith.addi %scan3A_55, %add3A_72 : i32
      %lt3A_74 = arith.constant 79 : i32
      %lt3A_75 = arith.cmpi slt, %add3A_73, %lt3A_74 : i32
      %convert_element_type3A_76 = arith.extui %lt3A_75 : i1 to i32
      %cond3A_77 = arith.constant 0 : i32
      %cond3A_78 = arith.cmpi ne, %convert_element_type3A_76, %cond3A_77 : i32
      scf.if %cond3A_78 {
        %dma_start3A_80 = arith.constant 0 : i32
        %dma_start3A_81 = arith.constant 0 : i32
        %dma_start3A_82 = arith.constant 0 : i32
        %dma_start3A_83 = tpu.memref_slice %arg6[%sub3A_57, %dma_start3A_81, %dma_start3A_82] : memref<2x128x128xf32, #tpu.memory_space<vmem>> -> memref<1x128x128xf32, #tpu.memory_space<vmem>>
        %dma_start3A_84 = tpu.memref_squeeze %dma_start3A_83 : memref<1x128x128xf32, #tpu.memory_space<vmem>> -> memref<128x128xf32, #tpu.memory_space<vmem>>
        %dma_start3A_85 = arith.constant 0 : i32
        %dma_start3A_86 = tpu.memref_slice %arg5[%sub3A_57, %dma_start3A_80, %dma_start3A_85] : memref<2x2x128xi32, #tpu.memory_space<vmem>> -> memref<1x1x128xi32, #tpu.memory_space<vmem>>
        %dma_start3A_87 = tpu.memref_squeeze %dma_start3A_86 : memref<1x1x128xi32, #tpu.memory_space<vmem>> -> memref<128xi32, #tpu.memory_space<vmem>>
        %dma_start3A_88 = arith.constant 0 : i32
        %dma_start3A_89 = arith.constant 0 : i32
        %dma_start3A_90 = tpu.memref_slice %arg3[%dma_start3A_88, %dma_start3A_89] : memref<10240x128xf32, #tpu.memory_space<hbm>> -> memref<10240x128xf32, #tpu.memory_space<hbm>>
        tpu.enqueue_indirect_dma source(%dma_start3A_90 : memref<10240x128xf32, #tpu.memory_space<hbm>>) target(%dma_start3A_84 : memref<128x128xf32, #tpu.memory_space<vmem>>) offsets(%dma_start3A_87 : memref<128xi32, #tpu.memory_space<vmem>>) semaphore(%arg9 : memref<!tpu.dma_semaphore, #tpu.memory_space<semaphore_mem>>)
      } else {
      }
      %run_scoped3A_79 = arith.constant 1 : i32
      "tpu.region"() ({
        %run_scoped3A_80 = tpu.sem_alloc : memref<!tpu.dma_semaphore, #tpu.memory_space<semaphore_mem>>
        %dma_start3A_81 = arith.constant 0 : i32
        %dma_start3A_82 = arith.constant 0 : i32
        %dma_start3A_83 = tpu.memref_slice %arg6[%rem3A_56, %dma_start3A_81, %dma_start3A_82] : memref<2x128x128xf32, #tpu.memory_space<vmem>> -> memref<1x128x128xf32, #tpu.memory_space<vmem>>
        %dma_start3A_84 = tpu.memref_squeeze %dma_start3A_83 : memref<1x128x128xf32, #tpu.memory_space<vmem>> -> memref<128x128xf32, #tpu.memory_space<vmem>>
        %dma_start3A_85 = arith.constant 0 : i32
        %dma_start3A_86 = tpu.memref_slice %arg5[%rem3A_56, %run_scoped3A_79, %dma_start3A_85] : memref<2x2x128xi32, #tpu.memory_space<vmem>> -> memref<1x1x128xi32, #tpu.memory_space<vmem>>
        %dma_start3A_87 = tpu.memref_squeeze %dma_start3A_86 : memref<1x1x128xi32, #tpu.memory_space<vmem>> -> memref<128xi32, #tpu.memory_space<vmem>>
        %dma_start3A_88 = arith.constant 0 : i32
        %dma_start3A_89 = arith.constant 0 : i32
        %dma_start3A_90 = tpu.memref_slice %arg7[%dma_start3A_88, %dma_start3A_89] : memref<10240x128xf32, #tpu.memory_space<vmem_shared>> -> memref<10240x128xf32, #tpu.memory_space<vmem_shared>>
        tpu.enqueue_indirect_dma source(%dma_start3A_84 : memref<128x128xf32, #tpu.memory_space<vmem>>) target(%dma_start3A_90 : memref<10240x128xf32, #tpu.memory_space<vmem_shared>>) offsets(%dma_start3A_87 : memref<128xi32, #tpu.memory_space<vmem>>) semaphore(%run_scoped3A_80 : memref<!tpu.dma_semaphore, #tpu.memory_space<semaphore_mem>>) {add = true}
        %dma_wait3A_91 = arith.constant 0 : i32
        %dma_wait3A_92 = arith.constant 0 : i32
        %dma_wait3A_93 = tpu.memref_slice %arg6[%rem3A_56, %dma_wait3A_91, %dma_wait3A_92] : memref<2x128x128xf32, #tpu.memory_space<vmem>> -> memref<1x128x128xf32, #tpu.memory_space<vmem>>
        %dma_wait3A_94 = tpu.memref_squeeze %dma_wait3A_93 : memref<1x128x128xf32, #tpu.memory_space<vmem>> -> memref<128x128xf32, #tpu.memory_space<vmem>>
        %dma_wait3A_95 = arith.constant 0 : i32
        %dma_wait3A_96 = tpu.memref_slice %arg5[%rem3A_56, %run_scoped3A_79, %dma_wait3A_95] : memref<2x2x128xi32, #tpu.memory_space<vmem>> -> memref<1x1x128xi32, #tpu.memory_space<vmem>>
        %dma_wait3A_97 = tpu.memref_squeeze %dma_wait3A_96 : memref<1x1x128xi32, #tpu.memory_space<vmem>> -> memref<128xi32, #tpu.memory_space<vmem>>
        %dma_wait3A_98 = arith.constant 0 : i32
        %dma_wait3A_99 = arith.constant 0 : i32
        %dma_wait3A_100 = tpu.memref_slice %arg7[%dma_wait3A_98, %dma_wait3A_99] : memref<10240x128xf32, #tpu.memory_space<vmem_shared>> -> memref<10240x128xf32, #tpu.memory_space<vmem_shared>>
        tpu.wait_indirect_dma semaphore(%run_scoped3A_80 : memref<!tpu.dma_semaphore, #tpu.memory_space<semaphore_mem>>) src(%dma_wait3A_94 : memref<128x128xf32, #tpu.memory_space<vmem>>) dst(%dma_wait3A_100 : memref<10240x128xf32, #tpu.memory_space<vmem_shared>>)
        tpu.yield
      }) : () -> ()
    }
    %scan3A_49 = arith.constant 79 : i32
    %barrier3A_50 = arith.constant 0 : index
    tpu.barrier barrier_id(%barrier3A_50)
    %mul3A_51 = arith.constant 640 : i32
    %mul3A_52 = arith.muli %arg1, %mul3A_51 : i32
    %mul3A_53 = arith.constant 640 : i32
    %mul3A_54 = arith.muli %arg1, %mul3A_53 : i32
    "tpu.region"() ({
      %run_scoped3A_55 = tpu.sem_alloc : memref<!tpu.dma_semaphore, #tpu.memory_space<semaphore_mem>>
      %dma_start3A_56 = arith.constant 0 : i32
      %dma_start3A_57 = tpu.memref_slice %arg4[%arg0, %mul3A_54, %dma_start3A_56] : memref<2x10240x128xf32, #tpu.memory_space<hbm>> -> memref<1x640x128xf32, #tpu.memory_space<hbm>>
      %dma_start3A_58 = tpu.memref_squeeze %dma_start3A_57 : memref<1x640x128xf32, #tpu.memory_space<hbm>> -> memref<640x128xf32, #tpu.memory_space<hbm>>
      %dma_start3A_59 = arith.constant 0 : i32
      %dma_start3A_60 = tpu.memref_slice %arg7[%mul3A_52, %dma_start3A_59] : memref<10240x128xf32, #tpu.memory_space<vmem_shared>> -> memref<640x128xf32, #tpu.memory_space<vmem_shared>>
      tpu.enqueue_dma source(%dma_start3A_60 : memref<640x128xf32, #tpu.memory_space<vmem_shared>>) target(%dma_start3A_58 : memref<640x128xf32, #tpu.memory_space<hbm>>) target_semaphore(%run_scoped3A_55 : memref<!tpu.dma_semaphore, #tpu.memory_space<semaphore_mem>>)
      %dma_wait3A = arith.constant 0 : i32
      %dma_wait3A_61 = tpu.memref_slice %arg4[%arg0, %mul3A_54, %dma_wait3A] : memref<2x10240x128xf32, #tpu.memory_space<hbm>> -> memref<1x640x128xf32, #tpu.memory_space<hbm>>
      %dma_wait3A_62 = tpu.memref_squeeze %dma_wait3A_61 : memref<1x640x128xf32, #tpu.memory_space<hbm>> -> memref<640x128xf32, #tpu.memory_space<hbm>>
      %dma_wait3A_63 = arith.constant 0 : i32
      %dma_wait3A_64 = tpu.memref_slice %arg7[%mul3A_52, %dma_wait3A_63] : memref<10240x128xf32, #tpu.memory_space<vmem_shared>> -> memref<640x128xf32, #tpu.memory_space<vmem_shared>>
      tpu.wait_dma2 semaphore(%run_scoped3A_55 : memref<!tpu.dma_semaphore, #tpu.memory_space<semaphore_mem>>) src(%dma_wait3A_64 : memref<640x128xf32, #tpu.memory_space<vmem_shared>>) dst(%dma_wait3A_62 : memref<640x128xf32, #tpu.memory_space<hbm>>)
      tpu.yield
    }) : () -> ()
    return
  }
}

#map = affine_map<(d0, d1) -> (0, 0, 0, 0)>
#map1 = affine_map<(d0, d1) -> (0, 0, 0)>
#map2 = affine_map<(d0, d1) -> (0, 0)>
module attributes {stable_mosaic.version = 14 : i64} {
  func.func @_deg_gather_body(%arg0: i32, %arg1: i32, %arg2: memref<32x79x2x128xi32, #tpu.memory_space<hbm>>, %arg3: memref<32x3x128xi32, #tpu.memory_space<hbm>>, %arg4: memref<10000x128xf32, #tpu.memory_space<hbm>>, %arg5: memref<2x10240x16xf32, #tpu.memory_space<hbm>>, %arg6: memref<10240x128xf32, #tpu.memory_space<hbm>>, %arg7: memref<2x2x128xi32, #tpu.memory_space<vmem>>, %arg8: memref<3x128xi32, #tpu.memory_space<vmem>>, %arg9: memref<128x16xf32, #tpu.memory_space<vmem>>, %arg10: memref<128x128xf32, #tpu.memory_space<vmem>>, %arg11: memref<10240x16xf32, #tpu.memory_space<vmem_shared>>, %arg12: memref<!tpu.dma_semaphore, #tpu.memory_space<semaphore_mem>>) attributes {dimension_semantics = [#tpu.dimension_semantics<core_parallel>, #tpu.dimension_semantics<subcore_parallel>], iteration_bounds = array<i64: 2, 16>, scalar_prefetch = 0 : i64, scratch_operands = 6 : i64, tpu.core_type = #tpu.core_type<sc_vector_subcore>, window_params = [{transform_indices = #map}, {transform_indices = #map1}, {transform_indices = #map2}, {transform_indices = #map1}, {transform_indices = #map2}]} {
    %mul3A = arith.constant 16 : i32
    %mul3A_0 = arith.muli %arg0, %mul3A : i32
    %add3A = arith.addi %mul3A_0, %arg1 : i32
    %scan3A = arith.constant 0 : i32
    %scan3A_1 = arith.constant 0 : i32
    %scan3A_2 = arith.constant 128 : i32
    %scan3A_3 = arith.addi %scan3A_1, %scan3A_2 : i32
    %scan3A_4 = arith.constant 1 : i32
    scf.for %scan3A_96 = %scan3A_1 to %scan3A_3 step %scan3A_4  : i32 {
      %broadcast_in_dim3A = arith.constant 0.000000e+00 : f32
      %broadcast_in_dim3A_97 = vector.broadcast %broadcast_in_dim3A : f32 to vector<16xf32>
      %swap3A = arith.index_cast %scan3A_96 : i32 to index
      %swap3A_98 = arith.constant 0 : index
      %swap3A_99 = tpu.vector_load %arg9[%swap3A, %swap3A_98] {strides = array<i32>} : memref<128x16xf32, #tpu.memory_space<vmem>>, vector<1x16xf32>,
      %swap3A_100 = vector.shape_cast %swap3A_99 : vector<1x16xf32> to vector<16xf32>
      %swap3A_101 = vector.shape_cast %broadcast_in_dim3A_97 : vector<16xf32> to vector<1x16xf32>
      tpu.vector_store %arg9[%swap3A, %swap3A_98], %swap3A_101 {strides = array<i32>} : memref<128x16xf32, #tpu.memory_space<vmem>>, vector<1x16xf32>,
    }
    %scan3A_5 = arith.constant 128 : i32
    %mul3A_6 = arith.constant 640 : i32
    %mul3A_7 = arith.muli %arg1, %mul3A_6 : i32
    %add3A_8 = arith.constant 0 : i32
    %add3A_9 = arith.addi %mul3A_7, %add3A_8 : i32
    "tpu.region"() ({
      %run_scoped3A_96 = tpu.sem_alloc : memref<!tpu.dma_semaphore, #tpu.memory_space<semaphore_mem>>
      %dma_start3A_97 = arith.constant 0 : i32
      %dma_start3A_98 = tpu.memref_slice %arg11[%add3A_9, %dma_start3A_97] : memref<10240x16xf32, #tpu.memory_space<vmem_shared>> -> memref<128x16xf32, #tpu.memory_space<vmem_shared>>
      %dma_start3A_99 = arith.constant 0 : i32
      %dma_start3A_100 = tpu.memref_slice %arg11[%add3A_9, %dma_start3A_99] : memref<10240x16xf32, #tpu.memory_space<vmem_shared>> -> memref<128x16xf32, #tpu.memory_space<vmem_shared>>
      tpu.enqueue_dma source(%arg9 : memref<128x16xf32, #tpu.memory_space<vmem>>) target(%dma_start3A_100 : memref<128x16xf32, #tpu.memory_space<vmem_shared>>) target_semaphore(%run_scoped3A_96 : memref<!tpu.dma_semaphore, #tpu.memory_space<semaphore_mem>>)
      %dma_wait3A_101 = arith.constant 0 : i32
      %dma_wait3A_102 = tpu.memref_slice %arg11[%add3A_9, %dma_wait3A_101] : memref<10240x16xf32, #tpu.memory_space<vmem_shared>> -> memref<128x16xf32, #tpu.memory_space<vmem_shared>>
      %dma_wait3A_103 = arith.constant 0 : i32
      %dma_wait3A_104 = tpu.memref_slice %arg11[%add3A_9, %dma_wait3A_103] : memref<10240x16xf32, #tpu.memory_space<vmem_shared>> -> memref<128x16xf32, #tpu.memory_space<vmem_shared>>
      tpu.wait_dma2 semaphore(%run_scoped3A_96 : memref<!tpu.dma_semaphore, #tpu.memory_space<semaphore_mem>>) src(%arg9 : memref<128x16xf32, #tpu.memory_space<vmem>>) dst(%dma_wait3A_104 : memref<128x16xf32, #tpu.memory_space<vmem_shared>>)
      tpu.yield
    }) : () -> ()
    %mul3A_10 = arith.constant 640 : i32
    %mul3A_11 = arith.muli %arg1, %mul3A_10 : i32
    %add3A_12 = arith.constant 128 : i32
    %add3A_13 = arith.addi %mul3A_11, %add3A_12 : i32
    "tpu.region"() ({
      %run_scoped3A_96 = tpu.sem_alloc : memref<!tpu.dma_semaphore, #tpu.memory_space<semaphore_mem>>
      %dma_start3A_97 = arith.constant 0 : i32
      %dma_start3A_98 = tpu.memref_slice %arg11[%add3A_13, %dma_start3A_97] : memref<10240x16xf32, #tpu.memory_space<vmem_shared>> -> memref<128x16xf32, #tpu.memory_space<vmem_shared>>
      %dma_start3A_99 = arith.constant 0 : i32
      %dma_start3A_100 = tpu.memref_slice %arg11[%add3A_13, %dma_start3A_99] : memref<10240x16xf32, #tpu.memory_space<vmem_shared>> -> memref<128x16xf32, #tpu.memory_space<vmem_shared>>
      tpu.enqueue_dma source(%arg9 : memref<128x16xf32, #tpu.memory_space<vmem>>) target(%dma_start3A_100 : memref<128x16xf32, #tpu.memory_space<vmem_shared>>) target_semaphore(%run_scoped3A_96 : memref<!tpu.dma_semaphore, #tpu.memory_space<semaphore_mem>>)
      %dma_wait3A_101 = arith.constant 0 : i32
      %dma_wait3A_102 = tpu.memref_slice %arg11[%add3A_13, %dma_wait3A_101] : memref<10240x16xf32, #tpu.memory_space<vmem_shared>> -> memref<128x16xf32, #tpu.memory_space<vmem_shared>>
      %dma_wait3A_103 = arith.constant 0 : i32
      %dma_wait3A_104 = tpu.memref_slice %arg11[%add3A_13, %dma_wait3A_103] : memref<10240x16xf32, #tpu.memory_space<vmem_shared>> -> memref<128x16xf32, #tpu.memory_space<vmem_shared>>
      tpu.wait_dma2 semaphore(%run_scoped3A_96 : memref<!tpu.dma_semaphore, #tpu.memory_space<semaphore_mem>>) src(%arg9 : memref<128x16xf32, #tpu.memory_space<vmem>>) dst(%dma_wait3A_104 : memref<128x16xf32, #tpu.memory_space<vmem_shared>>)
      tpu.yield
    }) : () -> ()
    %mul3A_14 = arith.constant 640 : i32
    %mul3A_15 = arith.muli %arg1, %mul3A_14 : i32
    %add3A_16 = arith.constant 256 : i32
    %add3A_17 = arith.addi %mul3A_15, %add3A_16 : i32
    "tpu.region"() ({
      %run_scoped3A_96 = tpu.sem_alloc : memref<!tpu.dma_semaphore, #tpu.memory_space<semaphore_mem>>
      %dma_start3A_97 = arith.constant 0 : i32
      %dma_start3A_98 = tpu.memref_slice %arg11[%add3A_17, %dma_start3A_97] : memref<10240x16xf32, #tpu.memory_space<vmem_shared>> -> memref<128x16xf32, #tpu.memory_space<vmem_shared>>
      %dma_start3A_99 = arith.constant 0 : i32
      %dma_start3A_100 = tpu.memref_slice %arg11[%add3A_17, %dma_start3A_99] : memref<10240x16xf32, #tpu.memory_space<vmem_shared>> -> memref<128x16xf32, #tpu.memory_space<vmem_shared>>
      tpu.enqueue_dma source(%arg9 : memref<128x16xf32, #tpu.memory_space<vmem>>) target(%dma_start3A_100 : memref<128x16xf32, #tpu.memory_space<vmem_shared>>) target_semaphore(%run_scoped3A_96 : memref<!tpu.dma_semaphore, #tpu.memory_space<semaphore_mem>>)
      %dma_wait3A_101 = arith.constant 0 : i32
      %dma_wait3A_102 = tpu.memref_slice %arg11[%add3A_17, %dma_wait3A_101] : memref<10240x16xf32, #tpu.memory_space<vmem_shared>> -> memref<128x16xf32, #tpu.memory_space<vmem_shared>>
      %dma_wait3A_103 = arith.constant 0 : i32
      %dma_wait3A_104 = tpu.memref_slice %arg11[%add3A_17, %dma_wait3A_103] : memref<10240x16xf32, #tpu.memory_space<vmem_shared>> -> memref<128x16xf32, #tpu.memory_space<vmem_shared>>
      tpu.wait_dma2 semaphore(%run_scoped3A_96 : memref<!tpu.dma_semaphore, #tpu.memory_space<semaphore_mem>>) src(%arg9 : memref<128x16xf32, #tpu.memory_space<vmem>>) dst(%dma_wait3A_104 : memref<128x16xf32, #tpu.memory_space<vmem_shared>>)
      tpu.yield
    }) : () -> ()
    %mul3A_18 = arith.constant 640 : i32
    %mul3A_19 = arith.muli %arg1, %mul3A_18 : i32
    %add3A_20 = arith.constant 384 : i32
    %add3A_21 = arith.addi %mul3A_19, %add3A_20 : i32
    "tpu.region"() ({
      %run_scoped3A_96 = tpu.sem_alloc : memref<!tpu.dma_semaphore, #tpu.memory_space<semaphore_mem>>
      %dma_start3A_97 = arith.constant 0 : i32
      %dma_start3A_98 = tpu.memref_slice %arg11[%add3A_21, %dma_start3A_97] : memref<10240x16xf32, #tpu.memory_space<vmem_shared>> -> memref<128x16xf32, #tpu.memory_space<vmem_shared>>
      %dma_start3A_99 = arith.constant 0 : i32
      %dma_start3A_100 = tpu.memref_slice %arg11[%add3A_21, %dma_start3A_99] : memref<10240x16xf32, #tpu.memory_space<vmem_shared>> -> memref<128x16xf32, #tpu.memory_space<vmem_shared>>
      tpu.enqueue_dma source(%arg9 : memref<128x16xf32, #tpu.memory_space<vmem>>) target(%dma_start3A_100 : memref<128x16xf32, #tpu.memory_space<vmem_shared>>) target_semaphore(%run_scoped3A_96 : memref<!tpu.dma_semaphore, #tpu.memory_space<semaphore_mem>>)
      %dma_wait3A_101 = arith.constant 0 : i32
      %dma_wait3A_102 = tpu.memref_slice %arg11[%add3A_21, %dma_wait3A_101] : memref<10240x16xf32, #tpu.memory_space<vmem_shared>> -> memref<128x16xf32, #tpu.memory_space<vmem_shared>>
      %dma_wait3A_103 = arith.constant 0 : i32
      %dma_wait3A_104 = tpu.memref_slice %arg11[%add3A_21, %dma_wait3A_103] : memref<10240x16xf32, #tpu.memory_space<vmem_shared>> -> memref<128x16xf32, #tpu.memory_space<vmem_shared>>
      tpu.wait_dma2 semaphore(%run_scoped3A_96 : memref<!tpu.dma_semaphore, #tpu.memory_space<semaphore_mem>>) src(%arg9 : memref<128x16xf32, #tpu.memory_space<vmem>>) dst(%dma_wait3A_104 : memref<128x16xf32, #tpu.memory_space<vmem_shared>>)
      tpu.yield
    }) : () -> ()
    %mul3A_22 = arith.constant 640 : i32
    %mul3A_23 = arith.muli %arg1, %mul3A_22 : i32
    %add3A_24 = arith.constant 512 : i32
    %add3A_25 = arith.addi %mul3A_23, %add3A_24 : i32
    "tpu.region"() ({
      %run_scoped3A_96 = tpu.sem_alloc : memref<!tpu.dma_semaphore, #tpu.memory_space<semaphore_mem>>
      %dma_start3A_97 = arith.constant 0 : i32
      %dma_start3A_98 = tpu.memref_slice %arg11[%add3A_25, %dma_start3A_97] : memref<10240x16xf32, #tpu.memory_space<vmem_shared>> -> memref<128x16xf32, #tpu.memory_space<vmem_shared>>
      %dma_start3A_99 = arith.constant 0 : i32
      %dma_start3A_100 = tpu.memref_slice %arg11[%add3A_25, %dma_start3A_99] : memref<10240x16xf32, #tpu.memory_space<vmem_shared>> -> memref<128x16xf32, #tpu.memory_space<vmem_shared>>
      tpu.enqueue_dma source(%arg9 : memref<128x16xf32, #tpu.memory_space<vmem>>) target(%dma_start3A_100 : memref<128x16xf32, #tpu.memory_space<vmem_shared>>) target_semaphore(%run_scoped3A_96 : memref<!tpu.dma_semaphore, #tpu.memory_space<semaphore_mem>>)
      %dma_wait3A_101 = arith.constant 0 : i32
      %dma_wait3A_102 = tpu.memref_slice %arg11[%add3A_25, %dma_wait3A_101] : memref<10240x16xf32, #tpu.memory_space<vmem_shared>> -> memref<128x16xf32, #tpu.memory_space<vmem_shared>>
      %dma_wait3A_103 = arith.constant 0 : i32
      %dma_wait3A_104 = tpu.memref_slice %arg11[%add3A_25, %dma_wait3A_103] : memref<10240x16xf32, #tpu.memory_space<vmem_shared>> -> memref<128x16xf32, #tpu.memory_space<vmem_shared>>
      tpu.wait_dma2 semaphore(%run_scoped3A_96 : memref<!tpu.dma_semaphore, #tpu.memory_space<semaphore_mem>>) src(%arg9 : memref<128x16xf32, #tpu.memory_space<vmem>>) dst(%dma_wait3A_104 : memref<128x16xf32, #tpu.memory_space<vmem_shared>>)
      tpu.yield
    }) : () -> ()
    %scan3A_26 = arith.constant 0 : i32
    %scan3A_27 = arith.constant 0 : i32
    %scan3A_28 = arith.constant 128 : i32
    %scan3A_29 = arith.addi %scan3A_27, %scan3A_28 : i32
    %scan3A_30 = arith.constant 1 : i32
    scf.for %scan3A_96 = %scan3A_27 to %scan3A_29 step %scan3A_30  : i32 {
      %broadcast_in_dim3A = arith.constant 1.000000e+00 : f32
      %broadcast_in_dim3A_97 = vector.broadcast %broadcast_in_dim3A : f32 to vector<16xf32>
      %swap3A = arith.index_cast %scan3A_96 : i32 to index
      %swap3A_98 = arith.constant 0 : index
      %swap3A_99 = tpu.vector_load %arg9[%swap3A, %swap3A_98] {strides = array<i32>} : memref<128x16xf32, #tpu.memory_space<vmem>>, vector<1x16xf32>,
      %swap3A_100 = vector.shape_cast %swap3A_99 : vector<1x16xf32> to vector<16xf32>
      %swap3A_101 = vector.shape_cast %broadcast_in_dim3A_97 : vector<16xf32> to vector<1x16xf32>
      tpu.vector_store %arg9[%swap3A, %swap3A_98], %swap3A_101 {strides = array<i32>} : memref<128x16xf32, #tpu.memory_space<vmem>>, vector<1x16xf32>,
    }
    %scan3A_31 = arith.constant 128 : i32
    "tpu.region"() ({
      %run_scoped3A_96 = tpu.sem_alloc : memref<!tpu.dma_semaphore, #tpu.memory_space<semaphore_mem>>
      %dma_start3A_97 = arith.constant 0 : i32
      %dma_start3A_98 = arith.constant 0 : i32
      %dma_start3A_99 = tpu.memref_slice %arg3[%add3A, %dma_start3A_97, %dma_start3A_98] : memref<32x3x128xi32, #tpu.memory_space<hbm>> -> memref<1x3x128xi32, #tpu.memory_space<hbm>>
      %dma_start3A_100 = tpu.memref_squeeze %dma_start3A_99 : memref<1x3x128xi32, #tpu.memory_space<hbm>> -> memref<3x128xi32, #tpu.memory_space<hbm>>
      %dma_start3A_101 = arith.constant 0 : i32
      %dma_start3A_102 = arith.constant 0 : i32
      %dma_start3A_103 = tpu.memref_slice %arg3[%add3A, %dma_start3A_101, %dma_start3A_102] : memref<32x3x128xi32, #tpu.memory_space<hbm>> -> memref<1x3x128xi32, #tpu.memory_space<hbm>>
      %dma_start3A_104 = tpu.memref_squeeze %dma_start3A_103 : memref<1x3x128xi32, #tpu.memory_space<hbm>> -> memref<3x128xi32, #tpu.memory_space<hbm>>
      tpu.enqueue_dma source(%dma_start3A_104 : memref<3x128xi32, #tpu.memory_space<hbm>>) target(%arg8 : memref<3x128xi32, #tpu.memory_space<vmem>>) target_semaphore(%run_scoped3A_96 : memref<!tpu.dma_semaphore, #tpu.memory_space<semaphore_mem>>)
      %dma_wait3A_105 = arith.constant 0 : i32
      %dma_wait3A_106 = arith.constant 0 : i32
      %dma_wait3A_107 = tpu.memref_slice %arg3[%add3A, %dma_wait3A_105, %dma_wait3A_106] : memref<32x3x128xi32, #tpu.memory_space<hbm>> -> memref<1x3x128xi32, #tpu.memory_space<hbm>>
      %dma_wait3A_108 = tpu.memref_squeeze %dma_wait3A_107 : memref<1x3x128xi32, #tpu.memory_space<hbm>> -> memref<3x128xi32, #tpu.memory_space<hbm>>
      %dma_wait3A_109 = arith.constant 0 : i32
      %dma_wait3A_110 = arith.constant 0 : i32
      %dma_wait3A_111 = tpu.memref_slice %arg3[%add3A, %dma_wait3A_109, %dma_wait3A_110] : memref<32x3x128xi32, #tpu.memory_space<hbm>> -> memref<1x3x128xi32, #tpu.memory_space<hbm>>
      %dma_wait3A_112 = tpu.memref_squeeze %dma_wait3A_111 : memref<1x3x128xi32, #tpu.memory_space<hbm>> -> memref<3x128xi32, #tpu.memory_space<hbm>>
      tpu.wait_dma2 semaphore(%run_scoped3A_96 : memref<!tpu.dma_semaphore, #tpu.memory_space<semaphore_mem>>) src(%dma_wait3A_112 : memref<3x128xi32, #tpu.memory_space<hbm>>) dst(%arg8 : memref<3x128xi32, #tpu.memory_space<vmem>>)
      tpu.yield
    }) : () -> ()
    %dma_start3A = arith.constant 0 : i32
    %dma_start3A_32 = arith.constant 0 : i32
    %dma_start3A_33 = tpu.memref_slice %arg8[%dma_start3A, %dma_start3A_32] : memref<3x128xi32, #tpu.memory_space<vmem>> -> memref<1x128xi32, #tpu.memory_space<vmem>>
    %dma_start3A_34 = tpu.memref_squeeze %dma_start3A_33 : memref<1x128xi32, #tpu.memory_space<vmem>> -> memref<128xi32, #tpu.memory_space<vmem>>
    %dma_start3A_35 = arith.constant 0 : i32
    %dma_start3A_36 = arith.constant 0 : i32
    %dma_start3A_37 = tpu.memref_slice %arg4[%dma_start3A_35, %dma_start3A_36] : memref<10000x128xf32, #tpu.memory_space<hbm>> -> memref<10000x128xf32, #tpu.memory_space<hbm>>
    tpu.enqueue_indirect_dma source(%dma_start3A_37 : memref<10000x128xf32, #tpu.memory_space<hbm>>) target(%arg10 : memref<128x128xf32, #tpu.memory_space<vmem>>) offsets(%dma_start3A_34 : memref<128xi32, #tpu.memory_space<vmem>>) semaphore(%arg12 : memref<!tpu.dma_semaphore, #tpu.memory_space<semaphore_mem>>)
    %dma_wait3A = arith.constant 0 : i32
    %dma_wait3A_38 = arith.constant 0 : i32
    %dma_wait3A_39 = tpu.memref_slice %arg8[%dma_wait3A, %dma_wait3A_38] : memref<3x128xi32, #tpu.memory_space<vmem>> -> memref<1x128xi32, #tpu.memory_space<vmem>>
    %dma_wait3A_40 = tpu.memref_squeeze %dma_wait3A_39 : memref<1x128xi32, #tpu.memory_space<vmem>> -> memref<128xi32, #tpu.memory_space<vmem>>
    %dma_wait3A_41 = arith.constant 0 : i32
    %dma_wait3A_42 = arith.constant 0 : i32
    %dma_wait3A_43 = tpu.memref_slice %arg4[%dma_wait3A_41, %dma_wait3A_42] : memref<10000x128xf32, #tpu.memory_space<hbm>> -> memref<10000x128xf32, #tpu.memory_space<hbm>>
    tpu.wait_indirect_dma semaphore(%arg12 : memref<!tpu.dma_semaphore, #tpu.memory_space<semaphore_mem>>) src(%dma_wait3A_43 : memref<10000x128xf32, #tpu.memory_space<hbm>>) dst(%arg10 : memref<128x128xf32, #tpu.memory_space<vmem>>)
    %mul3A_44 = arith.constant 320 : i32
    %mul3A_45 = arith.muli %add3A, %mul3A_44 : i32
    %add3A_46 = arith.constant 0 : i32
    %add3A_47 = arith.addi %mul3A_45, %add3A_46 : i32
    "tpu.region"() ({
      %run_scoped3A_96 = tpu.sem_alloc : memref<!tpu.dma_semaphore, #tpu.memory_space<semaphore_mem>>
      %dma_start3A_97 = arith.constant 0 : i32
      %dma_start3A_98 = arith.constant 0 : i32
      %dma_start3A_99 = tpu.memref_slice %arg10[%dma_start3A_97, %dma_start3A_98] : memref<128x128xf32, #tpu.memory_space<vmem>> -> memref<128x128xf32, #tpu.memory_space<vmem>>
      %dma_start3A_100 = arith.constant 0 : i32
      %dma_start3A_101 = tpu.memref_slice %arg6[%add3A_47, %dma_start3A_100] : memref<10240x128xf32, #tpu.memory_space<hbm>> -> memref<128x128xf32, #tpu.memory_space<hbm>>
      %dma_start3A_102 = arith.constant 0 : i32
      %dma_start3A_103 = tpu.memref_slice %arg6[%add3A_47, %dma_start3A_102] : memref<10240x128xf32, #tpu.memory_space<hbm>> -> memref<128x128xf32, #tpu.memory_space<hbm>>
      %dma_start3A_104 = arith.constant 0 : i32
      %dma_start3A_105 = arith.constant 0 : i32
      %dma_start3A_106 = tpu.memref_slice %arg10[%dma_start3A_104, %dma_start3A_105] : memref<128x128xf32, #tpu.memory_space<vmem>> -> memref<128x128xf32, #tpu.memory_space<vmem>>
      tpu.enqueue_dma source(%dma_start3A_106 : memref<128x128xf32, #tpu.memory_space<vmem>>) target(%dma_start3A_103 : memref<128x128xf32, #tpu.memory_space<hbm>>) target_semaphore(%run_scoped3A_96 : memref<!tpu.dma_semaphore, #tpu.memory_space<semaphore_mem>>)
      %dma_wait3A_107 = arith.constant 0 : i32
      %dma_wait3A_108 = arith.constant 0 : i32
      %dma_wait3A_109 = tpu.memref_slice %arg10[%dma_wait3A_107, %dma_wait3A_108] : memref<128x128xf32, #tpu.memory_space<vmem>> -> memref<128x128xf32, #tpu.memory_space<vmem>>
      %dma_wait3A_110 = arith.constant 0 : i32
      %dma_wait3A_111 = tpu.memref_slice %arg6[%add3A_47, %dma_wait3A_110] : memref<10240x128xf32, #tpu.memory_space<hbm>> -> memref<128x128xf32, #tpu.memory_space<hbm>>
      %dma_wait3A_112 = arith.constant 0 : i32
      %dma_wait3A_113 = tpu.memref_slice %arg6[%add3A_47, %dma_wait3A_112] : memref<10240x128xf32, #tpu.memory_space<hbm>> -> memref<128x128xf32, #tpu.memory_space<hbm>>
      %dma_wait3A_114 = arith.constant 0 : i32
      %dma_wait3A_115 = arith.constant 0 : i32
      %dma_wait3A_116 = tpu.memref_slice %arg10[%dma_wait3A_114, %dma_wait3A_115] : memref<128x128xf32, #tpu.memory_space<vmem>> -> memref<128x128xf32, #tpu.memory_space<vmem>>
      tpu.wait_dma2 semaphore(%run_scoped3A_96 : memref<!tpu.dma_semaphore, #tpu.memory_space<semaphore_mem>>) src(%dma_wait3A_116 : memref<128x128xf32, #tpu.memory_space<vmem>>) dst(%dma_wait3A_113 : memref<128x128xf32, #tpu.memory_space<hbm>>)
      tpu.yield
    }) : () -> ()
    %dma_start3A_48 = arith.constant 1 : i32
    %dma_start3A_49 = arith.constant 0 : i32
    %dma_start3A_50 = tpu.memref_slice %arg8[%dma_start3A_48, %dma_start3A_49] : memref<3x128xi32, #tpu.memory_space<vmem>> -> memref<1x128xi32, #tpu.memory_space<vmem>>
    %dma_start3A_51 = tpu.memref_squeeze %dma_start3A_50 : memref<1x128xi32, #tpu.memory_space<vmem>> -> memref<128xi32, #tpu.memory_space<vmem>>
    %dma_start3A_52 = arith.constant 0 : i32
    %dma_start3A_53 = arith.constant 0 : i32
    %dma_start3A_54 = tpu.memref_slice %arg4[%dma_start3A_52, %dma_start3A_53] : memref<10000x128xf32, #tpu.memory_space<hbm>> -> memref<10000x128xf32, #tpu.memory_space<hbm>>
    tpu.enqueue_indirect_dma source(%dma_start3A_54 : memref<10000x128xf32, #tpu.memory_space<hbm>>) target(%arg10 : memref<128x128xf32, #tpu.memory_space<vmem>>) offsets(%dma_start3A_51 : memref<128xi32, #tpu.memory_space<vmem>>) semaphore(%arg12 : memref<!tpu.dma_semaphore, #tpu.memory_space<semaphore_mem>>)
    %dma_wait3A_55 = arith.constant 1 : i32
    %dma_wait3A_56 = arith.constant 0 : i32
    %dma_wait3A_57 = tpu.memref_slice %arg8[%dma_wait3A_55, %dma_wait3A_56] : memref<3x128xi32, #tpu.memory_space<vmem>> -> memref<1x128xi32, #tpu.memory_space<vmem>>
    %dma_wait3A_58 = tpu.memref_squeeze %dma_wait3A_57 : memref<1x128xi32, #tpu.memory_space<vmem>> -> memref<128xi32, #tpu.memory_space<vmem>>
    %dma_wait3A_59 = arith.constant 0 : i32
    %dma_wait3A_60 = arith.constant 0 : i32
    %dma_wait3A_61 = tpu.memref_slice %arg4[%dma_wait3A_59, %dma_wait3A_60] : memref<10000x128xf32, #tpu.memory_space<hbm>> -> memref<10000x128xf32, #tpu.memory_space<hbm>>
    tpu.wait_indirect_dma semaphore(%arg12 : memref<!tpu.dma_semaphore, #tpu.memory_space<semaphore_mem>>) src(%dma_wait3A_61 : memref<10000x128xf32, #tpu.memory_space<hbm>>) dst(%arg10 : memref<128x128xf32, #tpu.memory_space<vmem>>)
    %mul3A_62 = arith.constant 320 : i32
    %mul3A_63 = arith.muli %add3A, %mul3A_62 : i32
    %add3A_64 = arith.constant 128 : i32
    %add3A_65 = arith.addi %mul3A_63, %add3A_64 : i32
    "tpu.region"() ({
      %run_scoped3A_96 = tpu.sem_alloc : memref<!tpu.dma_semaphore, #tpu.memory_space<semaphore_mem>>
      %dma_start3A_97 = arith.constant 0 : i32
      %dma_start3A_98 = arith.constant 0 : i32
      %dma_start3A_99 = tpu.memref_slice %arg10[%dma_start3A_97, %dma_start3A_98] : memref<128x128xf32, #tpu.memory_space<vmem>> -> memref<128x128xf32, #tpu.memory_space<vmem>>
      %dma_start3A_100 = arith.constant 0 : i32
      %dma_start3A_101 = tpu.memref_slice %arg6[%add3A_65, %dma_start3A_100] : memref<10240x128xf32, #tpu.memory_space<hbm>> -> memref<128x128xf32, #tpu.memory_space<hbm>>
      %dma_start3A_102 = arith.constant 0 : i32
      %dma_start3A_103 = tpu.memref_slice %arg6[%add3A_65, %dma_start3A_102] : memref<10240x128xf32, #tpu.memory_space<hbm>> -> memref<128x128xf32, #tpu.memory_space<hbm>>
      %dma_start3A_104 = arith.constant 0 : i32
      %dma_start3A_105 = arith.constant 0 : i32
      %dma_start3A_106 = tpu.memref_slice %arg10[%dma_start3A_104, %dma_start3A_105] : memref<128x128xf32, #tpu.memory_space<vmem>> -> memref<128x128xf32, #tpu.memory_space<vmem>>
      tpu.enqueue_dma source(%dma_start3A_106 : memref<128x128xf32, #tpu.memory_space<vmem>>) target(%dma_start3A_103 : memref<128x128xf32, #tpu.memory_space<hbm>>) target_semaphore(%run_scoped3A_96 : memref<!tpu.dma_semaphore, #tpu.memory_space<semaphore_mem>>)
      %dma_wait3A_107 = arith.constant 0 : i32
      %dma_wait3A_108 = arith.constant 0 : i32
      %dma_wait3A_109 = tpu.memref_slice %arg10[%dma_wait3A_107, %dma_wait3A_108] : memref<128x128xf32, #tpu.memory_space<vmem>> -> memref<128x128xf32, #tpu.memory_space<vmem>>
      %dma_wait3A_110 = arith.constant 0 : i32
      %dma_wait3A_111 = tpu.memref_slice %arg6[%add3A_65, %dma_wait3A_110] : memref<10240x128xf32, #tpu.memory_space<hbm>> -> memref<128x128xf32, #tpu.memory_space<hbm>>
      %dma_wait3A_112 = arith.constant 0 : i32
      %dma_wait3A_113 = tpu.memref_slice %arg6[%add3A_65, %dma_wait3A_112] : memref<10240x128xf32, #tpu.memory_space<hbm>> -> memref<128x128xf32, #tpu.memory_space<hbm>>
      %dma_wait3A_114 = arith.constant 0 : i32
      %dma_wait3A_115 = arith.constant 0 : i32
      %dma_wait3A_116 = tpu.memref_slice %arg10[%dma_wait3A_114, %dma_wait3A_115] : memref<128x128xf32, #tpu.memory_space<vmem>> -> memref<128x128xf32, #tpu.memory_space<vmem>>
      tpu.wait_dma2 semaphore(%run_scoped3A_96 : memref<!tpu.dma_semaphore, #tpu.memory_space<semaphore_mem>>) src(%dma_wait3A_116 : memref<128x128xf32, #tpu.memory_space<vmem>>) dst(%dma_wait3A_113 : memref<128x128xf32, #tpu.memory_space<hbm>>)
      tpu.yield
    }) : () -> ()
    %dma_start3A_66 = arith.constant 2 : i32
    %dma_start3A_67 = arith.constant 0 : i32
    %dma_start3A_68 = tpu.memref_slice %arg8[%dma_start3A_66, %dma_start3A_67] : memref<3x128xi32, #tpu.memory_space<vmem>> -> memref<1x128xi32, #tpu.memory_space<vmem>>
    %dma_start3A_69 = tpu.memref_squeeze %dma_start3A_68 : memref<1x128xi32, #tpu.memory_space<vmem>> -> memref<128xi32, #tpu.memory_space<vmem>>
    %dma_start3A_70 = arith.constant 0 : i32
    %dma_start3A_71 = arith.constant 0 : i32
    %dma_start3A_72 = tpu.memref_slice %arg4[%dma_start3A_70, %dma_start3A_71] : memref<10000x128xf32, #tpu.memory_space<hbm>> -> memref<10000x128xf32, #tpu.memory_space<hbm>>
    tpu.enqueue_indirect_dma source(%dma_start3A_72 : memref<10000x128xf32, #tpu.memory_space<hbm>>) target(%arg10 : memref<128x128xf32, #tpu.memory_space<vmem>>) offsets(%dma_start3A_69 : memref<128xi32, #tpu.memory_space<vmem>>) semaphore(%arg12 : memref<!tpu.dma_semaphore, #tpu.memory_space<semaphore_mem>>)
    %dma_wait3A_73 = arith.constant 2 : i32
    %dma_wait3A_74 = arith.constant 0 : i32
    %dma_wait3A_75 = tpu.memref_slice %arg8[%dma_wait3A_73, %dma_wait3A_74] : memref<3x128xi32, #tpu.memory_space<vmem>> -> memref<1x128xi32, #tpu.memory_space<vmem>>
    %dma_wait3A_76 = tpu.memref_squeeze %dma_wait3A_75 : memref<1x128xi32, #tpu.memory_space<vmem>> -> memref<128xi32, #tpu.memory_space<vmem>>
    %dma_wait3A_77 = arith.constant 0 : i32
    %dma_wait3A_78 = arith.constant 0 : i32
    %dma_wait3A_79 = tpu.memref_slice %arg4[%dma_wait3A_77, %dma_wait3A_78] : memref<10000x128xf32, #tpu.memory_space<hbm>> -> memref<10000x128xf32, #tpu.memory_space<hbm>>
    tpu.wait_indirect_dma semaphore(%arg12 : memref<!tpu.dma_semaphore, #tpu.memory_space<semaphore_mem>>) src(%dma_wait3A_79 : memref<10000x128xf32, #tpu.memory_space<hbm>>) dst(%arg10 : memref<128x128xf32, #tpu.memory_space<vmem>>)
    %mul3A_80 = arith.constant 320 : i32
    %mul3A_81 = arith.muli %add3A, %mul3A_80 : i32
    %add3A_82 = arith.constant 256 : i32
    %add3A_83 = arith.addi %mul3A_81, %add3A_82 : i32
    "tpu.region"() ({
      %run_scoped3A_96 = tpu.sem_alloc : memref<!tpu.dma_semaphore, #tpu.memory_space<semaphore_mem>>
      %dma_start3A_97 = arith.constant 0 : i32
      %dma_start3A_98 = arith.constant 0 : i32
      %dma_start3A_99 = tpu.memref_slice %arg10[%dma_start3A_97, %dma_start3A_98] : memref<128x128xf32, #tpu.memory_space<vmem>> -> memref<64x128xf32, #tpu.memory_space<vmem>>
      %dma_start3A_100 = arith.constant 0 : i32
      %dma_start3A_101 = tpu.memref_slice %arg6[%add3A_83, %dma_start3A_100] : memref<10240x128xf32, #tpu.memory_space<hbm>> -> memref<64x128xf32, #tpu.memory_space<hbm>>
      %dma_start3A_102 = arith.constant 0 : i32
      %dma_start3A_103 = tpu.memref_slice %arg6[%add3A_83, %dma_start3A_102] : memref<10240x128xf32, #tpu.memory_space<hbm>> -> memref<64x128xf32, #tpu.memory_space<hbm>>
      %dma_start3A_104 = arith.constant 0 : i32
      %dma_start3A_105 = arith.constant 0 : i32
      %dma_start3A_106 = tpu.memref_slice %arg10[%dma_start3A_104, %dma_start3A_105] : memref<128x128xf32, #tpu.memory_space<vmem>> -> memref<64x128xf32, #tpu.memory_space<vmem>>
      tpu.enqueue_dma source(%dma_start3A_106 : memref<64x128xf32, #tpu.memory_space<vmem>>) target(%dma_start3A_103 : memref<64x128xf32, #tpu.memory_space<hbm>>) target_semaphore(%run_scoped3A_96 : memref<!tpu.dma_semaphore, #tpu.memory_space<semaphore_mem>>)
      %dma_wait3A_107 = arith.constant 0 : i32
      %dma_wait3A_108 = arith.constant 0 : i32
      %dma_wait3A_109 = tpu.memref_slice %arg10[%dma_wait3A_107, %dma_wait3A_108] : memref<128x128xf32, #tpu.memory_space<vmem>> -> memref<64x128xf32, #tpu.memory_space<vmem>>
      %dma_wait3A_110 = arith.constant 0 : i32
      %dma_wait3A_111 = tpu.memref_slice %arg6[%add3A_83, %dma_wait3A_110] : memref<10240x128xf32, #tpu.memory_space<hbm>> -> memref<64x128xf32, #tpu.memory_space<hbm>>
      %dma_wait3A_112 = arith.constant 0 : i32
      %dma_wait3A_113 = tpu.memref_slice %arg6[%add3A_83, %dma_wait3A_112] : memref<10240x128xf32, #tpu.memory_space<hbm>> -> memref<64x128xf32, #tpu.memory_space<hbm>>
      %dma_wait3A_114 = arith.constant 0 : i32
      %dma_wait3A_115 = arith.constant 0 : i32
      %dma_wait3A_116 = tpu.memref_slice %arg10[%dma_wait3A_114, %dma_wait3A_115] : memref<128x128xf32, #tpu.memory_space<vmem>> -> memref<64x128xf32, #tpu.memory_space<vmem>>
      tpu.wait_dma2 semaphore(%run_scoped3A_96 : memref<!tpu.dma_semaphore, #tpu.memory_space<semaphore_mem>>) src(%dma_wait3A_116 : memref<64x128xf32, #tpu.memory_space<vmem>>) dst(%dma_wait3A_113 : memref<64x128xf32, #tpu.memory_space<hbm>>)
      tpu.yield
    }) : () -> ()
    %barrier3A = arith.constant 0 : index
    tpu.barrier barrier_id(%barrier3A)
    %run_scoped3A = arith.constant 0 : i32
    %run_scoped3A_84 = arith.constant 0 : i32
    "tpu.region"() ({
      %run_scoped3A_96 = tpu.sem_alloc : memref<!tpu.dma_semaphore, #tpu.memory_space<semaphore_mem>>
      %dma_start3A_97 = arith.constant 0 : i32
      %dma_start3A_98 = arith.constant 0 : i32
      %dma_start3A_99 = tpu.memref_slice %arg7[%run_scoped3A_84, %dma_start3A_97, %dma_start3A_98] : memref<2x2x128xi32, #tpu.memory_space<vmem>> -> memref<1x2x128xi32, #tpu.memory_space<vmem>>
      %dma_start3A_100 = tpu.memref_squeeze %dma_start3A_99 : memref<1x2x128xi32, #tpu.memory_space<vmem>> -> memref<2x128xi32, #tpu.memory_space<vmem>>
      %dma_start3A_101 = arith.constant 0 : i32
      %dma_start3A_102 = arith.constant 0 : i32
      %dma_start3A_103 = tpu.memref_slice %arg2[%add3A, %run_scoped3A, %dma_start3A_101, %dma_start3A_102] : memref<32x79x2x128xi32, #tpu.memory_space<hbm>> -> memref<1x1x2x128xi32, #tpu.memory_space<hbm>>
      %dma_start3A_104 = tpu.memref_squeeze %dma_start3A_103 : memref<1x1x2x128xi32, #tpu.memory_space<hbm>> -> memref<2x128xi32, #tpu.memory_space<hbm>>
      %dma_start3A_105 = arith.constant 0 : i32
      %dma_start3A_106 = arith.constant 0 : i32
      %dma_start3A_107 = tpu.memref_slice %arg7[%run_scoped3A_84, %dma_start3A_105, %dma_start3A_106] : memref<2x2x128xi32, #tpu.memory_space<vmem>> -> memref<1x2x128xi32, #tpu.memory_space<vmem>>
      %dma_start3A_108 = tpu.memref_squeeze %dma_start3A_107 : memref<1x2x128xi32, #tpu.memory_space<vmem>> -> memref<2x128xi32, #tpu.memory_space<vmem>>
      %dma_start3A_109 = arith.constant 0 : i32
      %dma_start3A_110 = arith.constant 0 : i32
      %dma_start3A_111 = tpu.memref_slice %arg2[%add3A, %run_scoped3A, %dma_start3A_109, %dma_start3A_110] : memref<32x79x2x128xi32, #tpu.memory_space<hbm>> -> memref<1x1x2x128xi32, #tpu.memory_space<hbm>>
      %dma_start3A_112 = tpu.memref_squeeze %dma_start3A_111 : memref<1x1x2x128xi32, #tpu.memory_space<hbm>> -> memref<2x128xi32, #tpu.memory_space<hbm>>
      tpu.enqueue_dma source(%dma_start3A_112 : memref<2x128xi32, #tpu.memory_space<hbm>>) target(%dma_start3A_108 : memref<2x128xi32, #tpu.memory_space<vmem>>) target_semaphore(%run_scoped3A_96 : memref<!tpu.dma_semaphore, #tpu.memory_space<semaphore_mem>>)
      %dma_wait3A_113 = arith.constant 0 : i32
      %dma_wait3A_114 = arith.constant 0 : i32
      %dma_wait3A_115 = tpu.memref_slice %arg7[%run_scoped3A_84, %dma_wait3A_113, %dma_wait3A_114] : memref<2x2x128xi32, #tpu.memory_space<vmem>> -> memref<1x2x128xi32, #tpu.memory_space<vmem>>
      %dma_wait3A_116 = tpu.memref_squeeze %dma_wait3A_115 : memref<1x2x128xi32, #tpu.memory_space<vmem>> -> memref<2x128xi32, #tpu.memory_space<vmem>>
      %dma_wait3A_117 = arith.constant 0 : i32
      %dma_wait3A_118 = arith.constant 0 : i32
      %dma_wait3A_119 = tpu.memref_slice %arg2[%add3A, %run_scoped3A, %dma_wait3A_117, %dma_wait3A_118] : memref<32x79x2x128xi32, #tpu.memory_space<hbm>> -> memref<1x1x2x128xi32, #tpu.memory_space<hbm>>
      %dma_wait3A_120 = tpu.memref_squeeze %dma_wait3A_119 : memref<1x1x2x128xi32, #tpu.memory_space<hbm>> -> memref<2x128xi32, #tpu.memory_space<hbm>>
      %dma_wait3A_121 = arith.constant 0 : i32
      %dma_wait3A_122 = arith.constant 0 : i32
      %dma_wait3A_123 = tpu.memref_slice %arg7[%run_scoped3A_84, %dma_wait3A_121, %dma_wait3A_122] : memref<2x2x128xi32, #tpu.memory_space<vmem>> -> memref<1x2x128xi32, #tpu.memory_space<vmem>>
      %dma_wait3A_124 = tpu.memref_squeeze %dma_wait3A_123 : memref<1x2x128xi32, #tpu.memory_space<vmem>> -> memref<2x128xi32, #tpu.memory_space<vmem>>
      %dma_wait3A_125 = arith.constant 0 : i32
      %dma_wait3A_126 = arith.constant 0 : i32
      %dma_wait3A_127 = tpu.memref_slice %arg2[%add3A, %run_scoped3A, %dma_wait3A_125, %dma_wait3A_126] : memref<32x79x2x128xi32, #tpu.memory_space<hbm>> -> memref<1x1x2x128xi32, #tpu.memory_space<hbm>>
      %dma_wait3A_128 = tpu.memref_squeeze %dma_wait3A_127 : memref<1x1x2x128xi32, #tpu.memory_space<hbm>> -> memref<2x128xi32, #tpu.memory_space<hbm>>
      tpu.wait_dma2 semaphore(%run_scoped3A_96 : memref<!tpu.dma_semaphore, #tpu.memory_space<semaphore_mem>>) src(%dma_wait3A_128 : memref<2x128xi32, #tpu.memory_space<hbm>>) dst(%dma_wait3A_124 : memref<2x128xi32, #tpu.memory_space<vmem>>)
      tpu.yield
    }) : () -> ()
    %scan3A_85 = arith.constant 0 : i32
    %scan3A_86 = arith.constant 0 : i32
    %scan3A_87 = arith.constant 79 : i32
    %scan3A_88 = arith.addi %scan3A_86, %scan3A_87 : i32
    %scan3A_89 = arith.constant 1 : i32
    scf.for %scan3A_96 = %scan3A_86 to %scan3A_88 step %scan3A_89  : i32 {
      %rem3A = arith.constant 2 : i32
      %rem3A_97 = arith.remsi %scan3A_96, %rem3A : i32
      %add3A_98 = arith.constant 1 : i32
      %add3A_99 = arith.addi %scan3A_96, %add3A_98 : i32
      %lt3A = arith.constant 79 : i32
      %lt3A_100 = arith.cmpi slt, %add3A_99, %lt3A : i32
      %convert_element_type3A = arith.extui %lt3A_100 : i1 to i32
      %cond3A = arith.constant 0 : i32
      %cond3A_101 = arith.cmpi ne, %convert_element_type3A, %cond3A : i32
      scf.if %cond3A_101 {
        %add3A_110 = arith.constant 1 : i32
        %add3A_111 = arith.addi %scan3A_96, %add3A_110 : i32
        %sub3A = arith.constant 1 : i32
        %sub3A_112 = arith.subi %sub3A, %rem3A_97 : i32
        %dma_start3A_113 = arith.constant 0 : i32
        %dma_start3A_114 = arith.constant 0 : i32
        %dma_start3A_115 = tpu.memref_slice %arg7[%sub3A_112, %dma_start3A_113, %dma_start3A_114] : memref<2x2x128xi32, #tpu.memory_space<vmem>> -> memref<1x2x128xi32, #tpu.memory_space<vmem>>
        %dma_start3A_116 = tpu.memref_squeeze %dma_start3A_115 : memref<1x2x128xi32, #tpu.memory_space<vmem>> -> memref<2x128xi32, #tpu.memory_space<vmem>>
        %dma_start3A_117 = arith.constant 0 : i32
        %dma_start3A_118 = arith.constant 0 : i32
        %dma_start3A_119 = tpu.memref_slice %arg2[%add3A, %add3A_111, %dma_start3A_117, %dma_start3A_118] : memref<32x79x2x128xi32, #tpu.memory_space<hbm>> -> memref<1x1x2x128xi32, #tpu.memory_space<hbm>>
        %dma_start3A_120 = tpu.memref_squeeze %dma_start3A_119 : memref<1x1x2x128xi32, #tpu.memory_space<hbm>> -> memref<2x128xi32, #tpu.memory_space<hbm>>
        %dma_start3A_121 = arith.constant 0 : i32
        %dma_start3A_122 = arith.constant 0 : i32
        %dma_start3A_123 = tpu.memref_slice %arg7[%sub3A_112, %dma_start3A_121, %dma_start3A_122] : memref<2x2x128xi32, #tpu.memory_space<vmem>> -> memref<1x2x128xi32, #tpu.memory_space<vmem>>
        %dma_start3A_124 = tpu.memref_squeeze %dma_start3A_123 : memref<1x2x128xi32, #tpu.memory_space<vmem>> -> memref<2x128xi32, #tpu.memory_space<vmem>>
        %dma_start3A_125 = arith.constant 0 : i32
        %dma_start3A_126 = arith.constant 0 : i32
        %dma_start3A_127 = tpu.memref_slice %arg2[%add3A, %add3A_111, %dma_start3A_125, %dma_start3A_126] : memref<32x79x2x128xi32, #tpu.memory_space<hbm>> -> memref<1x1x2x128xi32, #tpu.memory_space<hbm>>
        %dma_start3A_128 = tpu.memref_squeeze %dma_start3A_127 : memref<1x1x2x128xi32, #tpu.memory_space<hbm>> -> memref<2x128xi32, #tpu.memory_space<hbm>>
        tpu.enqueue_dma source(%dma_start3A_128 : memref<2x128xi32, #tpu.memory_space<hbm>>) target(%dma_start3A_124 : memref<2x128xi32, #tpu.memory_space<vmem>>) target_semaphore(%arg12 : memref<!tpu.dma_semaphore, #tpu.memory_space<semaphore_mem>>)
      } else {
      }
      %run_scoped3A_102 = arith.constant 1 : i32
      "tpu.region"() ({
        %run_scoped3A_110 = tpu.sem_alloc : memref<!tpu.dma_semaphore, #tpu.memory_space<semaphore_mem>>
        %dma_start3A_111 = arith.constant 0 : i32
        %dma_start3A_112 = tpu.memref_slice %arg7[%rem3A_97, %run_scoped3A_102, %dma_start3A_111] : memref<2x2x128xi32, #tpu.memory_space<vmem>> -> memref<1x1x128xi32, #tpu.memory_space<vmem>>
        %dma_start3A_113 = tpu.memref_squeeze %dma_start3A_112 : memref<1x1x128xi32, #tpu.memory_space<vmem>> -> memref<128xi32, #tpu.memory_space<vmem>>
        %dma_start3A_114 = arith.constant 0 : i32
        %dma_start3A_115 = arith.constant 0 : i32
        %dma_start3A_116 = tpu.memref_slice %arg11[%dma_start3A_114, %dma_start3A_115] : memref<10240x16xf32, #tpu.memory_space<vmem_shared>> -> memref<10240x16xf32, #tpu.memory_space<vmem_shared>>
        tpu.enqueue_indirect_dma source(%arg9 : memref<128x16xf32, #tpu.memory_space<vmem>>) target(%dma_start3A_116 : memref<10240x16xf32, #tpu.memory_space<vmem_shared>>) offsets(%dma_start3A_113 : memref<128xi32, #tpu.memory_space<vmem>>) semaphore(%run_scoped3A_110 : memref<!tpu.dma_semaphore, #tpu.memory_space<semaphore_mem>>) {add = true}
        %dma_wait3A_117 = arith.constant 0 : i32
        %dma_wait3A_118 = tpu.memref_slice %arg7[%rem3A_97, %run_scoped3A_102, %dma_wait3A_117] : memref<2x2x128xi32, #tpu.memory_space<vmem>> -> memref<1x1x128xi32, #tpu.memory_space<vmem>>
        %dma_wait3A_119 = tpu.memref_squeeze %dma_wait3A_118 : memref<1x1x128xi32, #tpu.memory_space<vmem>> -> memref<128xi32, #tpu.memory_space<vmem>>
        %dma_wait3A_120 = arith.constant 0 : i32
        %dma_wait3A_121 = arith.constant 0 : i32
        %dma_wait3A_122 = tpu.memref_slice %arg11[%dma_wait3A_120, %dma_wait3A_121] : memref<10240x16xf32, #tpu.memory_space<vmem_shared>> -> memref<10240x16xf32, #tpu.memory_space<vmem_shared>>
        tpu.wait_indirect_dma semaphore(%run_scoped3A_110 : memref<!tpu.dma_semaphore, #tpu.memory_space<semaphore_mem>>) src(%arg9 : memref<128x16xf32, #tpu.memory_space<vmem>>) dst(%dma_wait3A_122 : memref<10240x16xf32, #tpu.memory_space<vmem_shared>>)
        tpu.yield
      }) : () -> ()
      %add3A_103 = arith.constant 1 : i32
      %add3A_104 = arith.addi %scan3A_96, %add3A_103 : i32
      %lt3A_105 = arith.constant 79 : i32
      %lt3A_106 = arith.cmpi slt, %add3A_104, %lt3A_105 : i32
      %convert_element_type3A_107 = arith.extui %lt3A_106 : i1 to i32
      %cond3A_108 = arith.constant 0 : i32
      %cond3A_109 = arith.cmpi ne, %convert_element_type3A_107, %cond3A_108 : i32
      scf.if %cond3A_109 {
        %add3A_110 = arith.constant 1 : i32
        %add3A_111 = arith.addi %scan3A_96, %add3A_110 : i32
        %sub3A = arith.constant 1 : i32
        %sub3A_112 = arith.subi %sub3A, %rem3A_97 : i32
        %dma_wait3A_113 = arith.constant 0 : i32
        %dma_wait3A_114 = arith.constant 0 : i32
        %dma_wait3A_115 = tpu.memref_slice %arg7[%sub3A_112, %dma_wait3A_113, %dma_wait3A_114] : memref<2x2x128xi32, #tpu.memory_space<vmem>> -> memref<1x2x128xi32, #tpu.memory_space<vmem>>
        %dma_wait3A_116 = tpu.memref_squeeze %dma_wait3A_115 : memref<1x2x128xi32, #tpu.memory_space<vmem>> -> memref<2x128xi32, #tpu.memory_space<vmem>>
        %dma_wait3A_117 = arith.constant 0 : i32
        %dma_wait3A_118 = arith.constant 0 : i32
        %dma_wait3A_119 = tpu.memref_slice %arg2[%add3A, %add3A_111, %dma_wait3A_117, %dma_wait3A_118] : memref<32x79x2x128xi32, #tpu.memory_space<hbm>> -> memref<1x1x2x128xi32, #tpu.memory_space<hbm>>
        %dma_wait3A_120 = tpu.memref_squeeze %dma_wait3A_119 : memref<1x1x2x128xi32, #tpu.memory_space<hbm>> -> memref<2x128xi32, #tpu.memory_space<hbm>>
        %dma_wait3A_121 = arith.constant 0 : i32
        %dma_wait3A_122 = arith.constant 0 : i32
        %dma_wait3A_123 = tpu.memref_slice %arg7[%sub3A_112, %dma_wait3A_121, %dma_wait3A_122] : memref<2x2x128xi32, #tpu.memory_space<vmem>> -> memref<1x2x128xi32, #tpu.memory_space<vmem>>
        %dma_wait3A_124 = tpu.memref_squeeze %dma_wait3A_123 : memref<1x2x128xi32, #tpu.memory_space<vmem>> -> memref<2x128xi32, #tpu.memory_space<vmem>>
        %dma_wait3A_125 = arith.constant 0 : i32
        %dma_wait3A_126 = arith.constant 0 : i32
        %dma_wait3A_127 = tpu.memref_slice %arg2[%add3A, %add3A_111, %dma_wait3A_125, %dma_wait3A_126] : memref<32x79x2x128xi32, #tpu.memory_space<hbm>> -> memref<1x1x2x128xi32, #tpu.memory_space<hbm>>
        %dma_wait3A_128 = tpu.memref_squeeze %dma_wait3A_127 : memref<1x1x2x128xi32, #tpu.memory_space<hbm>> -> memref<2x128xi32, #tpu.memory_space<hbm>>
        tpu.wait_dma2 semaphore(%arg12 : memref<!tpu.dma_semaphore, #tpu.memory_space<semaphore_mem>>) src(%dma_wait3A_128 : memref<2x128xi32, #tpu.memory_space<hbm>>) dst(%dma_wait3A_124 : memref<2x128xi32, #tpu.memory_space<vmem>>)
      } else {
      }
    }
    %scan3A_90 = arith.constant 79 : i32
    %barrier3A_91 = arith.constant 0 : index
    tpu.barrier barrier_id(%barrier3A_91)
    %mul3A_92 = arith.constant 640 : i32
    %mul3A_93 = arith.muli %arg1, %mul3A_92 : i32
    %mul3A_94 = arith.constant 640 : i32
    %mul3A_95 = arith.muli %arg1, %mul3A_94 : i32
    "tpu.region"() ({
      %run_scoped3A_96 = tpu.sem_alloc : memref<!tpu.dma_semaphore, #tpu.memory_space<semaphore_mem>>
      %dma_start3A_97 = arith.constant 0 : i32
      %dma_start3A_98 = tpu.memref_slice %arg5[%arg0, %mul3A_95, %dma_start3A_97] : memref<2x10240x16xf32, #tpu.memory_space<hbm>> -> memref<1x640x16xf32, #tpu.memory_space<hbm>>
      %dma_start3A_99 = tpu.memref_squeeze %dma_start3A_98 : memref<1x640x16xf32, #tpu.memory_space<hbm>> -> memref<640x16xf32, #tpu.memory_space<hbm>>
      %dma_start3A_100 = arith.constant 0 : i32
      %dma_start3A_101 = tpu.memref_slice %arg11[%mul3A_93, %dma_start3A_100] : memref<10240x16xf32, #tpu.memory_space<vmem_shared>> -> memref<640x16xf32, #tpu.memory_space<vmem_shared>>
      tpu.enqueue_dma source(%dma_start3A_101 : memref<640x16xf32, #tpu.memory_space<vmem_shared>>) target(%dma_start3A_99 : memref<640x16xf32, #tpu.memory_space<hbm>>) target_semaphore(%run_scoped3A_96 : memref<!tpu.dma_semaphore, #tpu.memory_space<semaphore_mem>>)
      %dma_wait3A_102 = arith.constant 0 : i32
      %dma_wait3A_103 = tpu.memref_slice %arg5[%arg0, %mul3A_95, %dma_wait3A_102] : memref<2x10240x16xf32, #tpu.memory_space<hbm>> -> memref<1x640x16xf32, #tpu.memory_space<hbm>>
      %dma_wait3A_104 = tpu.memref_squeeze %dma_wait3A_103 : memref<1x640x16xf32, #tpu.memory_space<hbm>> -> memref<640x16xf32, #tpu.memory_space<hbm>>
      %dma_wait3A_105 = arith.constant 0 : i32
      %dma_wait3A_106 = tpu.memref_slice %arg11[%mul3A_93, %dma_wait3A_105] : memref<10240x16xf32, #tpu.memory_space<vmem_shared>> -> memref<640x16xf32, #tpu.memory_space<vmem_shared>>
      tpu.wait_dma2 semaphore(%run_scoped3A_96 : memref<!tpu.dma_semaphore, #tpu.memory_space<semaphore_mem>>) src(%dma_wait3A_106 : memref<640x16xf32, #tpu.memory_space<vmem_shared>>) dst(%dma_wait3A_104 : memref<640x16xf32, #tpu.memory_space<hbm>>)
      tpu.yield
    }) : () -> ()
    return
  }
}

module attributes {stable_mosaic.version = 14 : i64} {
  func.func @_scale1_body(%arg0: memref<10240x128xf32, #tpu.memory_space<vmem>>, %arg1: memref<2x10240x16xf32, #tpu.memory_space<vmem>>, %arg2: memref<10240x128xf32, #tpu.memory_space<vmem>>, %arg3: memref<10240x1xf32, #tpu.memory_space<vmem>>) attributes {dimension_semantics = [], scalar_prefetch = 0 : i64, scratch_operands = 0 : i64, tpu.core_type = #tpu.core_type<tc>} {
    %get3A = arith.constant 0 : index
    %get3A_0 = arith.constant 0 : index
    %get3A_1 = arith.constant 0 : index
    %get3A_2 = vector.load %arg1[%get3A, %get3A_0, %get3A_1] : memref<2x10240x16xf32, #tpu.memory_space<vmem>>, vector<1x10240x16xf32>
    %get3A_3 = vector.shape_cast %get3A_2 : vector<1x10240x16xf32> to vector<10240x16xf32>
    %slice3A = vector.extract_strided_slice %get3A_3 {offsets = [0, 0], sizes = [10240, 1], strides = [1, 1]} : vector<10240x16xf32> to vector<10240x1xf32>
    %get3A_4 = arith.constant 1 : index
    %get3A_5 = arith.constant 0 : index
    %get3A_6 = arith.constant 0 : index
    %get3A_7 = vector.load %arg1[%get3A_4, %get3A_5, %get3A_6] : memref<2x10240x16xf32, #tpu.memory_space<vmem>>, vector<1x10240x16xf32>
    %get3A_8 = vector.shape_cast %get3A_7 : vector<1x10240x16xf32> to vector<10240x16xf32>
    %slice3A_9 = vector.extract_strided_slice %get3A_8 {offsets = [0, 0], sizes = [10240, 1], strides = [1, 1]} : vector<10240x16xf32> to vector<10240x1xf32>
    %add3A = arith.addf %slice3A, %slice3A_9 : vector<10240x1xf32>
    %add3A_10 = arith.constant 1.000000e+00 : f32
    %add3A_11 = vector.broadcast %add3A_10 : f32 to vector<10240x1xf32>
    %add3A_12 = arith.addf %add3A, %add3A_11 : vector<10240x1xf32>
    %rsqrt3A = math.rsqrt %add3A_12 : vector<10240x1xf32>
    %swap3A = arith.constant 0 : index
    %swap3A_13 = arith.constant 0 : index
    %swap3A_14 = vector.load %arg3[%swap3A, %swap3A_13] : memref<10240x1xf32, #tpu.memory_space<vmem>>, vector<10240x1xf32>
    tpu.vector_store %arg3[%swap3A, %swap3A_13], %rsqrt3A {strides = array<i32>} : memref<10240x1xf32, #tpu.memory_space<vmem>>, vector<10240x1xf32>,
    %get3A_15 = arith.constant 0 : index
    %get3A_16 = arith.constant 0 : index
    %get3A_17 = vector.load %arg0[%get3A_15, %get3A_16] : memref<10240x128xf32, #tpu.memory_space<vmem>>, vector<10240x128xf32>
    %mul3A = vector.broadcast %rsqrt3A : vector<10240x1xf32> to vector<10240x128xf32>
    %mul3A_18 = arith.mulf %get3A_17, %mul3A : vector<10240x128xf32>
    %swap3A_19 = arith.constant 0 : index
    %swap3A_20 = arith.constant 0 : index
    %swap3A_21 = vector.load %arg2[%swap3A_19, %swap3A_20] : memref<10240x128xf32, #tpu.memory_space<vmem>>, vector<10240x128xf32>
    tpu.vector_store %arg2[%swap3A_19, %swap3A_20], %mul3A_18 {strides = array<i32>} : memref<10240x128xf32, #tpu.memory_space<vmem>>, vector<10240x128xf32>,
    return
  }
}

module attributes {stable_mosaic.version = 14 : i64} {
  func.func @_scale2_body(%arg0: memref<2x10240x128xf32, #tpu.memory_space<vmem>>, %arg1: memref<10240x128xf32, #tpu.memory_space<vmem>>, %arg2: memref<10240x1xf32, #tpu.memory_space<vmem>>, %arg3: memref<10240x128xf32, #tpu.memory_space<vmem>>) attributes {dimension_semantics = [], scalar_prefetch = 0 : i64, scratch_operands = 0 : i64, tpu.core_type = #tpu.core_type<tc>} {
    %get3A = arith.constant 0 : index
    %get3A_0 = arith.constant 0 : index
    %get3A_1 = vector.load %arg2[%get3A, %get3A_0] : memref<10240x1xf32, #tpu.memory_space<vmem>>, vector<10240x1xf32>
    %get3A_2 = arith.constant 0 : index
    %get3A_3 = arith.constant 0 : index
    %get3A_4 = arith.constant 0 : index
    %get3A_5 = vector.load %arg0[%get3A_2, %get3A_3, %get3A_4] : memref<2x10240x128xf32, #tpu.memory_space<vmem>>, vector<1x10240x128xf32>
    %get3A_6 = vector.shape_cast %get3A_5 : vector<1x10240x128xf32> to vector<10240x128xf32>
    %get3A_7 = arith.constant 1 : index
    %get3A_8 = arith.constant 0 : index
    %get3A_9 = arith.constant 0 : index
    %get3A_10 = vector.load %arg0[%get3A_7, %get3A_8, %get3A_9] : memref<2x10240x128xf32, #tpu.memory_space<vmem>>, vector<1x10240x128xf32>
    %get3A_11 = vector.shape_cast %get3A_10 : vector<1x10240x128xf32> to vector<10240x128xf32>
    %add3A = arith.addf %get3A_6, %get3A_11 : vector<10240x128xf32>
    %get3A_12 = arith.constant 0 : index
    %get3A_13 = arith.constant 0 : index
    %get3A_14 = vector.load %arg1[%get3A_12, %get3A_13] : memref<10240x128xf32, #tpu.memory_space<vmem>>, vector<10240x128xf32>
    %add3A_15 = arith.addf %add3A, %get3A_14 : vector<10240x128xf32>
    %mul3A = arith.mulf %get3A_1, %get3A_1 : vector<10240x1xf32>
    %mul3A_16 = vector.broadcast %mul3A : vector<10240x1xf32> to vector<10240x128xf32>
    %mul3A_17 = arith.mulf %add3A_15, %mul3A_16 : vector<10240x128xf32>
    %swap3A = arith.constant 0 : index
    %swap3A_18 = arith.constant 0 : index
    %swap3A_19 = vector.load %arg3[%swap3A, %swap3A_18] : memref<10240x128xf32, #tpu.memory_space<vmem>>, vector<10240x128xf32>
    tpu.vector_store %arg3[%swap3A, %swap3A_18], %mul3A_17 {strides = array<i32>} : memref<10240x128xf32, #tpu.memory_space<vmem>>, vector<10240x128xf32>,
    return
  }
}

module attributes {stable_mosaic.version = 14 : i64} {
  func.func @_final_body(%arg0: memref<2x10240x128xf32, #tpu.memory_space<vmem>>, %arg1: memref<10240x128xf32, #tpu.memory_space<vmem>>, %arg2: memref<10240x1xf32, #tpu.memory_space<vmem>>, %arg3: memref<128x128xf32, #tpu.memory_space<vmem>>, %arg4: memref<1x128xf32, #tpu.memory_space<vmem>>, %arg5: memref<10240x128xf32, #tpu.memory_space<vmem>>) attributes {dimension_semantics = [], scalar_prefetch = 0 : i64, scratch_operands = 0 : i64, tpu.core_type = #tpu.core_type<tc>} {
    %get3A = arith.constant 0 : index
    %get3A_0 = arith.constant 0 : index
    %get3A_1 = arith.constant 0 : index
    %get3A_2 = vector.load %arg0[%get3A, %get3A_0, %get3A_1] : memref<2x10240x128xf32, #tpu.memory_space<vmem>>, vector<1x10240x128xf32>
    %get3A_3 = vector.shape_cast %get3A_2 : vector<1x10240x128xf32> to vector<10240x128xf32>
    %get3A_4 = arith.constant 1 : index
    %get3A_5 = arith.constant 0 : index
    %get3A_6 = arith.constant 0 : index
    %get3A_7 = vector.load %arg0[%get3A_4, %get3A_5, %get3A_6] : memref<2x10240x128xf32, #tpu.memory_space<vmem>>, vector<1x10240x128xf32>
    %get3A_8 = vector.shape_cast %get3A_7 : vector<1x10240x128xf32> to vector<10240x128xf32>
    %add3A = arith.addf %get3A_3, %get3A_8 : vector<10240x128xf32>
    %get3A_9 = arith.constant 0 : index
    %get3A_10 = arith.constant 0 : index
    %get3A_11 = vector.load %arg1[%get3A_9, %get3A_10] : memref<10240x128xf32, #tpu.memory_space<vmem>>, vector<10240x128xf32>
    %add3A_12 = arith.addf %add3A, %get3A_11 : vector<10240x128xf32>
    %get3A_13 = arith.constant 0 : index
    %get3A_14 = arith.constant 0 : index
    %get3A_15 = vector.load %arg2[%get3A_13, %get3A_14] : memref<10240x1xf32, #tpu.memory_space<vmem>>, vector<10240x1xf32>
    %mul3A = vector.broadcast %get3A_15 : vector<10240x1xf32> to vector<10240x128xf32>
    %mul3A_16 = arith.mulf %add3A_12, %mul3A : vector<10240x128xf32>
    %get3A_17 = arith.constant 0 : index
    %get3A_18 = arith.constant 0 : index
    %get3A_19 = vector.load %arg3[%get3A_17, %get3A_18] : memref<128x128xf32, #tpu.memory_space<vmem>>, vector<128x128xf32>
    %dot_general3A = arith.constant dense<0.000000e+00> : vector<10240x128xf32>
    %dot_general3A_20 = tpu.matmul %mul3A_16, %get3A_19, %dot_general3A {dimension_numbers = #tpu.dot_dimension_numbers<[1], [1], [0], [0], [0, 0, 1, 0], [], []>, transpose_lhs_hint = false} : vector<10240x128xf32>, vector<128x128xf32>, vector<10240x128xf32> -> vector<10240x128xf32>
    %get3A_21 = arith.constant 0 : index
    %get3A_22 = arith.constant 0 : index
    %get3A_23 = vector.load %arg4[%get3A_21, %get3A_22] : memref<1x128xf32, #tpu.memory_space<vmem>>, vector<1x128xf32>
    %add3A_24 = vector.broadcast %get3A_23 : vector<1x128xf32> to vector<10240x128xf32>
    %add3A_25 = arith.addf %dot_general3A_20, %add3A_24 : vector<10240x128xf32>
    %swap3A = arith.constant 0 : index
    %swap3A_26 = arith.constant 0 : index
    %swap3A_27 = vector.load %arg5[%swap3A, %swap3A_26] : memref<10240x128xf32, #tpu.memory_space<vmem>>, vector<10240x128xf32>
    tpu.vector_store %arg5[%swap3A, %swap3A_26], %add3A_25 {strides = array<i32>} : memref<10240x128xf32, #tpu.memory_space<vmem>>, vector<10240x128xf32>,
    return
  }
}

</mosaic_0001>

<sc_bundles>
// kernel: kernel.11.cloned.1.call-start
scs
__scs_entry_jumppad:
0x0: {  	(pc) =	sbr.rel $0x88, $3  }
0x1: {  	(tag) =	ssettag $0x0;
	lr =	simm.s32 $0x1  }
0x2: {  	[smem:$0x3F9C] =	sst lr;
	_ =	strace $0xD0000000  }
0x3: {  	_ = 	snop  }
0x4: {  	_ = 	snop  }
0x5: {  	_ = 	snop  }
0x6: {  	_ = 	snop  }
0x7: {  	_ = 	snop  }
__scs_overlays_trampoline_lowered:
0x8: {  	[smem:$0x3FAB] =	sst s0  }
0x9: {  	[smem:$0x3FAC] =	sst s1  }
0xa: {  	[smem:$0x3FAD] =	sst s2  }
0xb: {  	[smem:$0x3FAE] =	sst s3  }
0xc: {  	[smem:$0x3FAF] =	sst s4  }
0xd: {  	[smem:$0x3FB0] =	sst s5  }
0xe: {  	[smem:$0x3FB1] =	sst s6  }
0xf: {  	[smem:$0x3FB2] =	sst s7  }
0x10: {  	[smem:$0x3FB3] =	sst s8  }
0x11: {  	[smem:$0x3FB4] =	sst s9;
	s0 =	simm.s32 @!p0 $0x0  }
0x12: {  	s1 =	sld [smem:$0x3F9A];
	s0 =	simm.s32 @p0 $0x1  }
0x13: {  	[smem:$0x3FB5] =	sst s0;
	s0 =	simm.s32 @!p1 $0x0  }
0x14: {  	s2 =	sld [smem:$0x3F99];
	s0 =	simm.s32 @p1 $0x1  }
0x15: {  	[smem:$0x3FB6] =	sst s0;
	s0 =	simm.s32 @!p2 $0x0  }
0x16: {  	s3 =	sld [smem:$0x3FDB];
	s0 =	simm.s32 @p2 $0x1  }
0x17: {  	s4 =	simm.s32 $0x1BF5;
	[smem:$0x3FB8] =	sst s0  }
0x18: {  	s0 =	sld [smem:$0x3F9B];
	_ =	swait.ge [sflag:s4], $0x0  }
0x19: {  	s7 =	sld [smem:$0x3F9C]  }
0x1a: {  	s8 =	sadd.s32 $0xFFFFE003, lr  }
0x1b: {  	s9 =	sadd.s32 $0xFFFFFEF7, lr;
	s5 =	simm.s32 $0xFFFFFFFF;
	p2 =	slt.u32 s8, $0xFFFFF086  }
0x1c: {  	p1 =	slt.u32 s9, $0xF7A;
	s5 =	simm.s32 @!p2 $0x0  }
0x1d: {  	s5 =	simm.s32 @p1 $0x1;
	p0 =	seq.s32 s7, s2  }
0x1e: {  	s7 =	smul.u32 @!p0 $0xF7A, s2;
	p2 =	seq.s32 @!p0 s5, $0x0  }
0x1f: {  	s9 =	smul.u32 $0xF7A, s1;
	s8 =	simm.s32 @!p0 $0x1BF5;
	p2 =	por !p2, p0  }
0x20: {  	[sflag:s8] =	ssyncset.s32 @!p0 $0xFFFFF086;
	s6 =	sadd.s32 @!p0 s3, s7;
	s7 =	simm.s32 @!p0 $0x108  }
0x21: {  	s3 =	sadd.s32 s3, s9;
	s6 =	sadd.s32 @!p0 $0x88, s6;
	s7 =	simm.s32 @p2 $0x1082  }
0x22: {  	[simem:s7], [sflag:s8] =	dma.local @!p0 [hbm:s6], $0xF7A  }
0x23: {  	s9 =	sor.u32 $0xD0000000, s2;
	s6 =	simm.s32 $0x108;
	_ =	swait.ge @!p0 [sflag:s8], $0x0  }
0x24: {  	s3 =	sadd.s32 $0x88, s3;
	s6 =	simm.s32 @!p1 $0x1082;
	[sflag:s4] =	ssyncset.s32 $0xFFFFF086  }
0x25: {  	[simem:s6], [sflag:s4] =	dma.local [hbm:s3], $0xF7A  }
0x26: {  	[smem:$0x3F9C] =	sst s1;
	(tag) =	ssettag s2;
	_ =	strace s9  }
0x27: {  	s1 =	sld [smem:$0x3FAC]  }
0x28: {  	s2 =	sld [smem:$0x3FAD]  }
0x29: {  	s4 =	sld [smem:$0x3FAF]  }
0x2a: {  	p0 =	seq.s32 s5, $0x0;
	s5 =	sld [smem:$0x3FB0]  }
0x2b: {  	s6 =	sld [smem:$0x3FB1]  }
0x2c: {  	s7 =	sld [smem:$0x3FB2]  }
0x2d: {  	s3 =	simm.s32 $0x108;
	s8 =	sld [smem:$0x3FB3]  }
0x2e: {  	s3 =	simm.s32 @!p0 $0x1082;
	s9 =	sld [smem:$0x3FB4]  }
0x2f: {  	lr =	sadd.s32 s0, s3;
	s0 =	sld [smem:$0x3FAB]  }
0x30: {  	s3 =	sld [smem:$0x3FAE]  }
0x31: {  	[smem:$0x3FB7] =	sst s10  }
0x32: {  	s10 =	sld [smem:$0x3FB5];
	_ =	sdelay $0x3  }
0x33: {  	p0 =	seq.s32 s10, $0x1;
	s10 =	sld [smem:$0x3FB7];
	_ =	sdelay $0x3  }
0x34: {  	[smem:$0x3FB7] =	sst s10  }
0x35: {  	s10 =	sld [smem:$0x3FB6];
	_ =	sdelay $0x3  }
0x36: {  	p1 =	seq.s32 s10, $0x1;
	s10 =	sld [smem:$0x3FB7];
	_ =	sdelay $0x3  }
0x37: {  	[smem:$0x3FB7] =	sst s10  }
0x38: {  	s10 =	sld [smem:$0x3FB8]  }
0x39: {  	_ = 	snop;
	(pc) =	sbr.ind lr, $3  }
0x3a: {  	_ = 	snop  }
0x3b: {  	_ = 	snop  }
0x3c: {  	p2 =	seq.s32 s10, $0x1;
	s10 =	sld [smem:$0x3FB7]  }
0x3d: {  	_ =	shalt  }
0x3e: {  	_ =	shalt  }
0x3f: {  	_ =	shalt  }
0x40: {  	_ =	shalt  }
0x41: {  	_ =	shalt  }
0x42: {  	_ =	shalt  }
0x43: {  	_ =	shalt  }
0x44: {  	_ =	shalt  }
0x45: {  	_ =	shalt  }
0x46: {  	_ =	shalt  }
0x47: {  	_ =	shalt  }
0x48: {  	_ =	shalt  }
0x49: {  	_ =	shalt  }
0x4a: {  	_ =	shalt  }
0x4b: {  	_ =	shalt  }
0x4c: {  	_ =	shalt  }
0x4d: {  	_ =	shalt  }
0x4e: {  	_ =	shalt  }
0x4f: {  	_ =	shalt  }
0x50: {  	_ =	shalt  }
0x51: {  	_ =	shalt  }
0x52: {  	_ =	shalt  }
0x53: {  	_ =	shalt  }
0x54: {  	_ =	shalt  }
0x55: {  	_ =	shalt  }
0x56: {  	_ =	shalt  }
0x57: {  	_ =	shalt  }
0x58: {  	_ =	shalt  }
0x59: {  	_ =	shalt  }
0x5a: {  	_ =	shalt  }
0x5b: {  	_ =	shalt  }
0x5c: {  	_ =	shalt  }
0x5d: {  	_ =	shalt  }
0x5e: {  	_ =	shalt  }
0x5f: {  	_ =	shalt  }
0x60: {  	_ =	shalt  }
0x61: {  	_ =	shalt  }
0x62: {  	_ =	shalt  }
0x63: {  	_ =	shalt  }
0x64: {  	_ =	shalt  }
0x65: {  	_ =	shalt  }
0x66: {  	_ =	shalt  }
0x67: {  	_ =	shalt  }
0x68: {  	_ =	shalt  }
0x69: {  	_ =	shalt  }
0x6a: {  	_ =	shalt  }
0x6b: {  	_ =	shalt  }
0x6c: {  	_ =	shalt  }
0x6d: {  	_ =	shalt  }
0x6e: {  	_ =	shalt  }
0x6f: {  	_ =	shalt  }
0x70: {  	_ =	shalt  }
0x71: {  	_ =	shalt  }
0x72: {  	_ =	shalt  }
0x73: {  	_ =	shalt  }
0x74: {  	_ =	shalt  }
0x75: {  	_ =	shalt  }
0x76: {  	_ =	shalt  }
0x77: {  	_ =	shalt  }
0x78: {  	_ =	shalt  }
0x79: {  	_ =	shalt  }
0x7a: {  	_ =	shalt  }
0x7b: {  	_ =	shalt  }
0x7c: {  	_ =	shalt  }
0x7d: {  	_ =	shalt  }
0x7e: {  	_ =	shalt  }
0x7f: {  	_ =	shalt  }
0x80: {  	_ =	shalt  }
0x81: {  	_ =	shalt  }
0x82: {  	_ =	shalt  }
0x83: {  	_ =	shalt  }
0x84: {  	_ =	shalt  }
0x85: {  	_ =	shalt  }
0x86: {  	_ =	shalt  }
0x87: {  	_ =	shalt  }
.Lfunc_end0:
.L_simem_size_0:
called_computation.1_lowered:
.L_overlay_start_0:
0x88: {  	s2 =	sld [smem:$0x3FD9]  }
0x89: {  	s3 =	sld [smem:$0x3FFE];
	_ =	sdelay $0x1  }
0x8a: {  	s1 =	srdreg.scid  }
0x8b: {  	s0 =	sand.u32 $0x1, s1  }
0x8c: {  	s17 =	sshll.u32 s0, $0xA;
	s2 =	sadd.s32 s3, s2  }
0x8d: {  	s2 =	sadd.s32 s2, s17  }
0x8e: {  	[smem:$0x3FC3] =	sst s2  }
0x8f: {  	_ = 	snop  }
0x90: {  	s2 =	sld [smem:$0x3FD0];
	(tm) =	ssettm $0x1  }
0x91: {  	s18 =	sld [smem:$0x3FFB];
	_ =	sdelay $0x3  }
0x92: {  	_ =	strace s18  }
0x93: {  	s3 =	sld [smem:$0x3FFC];
	_ =	sdelay $0x3  }
0x94: {  	_ =	strace s3  }
0x95: {  	s3 =	sld [smem:$0x3FFD];
	_ =	sdelay $0x3  }
0x96: {  	_ =	strace s3  }
0x97: {  	_ =	strace $0x8FFFFFFF  }
0x98: {  	s19 =	sld [smem:$0x3FDB];
	_ =	sdelay $0x1  }
0x99: {  	s4 =	simm.s32 $_scs_section_size  }
0x9a: {  	s5 =	simm.s32 $_size__tile_overlayer_lowered;
	s6 =	simm.s32 $_tile_overlayer_lowered  }
0x9b: {  	s22 =	simm.s32 $0x1BFF;
	s21 =	sshll.u32 s6, $0x1;
	s3 =	sadd.s32 s4, s19  }
0x9c: {  	s7 =	simm.s32 $0x0;
	s20 =	sshll.u32 s5, $0x1;
	s5 =	sadd.s32 s21, s3  }
0x9d: {  	[timem:s7], [sflag:s22] =	dma.local [hbm:s5], s20  }
0x9e: {  	_ =	swait.ge [sflag:s22], s20  }
0x9f: {  	s4 =	ssub.s32 $0x0, s20;
	[sflag:s22] =	ssyncset.done $0x0  }
0xa0: {  	[sflag:s22] =	ssyncadd.s32 s4;
	_ =	sdelay $0x1  }
0xa1: {  	s23 =	simm.s32 $0x1B8B  }
0xa2: {  	_ =	swait.ge [sflag:s23], $0x1  }
0xa3: {  	[sflag:s23] =	ssyncset.done $0x0  }
0xa4: {  	s25 =	simm.s32 $0x1B8E;
	s24 =	sld [smem:$0x3FFE];
	[sflag:s23] =	ssyncadd.s32 $0xFFFFFFFF  }
0xa5: {  	s26 =	simm.s32 $execute0_lowered;
	[smem:$0x3FD2] =	sst s25  }
0xa6: {  	s5 =	sshll.u32 s26, $0x1;
	_ =	strace $0x80000049;
	[dreg:$0x1] =	wrdreg $0xFFFFFFFF  }
0xa7: {  	s28 =	simm.s32 $_size_execute0_lowered;
	s3 =	sadd.s32 s3, s5;
	[dreg:$0x0] =	wrdreg $0x0  }
0xa8: {  	s5 =	sshll.u32 s28, $0x1;
	[dreg:$0x2] =	wrdreg s3  }
0xa9: {  	[dreg:$0x3] =	wrdreg s5  }
0xaa: {  	[dreg:$0x4] =	wrdreg $0xC0  }
0xab: {  	_ =	task [dreg:s7], $0x5FFFF  }
0xac: {  	[dreg:$0x1] =	wrdreg $0xFFFFFFFF  }
0xad: {  	[dreg:$0x0] =	wrdreg $0x60  }
0xae: {  	[dreg:$0x2] =	wrdreg s2  }
0xaf: {  	[dreg:$0x3] =	wrdreg s24  }
0xb0: {  	[dreg:$0x4] =	wrdreg $0x82000  }
0xb1: {  	[dreg:$0x5] =	wrdreg $0x9  }
0xb2: {  	_ =	task.clear_ibuf [dreg:s7], $0x6FFFF;
	_ =	strace $0x90000049  }
0xb3: {  	s29 =	simm.s32 $0x9;
	_ =	strace $0x8000004B  }
0xb4: {  	_ =	swait.ge [sflag:s29], $0x1  }
0xb5: {  	[sflag:s29] =	ssyncadd.s32 $0xFFFFFFFF  }
0xb6: {  	_ =	strace $0x9000004B  }
0xb7: {  	_ =	sfence  }
0xb8: {  	s30 =	sld [smem:$0x0];
	_ =	sdelay $0x2  }
0xb9: {  	s31 =	sshll.u32 s1, $0xD;
	s1 =	sshrl.u32 s1, $0x2  }
0xba: {  	s3 =	sand.u32 $0x4000, s31;
	s1 =	sadd.s32 s1, s30  }
0xbb: {  	s0 =	sor.u32 s3, s0;
	s1 =	sshll.u32 s1, $0x11  }
0xbc: {  	s0 =	sor.u32 s1, s0  }
0xbd: {  	s0 =	sadd.s32 $0x8F2B, s0  }
0xbe: {  	[sflag:s0] =	ssyncadd.remote.s32 $0x1  }
0xbf: {  	_ =	sfence.sel $0xFFFF  }
0xc0: {  	[dreg:$0x0] =	wrdreg $0xFFFFFFFF;
	(pc) =	sbr.abs _section_cstart, $3  }
0xc1: {  	[dreg:$0x1] =	wrdreg $0xFFFFFFFF  }
0xc2: {  	_ =	task.clear_ibuf [dreg:s7], $0x2FFFF;
	_ =	strace $0x9FFFFFFF  }
0xc3: {  	(tm) =	ssettm $0x7FFFFFFF  }
tec
execute0_lowered:
.L_overlay_start_1:
0x0: {  	(tag) =	ssettag $0x1  }
0x1: {  	s0 =	rddreg [dreg:$0x0]  }
0x2: {  	s6 =	rddreg [dreg:$0x1]  }
0x3: {  	s1 =	srdreg.scid;
	s3 =	rddreg [dreg:$0x2]  }
0x4: {  	s2 =	stileid.u32;
	s4 =	simm.s32 $0x0;
	s16 =	simm.s32 $0x3  }
0x5: {  	s17 =	simm.s32 $0x80;
	s18 =	simm.s32 $0x1;
	s8 =	smul.u32 $0x14000, s2  }
0x6: {  	s19 =	simm.s32 $0x2;
	s20 =	simm.s32 $0x0;
	s10 =	smul.u32 $0x50000, s2  }
0x7: {  	s7 =	sand.u32 $0x1, s1;
	[smem:$0x7FF] =	sst s4;
	s15 =	smul.u32 $0x4F00, s2  }
0x8: {  	s1 =	rddreg [dreg:$0x3];
	s5 =	smul.u32 $0x140000, s7;
	_ =	strace $0x8000004A  }
0x9: {  	s9 =	sshll.u32 s7, $0x4;
	s28 =	ssub.s32 $0x2, s7;
	s13 =	smul.u32 $0x4F000, s7  }
0xa: {  	s26 =	sor.u32 s2, s9;
	s29 =	sshrl.u32 s10, $0x2;
	s11 =	sshrl.u32 s28, $0x1  }
0xb: {  	s5 =	sadd.s32 s8, s5;
	s30 =	smul.u32 $0x4F00, s26;
	s14 =	ssub.s32 s28, s11  }
0xc: {  	s15 =	sadd.s32 s15, s13;
	s8 =	sshrl.u32 s5, $0x3;
	s5 =	sadd.s32 $0x1800, s6  }
0xd: {  	s13 =	smax.u32 s14, $0x1;
	s14 =	sadd.s32 $0x100, s15;
	s15 =	simm.s32 $0x200  }
0xe: {  	s12 =	sadd.s32 s8, s6;
	s6 =	sadd.s32 s29, s3;
	s31 =	sshrl.u32 s30, $0x3  }
0xf: {  	s7 =	sadd.s32 $0x4000, s6;
	s8 =	sadd.s32 $0x8000, s6;
	s9 =	sadd.s32 $0xC000, s6  }
0x10: {  	v0 =	vimm.f32 $0.0e+00;
	s10 =	sadd.s32 $0x10000, s6;
	s11 =	sadd.s32 s0, s31;
	s12 =	sadd.s32 $0x29800, s12  }
.LBB2_1:
0x11: {  	s21 =	sand.u32 $0xFE00, s4  }
0x12: {  	s22 =	sand.u32 $0x70, s4;
	s23 =	sshrl.u32 s21, $0x2  }
0x13: {  	s21 =	simm.s32 $0x40;
	s23 =	sor.u32 s22, s23;
	s22 =	simm.s32 $0x0  }
.LBB2_2:
0x14: {  	p0 =	sne.s32 s21, $0xFFC0  }
0x15: {  	[tilespmem:s23+$0x200] =	vst v0;
	s22 =	sadd.s32 $0x10, s22;
	s23 =	smov.u32 s21;
	s21 =	sadd.s32 $0x40, s21  }
.Ltmp0:
0x16: {  	(pc) =	sbr.rel @p0 .LBB2_2-.Ltmp0, $4  }
0x17: {  	_ = 	snop  }
0x18: {  	s23 =	sand.u32 $0xFE00, s23  }
0x19: {  	s24 =	sand.u32 $0x70, s22;
	s23 =	sshrl.u32 s23, $0x2  }
0x1a: {  	s23 =	sor.u32 s24, s23  }
0x1b: {  	[tilespmem:s23+$0x200] =	vst v0  }
0x1c: {  	[spmem:s6] =	stream.linear.scatter [tilespmem:s15], [sflag:$0x3], $0x4000, $0x38;
	[tilespmem:$0x1C200] =	vst v63  }
0x1d: {  	_ =	swait.ge [sflag:s16], $0x4000  }
0x1e: {  	[sflag:s16] =	ssyncset.done $0x0  }
0x1f: {  	[sflag:s16] =	ssyncadd.s32 $0xFFFFC000  }
0x20: {  	[spmem:s7] =	stream.linear.scatter [tilespmem:s15], [sflag:$0x3], $0x4000, $0x38;
	[tilespmem:$0x1C200] =	vst v63  }
0x21: {  	_ =	swait.ge [sflag:s16], $0x4000  }
0x22: {  	[sflag:s16] =	ssyncset.done $0x0  }
0x23: {  	[sflag:s16] =	ssyncadd.s32 $0xFFFFC000  }
0x24: {  	[spmem:s8] =	stream.linear.scatter [tilespmem:s15], [sflag:$0x3], $0x4000, $0x38;
	[tilespmem:$0x1C200] =	vst v63  }
0x25: {  	_ =	swait.ge [sflag:s16], $0x4000  }
0x26: {  	[sflag:s16] =	ssyncset.done $0x0  }
0x27: {  	[sflag:s16] =	ssyncadd.s32 $0xFFFFC000  }
0x28: {  	[spmem:s9] =	stream.linear.scatter [tilespmem:s15], [sflag:$0x3], $0x4000, $0x38;
	[tilespmem:$0x1C200] =	vst v63  }
0x29: {  	_ =	swait.ge [sflag:s16], $0x4000  }
0x2a: {  	[sflag:s16] =	ssyncset.done $0x0  }
0x2b: {  	[sflag:s16] =	ssyncadd.s32 $0xFFFFC000  }
0x2c: {  	[spmem:s10] =	stream.linear.scatter [tilespmem:s15], [sflag:$0x3], $0x4000, $0x38;
	[tilespmem:$0x1C200] =	vst v63  }
0x2d: {  	_ =	swait.ge [sflag:s16], $0x4000  }
0x2e: {  	[sflag:s16] =	ssyncset.done $0x0  }
0x2f: {  	[sflag:s16] =	ssyncadd.s32 $0xFFFFC000  }
0x30: {  	s21 =	simm.s32 $0x0;
	[bflag:$0x0] =	sbarrier.arrive $0xFFFF  }
0x31: {  	[tilespmem:s21], [sflag:$0x3] =	stream.linear.gather [hbm4b:s11+s21], $0x100, $0x38;
	[tilespmem:$0x1C200] =	vst v63  }
0x32: {  	_ =	swait.ge [sflag:s16], $0x100  }
0x33: {  	[sflag:s16] =	ssyncset.done $0x0  }
0x34: {  	[sflag:s16] =	ssyncadd.s32 $0xFFFFFF00  }
0x35: {  	[tilespmem:s15], [sflag:$0x2] =	stream.indirect.gather [hbm4b:s5+s17], $0x80, s21, s17, $0xb8;
	[tilespmem:$0x1C200] =	vst v63  }
0x36: {  	s21 =	sand.u32 $0x1, s21  }
0x37: {  	s28 =	sshrl.u32 s14, $0x3;
	s22 =	sxor.u32 $0x1, s21  }
0x38: {  	s23 =	sadd.s32 s0, s28;
	s24 =	sshll.u32 s22, $0x8  }
0x39: {  	[tilespmem:s24], [sflag:$0x1] =	stream.linear.gather [hbm4b:s23+s4], $0x100, $0x38;
	[tilespmem:$0x1C200] =	vst v63  }
0x3a: {  	_ =	swait.ge [sflag:s18], $0x100  }
0x3b: {  	[sflag:s18] =	ssyncset.done $0x0  }
0x3c: {  	[sflag:s18] =	ssyncadd.s32 $0xFFFFFF00  }
0x3d: {  	_ =	swait.ge [sflag:s19], $0x4000  }
0x3e: {  	s29 =	sshll.u32 s21, $0x8;
	s22 =	sshll.u32 s22, $0xE;
	[sflag:s19] =	ssyncset.done $0x0  }
0x3f: {  	s21 =	sshll.u32 s21, $0xE;
	s22 =	sor.u32 $0x200, s22;
	[sflag:s19] =	ssyncadd.s32 $0xFFFFC000  }
0x40: {  	[tilespmem:s22], [sflag:$0x2] =	stream.indirect.gather [hbm4b:s5+s17], $0x80, s24, s17, $0xb8;
	[tilespmem:$0x1C200] =	vst v63  }
0x41: {  	s21 =	sor.u32 $0x200, s21;
	s30 =	sor.u32 $0x80, s29  }
0x42: {  	[spmem:s3] =	stream.indirect.scatter.add.f32 [tilespmem:s21], [sflag:$0x3], $0x80, s30, s17, $0xb8;
	[tilespmem:$0x1C200] =	vst v63  }
0x43: {  	s31 =	simm.s32 $0x1;
	s23 =	sadd.s32 $0x100, s14;
	_ =	swait.ge [sflag:s16], $0x4000  }
0x44: {  	s22 =	sand.u32 $0x1, s31;
	s21 =	simm.s32 $0x2;
	[sflag:s16] =	ssyncset.done $0x0  }
.LBB2_4:
0x45: {  	s24 =	sxor.u32 $0x1, s22  }
0x46: {  	s25 =	sshrl.u32 s23, $0x3;
	[sflag:s16] =	ssyncadd.s32 $0xFFFFC000;
	s26 =	smov.u32 s21  }
0x47: {  	s28 =	sshll.u32 s24, $0x8;
	s25 =	sadd.s32 s0, s25;
	s24 =	sshll.u32 s24, $0xE  }
0x48: {  	[tilespmem:s28], [sflag:$0x1] =	stream.linear.gather [hbm4b:s25+s4], $0x100, $0x38;
	[tilespmem:$0x1C200] =	vst v63  }
0x49: {  	p0 =	sne.s32 s21, $0x4D;
	s21 =	sadd.s32 $0x1, s21;
	_ =	swait.ge [sflag:s18], $0x100  }
0x4a: {  	[sflag:s18] =	ssyncset.done $0x0  }
0x4b: {  	[sflag:s18] =	ssyncadd.s32 $0xFFFFFF00  }
0x4c: {  	_ =	swait.ge [sflag:s19], $0x4000  }
0x4d: {  	s25 =	sshll.u32 s22, $0x8;
	[sflag:s19] =	ssyncset.done $0x0  }
0x4e: {  	s22 =	sshll.u32 s22, $0xE;
	s24 =	sor.u32 $0x200, s24;
	[sflag:s19] =	ssyncadd.s32 $0xFFFFC000  }
0x4f: {  	[tilespmem:s24], [sflag:$0x2] =	stream.indirect.gather [hbm4b:s5+s17], $0x80, s28, s17, $0xb8;
	[tilespmem:$0x1C200] =	vst v63  }
.Ltmp1:
0x50: {  	_ = 	snop;
	(pc) =	sbr.rel @p0 .LBB2_4-.Ltmp1, $4  }
0x51: {  	s22 =	sor.u32 $0x200, s22;
	s24 =	sor.u32 $0x80, s25  }
0x52: {  	[spmem:s3] =	stream.indirect.scatter.add.f32 [tilespmem:s22], [sflag:$0x3], $0x80, s24, s17, $0xb8;
	[tilespmem:$0x1C200] =	vst v63  }
0x53: {  	_ =	swait.ge [sflag:s16], $0x4000  }
0x54: {  	s23 =	sadd.s32 $0x100, s23;
	s22 =	sand.u32 $0x1, s26;
	[sflag:s16] =	ssyncset.done $0x0  }
0x55: {  	s21 =	sxor.u32 $0x1, s22;
	s23 =	sshrl.u32 s23, $0x3  }
0x56: {  	[sflag:s16] =	ssyncadd.s32 $0xFFFFC000;
	s24 =	sshll.u32 s21, $0x8;
	s23 =	sadd.s32 s0, s23  }
0x57: {  	[tilespmem:s24], [sflag:$0x1] =	stream.linear.gather [hbm4b:s23+s4], $0x100, $0x38;
	[tilespmem:$0x1C200] =	vst v63  }
0x58: {  	_ =	swait.ge [sflag:s18], $0x100  }
0x59: {  	[sflag:s18] =	ssyncset.done $0x0  }
0x5a: {  	[sflag:s18] =	ssyncadd.s32 $0xFFFFFF00  }
0x5b: {  	_ =	swait.ge [sflag:s19], $0x4000  }
0x5c: {  	s25 =	sshll.u32 s22, $0x8;
	s21 =	sshll.u32 s21, $0xE;
	[sflag:s19] =	ssyncset.done $0x0  }
0x5d: {  	s26 =	sshll.u32 s22, $0xE;
	s21 =	sor.u32 $0x200, s21;
	[sflag:s19] =	ssyncadd.s32 $0xFFFFC000  }
0x5e: {  	[tilespmem:s21], [sflag:$0x2] =	stream.indirect.gather [hbm4b:s5+s17], $0x80, s24, s17, $0xb8;
	[tilespmem:$0x1C200] =	vst v63  }
0x5f: {  	s28 =	sor.u32 $0x200, s26;
	s29 =	sor.u32 $0x80, s25  }
0x60: {  	[spmem:s3] =	stream.indirect.scatter.add.f32 [tilespmem:s28], [sflag:$0x3], $0x80, s29, s17, $0xb8;
	[tilespmem:$0x1C200] =	vst v63  }
0x61: {  	_ =	swait.ge [sflag:s16], $0x4000  }
0x62: {  	[sflag:s16] =	ssyncset.done $0x0  }
0x63: {  	[sflag:s16] =	ssyncadd.s32 $0xFFFFC000  }
0x64: {  	_ =	swait.ge [sflag:s19], $0x4000  }
0x65: {  	[sflag:s19] =	ssyncset.done $0x0  }
0x66: {  	[sflag:s19] =	ssyncadd.s32 $0xFFFFC000  }
0x67: {  	[spmem:s3] =	stream.indirect.scatter.add.f32 [tilespmem:s15], [sflag:$0x3], $0x80, s17, s17, $0xb8;
	[tilespmem:$0x1C200] =	vst v63  }
0x68: {  	_ =	swait.ge [sflag:s16], $0x4000  }
0x69: {  	s30 =	sshll.u32 s2, $0x6;
	s20 =	sadd.s32 $0x1, s20;
	[sflag:s16] =	ssyncset.done $0x0  }
0x6a: {  	s31 =	sshrl.u32 s6, $0x3;
	p0 =	sne.s32 s20, s13;
	[sflag:s16] =	ssyncadd.s32 $0xFFFFC000  }
.Ltmp2:
0x6b: {  	s21 =	sor.u32 $0x1C03, s30;
	[bflag:$0x0] =	sbarrier.arrive $0xFFFF;
	(pc) =	sbr.rel @p0 .LBB2_1-.Ltmp2, $4  }
0x6c: {  	[hbm:s12], [sflag:s21] =	dma.local [spmem:s31], $0x2800  }
0x6d: {  	_ =	swait.ge [sflag:s16], $0x2800  }
0x6e: {  	[sflag:s16] =	ssyncset.done $0x0  }
0x6f: {  	[sflag:s16] =	ssyncadd.s32 $0xFFFFD800  }
0x70: {  	_ =	sfence.sel $0x180000  }
0x71: {  	[bflag:$0x0] =	sbarrier.arrive $0xFFFF  }
0x72: {  	p0 =	sne.s32 s2, $0x0;
	_ =	strace $0x9000004A  }
0x73: {  	s0 =	sadd.s32 @!p0 $0x100000, s1;
	[bflag:$0x2] =	sbarrier.arrive $0xFFFF  }
0x74: {  	[sflag:s0] =	ssyncadd.tile.s32 @!p0 $0x1;
	_ =	shalt  }
.Lfunc_end2:
_tile_overlayer_lowered:
.L_overlay_start_2:
0x75: {  	(tag) =	ssettag $0x2  }
0x76: {  	s0 =	rddreg [dreg:$0x0];
	s2 =	stileid.u32  }
0x77: {  	s1 =	rddreg [dreg:$0x1];
	p0 =	sne.s32 s2, $0x0  }
0x78: {  	s3 =	rddreg [dreg:$0x2];
	[bflag:$0x3] =	sbarrier.arrive $0xFFFF;
	s2 =	simm.s32 @!p0 $0x1C03  }
0x79: {  	[timem:s3], [sflag:s2] =	dma.local @!p0 [hbm:s0], s1  }
0x7a: {  	s0 =	simm.s32 @!p0 $0x3  }
0x7b: {  	_ =	swait.ge @!p0 [sflag:s0], s1  }
0x7c: {  	s1 =	ssub.s32 @!p0 $0x0, s1;
	[sflag:s0] =	ssyncset.done @!p0 $0x0  }
0x7d: {  	[sflag:s0] =	ssyncadd.s32 @!p0 s1  }
0x7e: {  	[bflag:$0x3] =	sbarrier.arrive $0xFFFF  }
0x7f: {  	_ =	shalt  }

// kernel: kernel.14.cloned.1.call-start
scs
__scs_entry_jumppad:
0x0: {  	(pc) =	sbr.rel $0x88, $3  }
0x1: {  	(tag) =	ssettag $0x0;
	lr =	simm.s32 $0x1  }
0x2: {  	[smem:$0x3F9C] =	sst lr;
	_ =	strace $0xD0000000  }
0x3: {  	_ = 	snop  }
0x4: {  	_ = 	snop  }
0x5: {  	_ = 	snop  }
0x6: {  	_ = 	snop  }
0x7: {  	_ = 	snop  }
__scs_overlays_trampoline_lowered:
0x8: {  	[smem:$0x3FAB] =	sst s0  }
0x9: {  	[smem:$0x3FAC] =	sst s1  }
0xa: {  	[smem:$0x3FAD] =	sst s2  }
0xb: {  	[smem:$0x3FAE] =	sst s3  }
0xc: {  	[smem:$0x3FAF] =	sst s4  }
0xd: {  	[smem:$0x3FB0] =	sst s5  }
0xe: {  	[smem:$0x3FB1] =	sst s6  }
0xf: {  	[smem:$0x3FB2] =	sst s7  }
0x10: {  	[smem:$0x3FB3] =	sst s8  }
0x11: {  	[smem:$0x3FB4] =	sst s9;
	s0 =	simm.s32 @!p0 $0x0  }
0x12: {  	s1 =	sld [smem:$0x3F9A];
	s0 =	simm.s32 @p0 $0x1  }
0x13: {  	[smem:$0x3FB5] =	sst s0;
	s0 =	simm.s32 @!p1 $0x0  }
0x14: {  	s2 =	sld [smem:$0x3F99];
	s0 =	simm.s32 @p1 $0x1  }
0x15: {  	[smem:$0x3FB6] =	sst s0;
	s0 =	simm.s32 @!p2 $0x0  }
0x16: {  	s3 =	sld [smem:$0x3FDB];
	s0 =	simm.s32 @p2 $0x1  }
0x17: {  	s4 =	simm.s32 $0x1BF5;
	[smem:$0x3FB8] =	sst s0  }
0x18: {  	s0 =	sld [smem:$0x3F9B];
	_ =	swait.ge [sflag:s4], $0x0  }
0x19: {  	s7 =	sld [smem:$0x3F9C]  }
0x1a: {  	s8 =	sadd.s32 $0xFFFFE003, lr  }
0x1b: {  	s9 =	sadd.s32 $0xFFFFFEF7, lr;
	s5 =	simm.s32 $0xFFFFFFFF;
	p2 =	slt.u32 s8, $0xFFFFF086  }
0x1c: {  	p1 =	slt.u32 s9, $0xF7A;
	s5 =	simm.s32 @!p2 $0x0  }
0x1d: {  	s5 =	simm.s32 @p1 $0x1;
	p0 =	seq.s32 s7, s2  }
0x1e: {  	s7 =	smul.u32 @!p0 $0xF7A, s2;
	p2 =	seq.s32 @!p0 s5, $0x0  }
0x1f: {  	s9 =	smul.u32 $0xF7A, s1;
	s8 =	simm.s32 @!p0 $0x1BF5;
	p2 =	por !p2, p0  }
0x20: {  	[sflag:s8] =	ssyncset.s32 @!p0 $0xFFFFF086;
	s6 =	sadd.s32 @!p0 s3, s7;
	s7 =	simm.s32 @!p0 $0x108  }
0x21: {  	s3 =	sadd.s32 s3, s9;
	s6 =	sadd.s32 @!p0 $0x88, s6;
	s7 =	simm.s32 @p2 $0x1082  }
0x22: {  	[simem:s7], [sflag:s8] =	dma.local @!p0 [hbm:s6], $0xF7A  }
0x23: {  	s9 =	sor.u32 $0xD0000000, s2;
	s6 =	simm.s32 $0x108;
	_ =	swait.ge @!p0 [sflag:s8], $0x0  }
0x24: {  	s3 =	sadd.s32 $0x88, s3;
	s6 =	simm.s32 @!p1 $0x1082;
	[sflag:s4] =	ssyncset.s32 $0xFFFFF086  }
0x25: {  	[simem:s6], [sflag:s4] =	dma.local [hbm:s3], $0xF7A  }
0x26: {  	[smem:$0x3F9C] =	sst s1;
	(tag) =	ssettag s2;
	_ =	strace s9  }
0x27: {  	s1 =	sld [smem:$0x3FAC]  }
0x28: {  	s2 =	sld [smem:$0x3FAD]  }
0x29: {  	s4 =	sld [smem:$0x3FAF]  }
0x2a: {  	p0 =	seq.s32 s5, $0x0;
	s5 =	sld [smem:$0x3FB0]  }
0x2b: {  	s6 =	sld [smem:$0x3FB1]  }
0x2c: {  	s7 =	sld [smem:$0x3FB2]  }
0x2d: {  	s3 =	simm.s32 $0x108;
	s8 =	sld [smem:$0x3FB3]  }
0x2e: {  	s3 =	simm.s32 @!p0 $0x1082;
	s9 =	sld [smem:$0x3FB4]  }
0x2f: {  	lr =	sadd.s32 s0, s3;
	s0 =	sld [smem:$0x3FAB]  }
0x30: {  	s3 =	sld [smem:$0x3FAE]  }
0x31: {  	[smem:$0x3FB7] =	sst s10  }
0x32: {  	s10 =	sld [smem:$0x3FB5];
	_ =	sdelay $0x3  }
0x33: {  	p0 =	seq.s32 s10, $0x1;
	s10 =	sld [smem:$0x3FB7];
	_ =	sdelay $0x3  }
0x34: {  	[smem:$0x3FB7] =	sst s10  }
0x35: {  	s10 =	sld [smem:$0x3FB6];
	_ =	sdelay $0x3  }
0x36: {  	p1 =	seq.s32 s10, $0x1;
	s10 =	sld [smem:$0x3FB7];
	_ =	sdelay $0x3  }
0x37: {  	[smem:$0x3FB7] =	sst s10  }
0x38: {  	s10 =	sld [smem:$0x3FB8]  }
0x39: {  	_ = 	snop;
	(pc) =	sbr.ind lr, $3  }
0x3a: {  	_ = 	snop  }
0x3b: {  	_ = 	snop  }
0x3c: {  	p2 =	seq.s32 s10, $0x1;
	s10 =	sld [smem:$0x3FB7]  }
0x3d: {  	_ =	shalt  }
0x3e: {  	_ =	shalt  }
0x3f: {  	_ =	shalt  }
0x40: {  	_ =	shalt  }
0x41: {  	_ =	shalt  }
0x42: {  	_ =	shalt  }
0x43: {  	_ =	shalt  }
0x44: {  	_ =	shalt  }
0x45: {  	_ =	shalt  }
0x46: {  	_ =	shalt  }
0x47: {  	_ =	shalt  }
0x48: {  	_ =	shalt  }
0x49: {  	_ =	shalt  }
0x4a: {  	_ =	shalt  }
0x4b: {  	_ =	shalt  }
0x4c: {  	_ =	shalt  }
0x4d: {  	_ =	shalt  }
0x4e: {  	_ =	shalt  }
0x4f: {  	_ =	shalt  }
0x50: {  	_ =	shalt  }
0x51: {  	_ =	shalt  }
0x52: {  	_ =	shalt  }
0x53: {  	_ =	shalt  }
0x54: {  	_ =	shalt  }
0x55: {  	_ =	shalt  }
0x56: {  	_ =	shalt  }
0x57: {  	_ =	shalt  }
0x58: {  	_ =	shalt  }
0x59: {  	_ =	shalt  }
0x5a: {  	_ =	shalt  }
0x5b: {  	_ =	shalt  }
0x5c: {  	_ =	shalt  }
0x5d: {  	_ =	shalt  }
0x5e: {  	_ =	shalt  }
0x5f: {  	_ =	shalt  }
0x60: {  	_ =	shalt  }
0x61: {  	_ =	shalt  }
0x62: {  	_ =	shalt  }
0x63: {  	_ =	shalt  }
0x64: {  	_ =	shalt  }
0x65: {  	_ =	shalt  }
0x66: {  	_ =	shalt  }
0x67: {  	_ =	shalt  }
0x68: {  	_ =	shalt  }
0x69: {  	_ =	shalt  }
0x6a: {  	_ =	shalt  }
0x6b: {  	_ =	shalt  }
0x6c: {  	_ =	shalt  }
0x6d: {  	_ =	shalt  }
0x6e: {  	_ =	shalt  }
0x6f: {  	_ =	shalt  }
0x70: {  	_ =	shalt  }
0x71: {  	_ =	shalt  }
0x72: {  	_ =	shalt  }
0x73: {  	_ =	shalt  }
0x74: {  	_ =	shalt  }
0x75: {  	_ =	shalt  }
0x76: {  	_ =	shalt  }
0x77: {  	_ =	shalt  }
0x78: {  	_ =	shalt  }
0x79: {  	_ =	shalt  }
0x7a: {  	_ =	shalt  }
0x7b: {  	_ =	shalt  }
0x7c: {  	_ =	shalt  }
0x7d: {  	_ =	shalt  }
0x7e: {  	_ =	shalt  }
0x7f: {  	_ =	shalt  }
0x80: {  	_ =	shalt  }
0x81: {  	_ =	shalt  }
0x82: {  	_ =	shalt  }
0x83: {  	_ =	shalt  }
0x84: {  	_ =	shalt  }
0x85: {  	_ =	shalt  }
0x86: {  	_ =	shalt  }
0x87: {  	_ =	shalt  }
.Lfunc_end0:
.L_simem_size_0:
called_computation.2_lowered:
.L_overlay_start_0:
0x88: {  	s2 =	sld [smem:$0x3FD9]  }
0x89: {  	s3 =	sld [smem:$0x3FFE];
	_ =	sdelay $0x1  }
0x8a: {  	s1 =	srdreg.scid  }
0x8b: {  	s0 =	sand.u32 $0x1, s1  }
0x8c: {  	s17 =	sshll.u32 s0, $0xA;
	s2 =	sadd.s32 s3, s2  }
0x8d: {  	s2 =	sadd.s32 s2, s17  }
0x8e: {  	[smem:$0x3FC3] =	sst s2  }
0x8f: {  	_ = 	snop  }
0x90: {  	s2 =	sld [smem:$0x3FD0];
	(tm) =	ssettm $0x1  }
0x91: {  	s18 =	sld [smem:$0x3FFB];
	_ =	sdelay $0x3  }
0x92: {  	_ =	strace s18  }
0x93: {  	s3 =	sld [smem:$0x3FFC];
	_ =	sdelay $0x3  }
0x94: {  	_ =	strace s3  }
0x95: {  	s3 =	sld [smem:$0x3FFD];
	_ =	sdelay $0x3  }
0x96: {  	_ =	strace s3  }
0x97: {  	_ =	strace $0x8FFFFFFF  }
0x98: {  	s19 =	sld [smem:$0x3FDB];
	_ =	sdelay $0x1  }
0x99: {  	s4 =	simm.s32 $_scs_section_size  }
0x9a: {  	s5 =	simm.s32 $_size__tile_overlayer_lowered;
	s6 =	simm.s32 $_tile_overlayer_lowered  }
0x9b: {  	s22 =	simm.s32 $0x1BFF;
	s21 =	sshll.u32 s6, $0x1;
	s3 =	sadd.s32 s4, s19  }
0x9c: {  	s7 =	simm.s32 $0x0;
	s20 =	sshll.u32 s5, $0x1;
	s5 =	sadd.s32 s21, s3  }
0x9d: {  	[timem:s7], [sflag:s22] =	dma.local [hbm:s5], s20  }
0x9e: {  	_ =	swait.ge [sflag:s22], s20  }
0x9f: {  	s4 =	ssub.s32 $0x0, s20;
	[sflag:s22] =	ssyncset.done $0x0  }
0xa0: {  	[sflag:s22] =	ssyncadd.s32 s4;
	_ =	sdelay $0x1  }
0xa1: {  	s23 =	simm.s32 $0x1B8B  }
0xa2: {  	_ =	swait.ge [sflag:s23], $0x1  }
0xa3: {  	[sflag:s23] =	ssyncset.done $0x0  }
0xa4: {  	s25 =	simm.s32 $0x1B8E;
	s24 =	sld [smem:$0x3FFE];
	[sflag:s23] =	ssyncadd.s32 $0xFFFFFFFF  }
0xa5: {  	s26 =	simm.s32 $execute0_lowered;
	[smem:$0x3FD2] =	sst s25  }
0xa6: {  	s5 =	sshll.u32 s26, $0x1;
	_ =	strace $0x8000004C;
	[dreg:$0x1] =	wrdreg $0xFFFFFFFF  }
0xa7: {  	s28 =	simm.s32 $_size_execute0_lowered;
	s3 =	sadd.s32 s3, s5;
	[dreg:$0x0] =	wrdreg $0x0  }
0xa8: {  	s5 =	sshll.u32 s28, $0x1;
	[dreg:$0x2] =	wrdreg s3  }
0xa9: {  	[dreg:$0x3] =	wrdreg s5  }
0xaa: {  	[dreg:$0x4] =	wrdreg $0xC0  }
0xab: {  	_ =	task [dreg:s7], $0x5FFFF  }
0xac: {  	[dreg:$0x1] =	wrdreg $0xFFFFFFFF  }
0xad: {  	[dreg:$0x0] =	wrdreg $0x60  }
0xae: {  	[dreg:$0x2] =	wrdreg s2  }
0xaf: {  	[dreg:$0x3] =	wrdreg s24  }
0xb0: {  	[dreg:$0x4] =	wrdreg $0x82000  }
0xb1: {  	[dreg:$0x5] =	wrdreg $0x9  }
0xb2: {  	_ =	task.clear_ibuf [dreg:s7], $0x6FFFF;
	_ =	strace $0x9000004C  }
0xb3: {  	s29 =	simm.s32 $0x9;
	_ =	strace $0x8000004E  }
0xb4: {  	_ =	swait.ge [sflag:s29], $0x1  }
0xb5: {  	[sflag:s29] =	ssyncadd.s32 $0xFFFFFFFF  }
0xb6: {  	_ =	strace $0x9000004E  }
0xb7: {  	_ =	sfence  }
0xb8: {  	s30 =	sld [smem:$0x0];
	_ =	sdelay $0x2  }
0xb9: {  	s31 =	sshll.u32 s1, $0xD;
	s1 =	sshrl.u32 s1, $0x2  }
0xba: {  	s3 =	sand.u32 $0x4000, s31;
	s1 =	sadd.s32 s1, s30  }
0xbb: {  	s0 =	sor.u32 s3, s0;
	s1 =	sshll.u32 s1, $0x11  }
0xbc: {  	s0 =	sor.u32 s1, s0  }
0xbd: {  	s0 =	sadd.s32 $0x8F2B, s0  }
0xbe: {  	[sflag:s0] =	ssyncadd.remote.s32 $0x1  }
0xbf: {  	_ =	sfence.sel $0xFFFF  }
0xc0: {  	[dreg:$0x0] =	wrdreg $0xFFFFFFFF;
	(pc) =	sbr.abs _section_cstart, $3  }
0xc1: {  	[dreg:$0x1] =	wrdreg $0xFFFFFFFF  }
0xc2: {  	_ =	task.clear_ibuf [dreg:s7], $0x2FFFF;
	_ =	strace $0x9FFFFFFF  }
0xc3: {  	(tm) =	ssettm $0x7FFFFFFF  }
tec
execute0_lowered:
.L_overlay_start_1:
0x0: {  	(tag) =	ssettag $0x1  }
0x1: {  	s0 =	rddreg [dreg:$0x0]  }
0x2: {  	s6 =	rddreg [dreg:$0x1]  }
0x3: {  	s1 =	srdreg.scid;
	s3 =	rddreg [dreg:$0x2]  }
0x4: {  	s2 =	stileid.u32;
	s4 =	simm.s32 $0x0;
	s16 =	simm.s32 $0x3  }
0x5: {  	s17 =	simm.s32 $0x80;
	s18 =	simm.s32 $0x1;
	s8 =	smul.u32 $0x14000, s2  }
0x6: {  	s19 =	simm.s32 $0x2;
	s20 =	simm.s32 $0x0;
	s10 =	smul.u32 $0x50000, s2  }
0x7: {  	s7 =	sand.u32 $0x1, s1;
	[smem:$0x7FF] =	sst s4;
	s15 =	smul.u32 $0x4F00, s2  }
0x8: {  	s1 =	rddreg [dreg:$0x3];
	s5 =	smul.u32 $0x140000, s7;
	_ =	strace $0x8000004D  }
0x9: {  	s9 =	sshll.u32 s7, $0x4;
	s28 =	ssub.s32 $0x2, s7;
	s13 =	smul.u32 $0x4F000, s7  }
0xa: {  	s26 =	sor.u32 s2, s9;
	s29 =	sshrl.u32 s10, $0x2;
	s11 =	sshrl.u32 s28, $0x1  }
0xb: {  	s5 =	sadd.s32 s8, s5;
	s30 =	smul.u32 $0x4F00, s26;
	s14 =	ssub.s32 s28, s11  }
0xc: {  	s15 =	sadd.s32 s15, s13;
	s8 =	sshrl.u32 s5, $0x3;
	s5 =	sadd.s32 $0x1800, s6  }
0xd: {  	s13 =	smax.u32 s14, $0x1;
	s14 =	sadd.s32 $0x100, s15;
	s15 =	simm.s32 $0x200  }
0xe: {  	s12 =	sadd.s32 s8, s6;
	s6 =	sadd.s32 s29, s3;
	s31 =	sshrl.u32 s30, $0x3  }
0xf: {  	s7 =	sadd.s32 $0x4000, s6;
	s8 =	sadd.s32 $0x8000, s6;
	s9 =	sadd.s32 $0xC000, s6  }
0x10: {  	v0 =	vimm.f32 $0.0e+00;
	s10 =	sadd.s32 $0x10000, s6;
	s11 =	sadd.s32 s0, s31;
	s12 =	sadd.s32 $0x29800, s12  }
.LBB2_1:
0x11: {  	s21 =	sand.u32 $0xFE00, s4  }
0x12: {  	s22 =	sand.u32 $0x70, s4;
	s23 =	sshrl.u32 s21, $0x2  }
0x13: {  	s21 =	simm.s32 $0x40;
	s23 =	sor.u32 s22, s23;
	s22 =	simm.s32 $0x0  }
.LBB2_2:
0x14: {  	p0 =	sne.s32 s21, $0xFFC0  }
0x15: {  	[tilespmem:s23+$0x200] =	vst v0;
	s22 =	sadd.s32 $0x10, s22;
	s23 =	smov.u32 s21;
	s21 =	sadd.s32 $0x40, s21  }
.Ltmp0:
0x16: {  	(pc) =	sbr.rel @p0 .LBB2_2-.Ltmp0, $4  }
0x17: {  	_ = 	snop  }
0x18: {  	s23 =	sand.u32 $0xFE00, s23  }
0x19: {  	s24 =	sand.u32 $0x70, s22;
	s23 =	sshrl.u32 s23, $0x2  }
0x1a: {  	s23 =	sor.u32 s24, s23  }
0x1b: {  	[tilespmem:s23+$0x200] =	vst v0  }
0x1c: {  	[spmem:s6] =	stream.linear.scatter [tilespmem:s15], [sflag:$0x3], $0x4000, $0x38;
	[tilespmem:$0x1C200] =	vst v63  }
0x1d: {  	_ =	swait.ge [sflag:s16], $0x4000  }
0x1e: {  	[sflag:s16] =	ssyncset.done $0x0  }
0x1f: {  	[sflag:s16] =	ssyncadd.s32 $0xFFFFC000  }
0x20: {  	[spmem:s7] =	stream.linear.scatter [tilespmem:s15], [sflag:$0x3], $0x4000, $0x38;
	[tilespmem:$0x1C200] =	vst v63  }
0x21: {  	_ =	swait.ge [sflag:s16], $0x4000  }
0x22: {  	[sflag:s16] =	ssyncset.done $0x0  }
0x23: {  	[sflag:s16] =	ssyncadd.s32 $0xFFFFC000  }
0x24: {  	[spmem:s8] =	stream.linear.scatter [tilespmem:s15], [sflag:$0x3], $0x4000, $0x38;
	[tilespmem:$0x1C200] =	vst v63  }
0x25: {  	_ =	swait.ge [sflag:s16], $0x4000  }
0x26: {  	[sflag:s16] =	ssyncset.done $0x0  }
0x27: {  	[sflag:s16] =	ssyncadd.s32 $0xFFFFC000  }
0x28: {  	[spmem:s9] =	stream.linear.scatter [tilespmem:s15], [sflag:$0x3], $0x4000, $0x38;
	[tilespmem:$0x1C200] =	vst v63  }
0x29: {  	_ =	swait.ge [sflag:s16], $0x4000  }
0x2a: {  	[sflag:s16] =	ssyncset.done $0x0  }
0x2b: {  	[sflag:s16] =	ssyncadd.s32 $0xFFFFC000  }
0x2c: {  	[spmem:s10] =	stream.linear.scatter [tilespmem:s15], [sflag:$0x3], $0x4000, $0x38;
	[tilespmem:$0x1C200] =	vst v63  }
0x2d: {  	_ =	swait.ge [sflag:s16], $0x4000  }
0x2e: {  	[sflag:s16] =	ssyncset.done $0x0  }
0x2f: {  	[sflag:s16] =	ssyncadd.s32 $0xFFFFC000  }
0x30: {  	s21 =	simm.s32 $0x0;
	[bflag:$0x0] =	sbarrier.arrive $0xFFFF  }
0x31: {  	[tilespmem:s21], [sflag:$0x3] =	stream.linear.gather [hbm4b:s11+s21], $0x100, $0x38;
	[tilespmem:$0x1C200] =	vst v63  }
0x32: {  	_ =	swait.ge [sflag:s16], $0x100  }
0x33: {  	[sflag:s16] =	ssyncset.done $0x0  }
0x34: {  	[sflag:s16] =	ssyncadd.s32 $0xFFFFFF00  }
0x35: {  	[tilespmem:s15], [sflag:$0x2] =	stream.indirect.gather [hbm4b:s5+s17], $0x80, s21, s17, $0xb8;
	[tilespmem:$0x1C200] =	vst v63  }
0x36: {  	s21 =	sand.u32 $0x1, s21  }
0x37: {  	s28 =	sshrl.u32 s14, $0x3;
	s22 =	sxor.u32 $0x1, s21  }
0x38: {  	s23 =	sadd.s32 s0, s28;
	s24 =	sshll.u32 s22, $0x8  }
0x39: {  	[tilespmem:s24], [sflag:$0x1] =	stream.linear.gather [hbm4b:s23+s4], $0x100, $0x38;
	[tilespmem:$0x1C200] =	vst v63  }
0x3a: {  	_ =	swait.ge [sflag:s18], $0x100  }
0x3b: {  	[sflag:s18] =	ssyncset.done $0x0  }
0x3c: {  	[sflag:s18] =	ssyncadd.s32 $0xFFFFFF00  }
0x3d: {  	_ =	swait.ge [sflag:s19], $0x4000  }
0x3e: {  	s29 =	sshll.u32 s21, $0x8;
	s22 =	sshll.u32 s22, $0xE;
	[sflag:s19] =	ssyncset.done $0x0  }
0x3f: {  	s21 =	sshll.u32 s21, $0xE;
	s22 =	sor.u32 $0x200, s22;
	[sflag:s19] =	ssyncadd.s32 $0xFFFFC000  }
0x40: {  	[tilespmem:s22], [sflag:$0x2] =	stream.indirect.gather [hbm4b:s5+s17], $0x80, s24, s17, $0xb8;
	[tilespmem:$0x1C200] =	vst v63  }
0x41: {  	s21 =	sor.u32 $0x200, s21;
	s30 =	sor.u32 $0x80, s29  }
0x42: {  	[spmem:s3] =	stream.indirect.scatter.add.f32 [tilespmem:s21], [sflag:$0x3], $0x80, s30, s17, $0xb8;
	[tilespmem:$0x1C200] =	vst v63  }
0x43: {  	s31 =	simm.s32 $0x1;
	s23 =	sadd.s32 $0x100, s14;
	_ =	swait.ge [sflag:s16], $0x4000  }
0x44: {  	s22 =	sand.u32 $0x1, s31;
	s21 =	simm.s32 $0x2;
	[sflag:s16] =	ssyncset.done $0x0  }
.LBB2_4:
0x45: {  	s24 =	sxor.u32 $0x1, s22  }
0x46: {  	s25 =	sshrl.u32 s23, $0x3;
	[sflag:s16] =	ssyncadd.s32 $0xFFFFC000;
	s26 =	smov.u32 s21  }
0x47: {  	s28 =	sshll.u32 s24, $0x8;
	s25 =	sadd.s32 s0, s25;
	s24 =	sshll.u32 s24, $0xE  }
0x48: {  	[tilespmem:s28], [sflag:$0x1] =	stream.linear.gather [hbm4b:s25+s4], $0x100, $0x38;
	[tilespmem:$0x1C200] =	vst v63  }
0x49: {  	p0 =	sne.s32 s21, $0x4D;
	s21 =	sadd.s32 $0x1, s21;
	_ =	swait.ge [sflag:s18], $0x100  }
0x4a: {  	[sflag:s18] =	ssyncset.done $0x0  }
0x4b: {  	[sflag:s18] =	ssyncadd.s32 $0xFFFFFF00  }
0x4c: {  	_ =	swait.ge [sflag:s19], $0x4000  }
0x4d: {  	s25 =	sshll.u32 s22, $0x8;
	[sflag:s19] =	ssyncset.done $0x0  }
0x4e: {  	s22 =	sshll.u32 s22, $0xE;
	s24 =	sor.u32 $0x200, s24;
	[sflag:s19] =	ssyncadd.s32 $0xFFFFC000  }
0x4f: {  	[tilespmem:s24], [sflag:$0x2] =	stream.indirect.gather [hbm4b:s5+s17], $0x80, s28, s17, $0xb8;
	[tilespmem:$0x1C200] =	vst v63  }
.Ltmp1:
0x50: {  	_ = 	snop;
	(pc) =	sbr.rel @p0 .LBB2_4-.Ltmp1, $4  }
0x51: {  	s22 =	sor.u32 $0x200, s22;
	s24 =	sor.u32 $0x80, s25  }
0x52: {  	[spmem:s3] =	stream.indirect.scatter.add.f32 [tilespmem:s22], [sflag:$0x3], $0x80, s24, s17, $0xb8;
	[tilespmem:$0x1C200] =	vst v63  }
0x53: {  	_ =	swait.ge [sflag:s16], $0x4000  }
0x54: {  	s23 =	sadd.s32 $0x100, s23;
	s22 =	sand.u32 $0x1, s26;
	[sflag:s16] =	ssyncset.done $0x0  }
0x55: {  	s21 =	sxor.u32 $0x1, s22;
	s23 =	sshrl.u32 s23, $0x3  }
0x56: {  	[sflag:s16] =	ssyncadd.s32 $0xFFFFC000;
	s24 =	sshll.u32 s21, $0x8;
	s23 =	sadd.s32 s0, s23  }
0x57: {  	[tilespmem:s24], [sflag:$0x1] =	stream.linear.gather [hbm4b:s23+s4], $0x100, $0x38;
	[tilespmem:$0x1C200] =	vst v63  }
0x58: {  	_ =	swait.ge [sflag:s18], $0x100  }
0x59: {  	[sflag:s18] =	ssyncset.done $0x0  }
0x5a: {  	[sflag:s18] =	ssyncadd.s32 $0xFFFFFF00  }
0x5b: {  	_ =	swait.ge [sflag:s19], $0x4000  }
0x5c: {  	s25 =	sshll.u32 s22, $0x8;
	s21 =	sshll.u32 s21, $0xE;
	[sflag:s19] =	ssyncset.done $0x0  }
0x5d: {  	s26 =	sshll.u32 s22, $0xE;
	s21 =	sor.u32 $0x200, s21;
	[sflag:s19] =	ssyncadd.s32 $0xFFFFC000  }
0x5e: {  	[tilespmem:s21], [sflag:$0x2] =	stream.indirect.gather [hbm4b:s5+s17], $0x80, s24, s17, $0xb8;
	[tilespmem:$0x1C200] =	vst v63  }
0x5f: {  	s28 =	sor.u32 $0x200, s26;
	s29 =	sor.u32 $0x80, s25  }
0x60: {  	[spmem:s3] =	stream.indirect.scatter.add.f32 [tilespmem:s28], [sflag:$0x3], $0x80, s29, s17, $0xb8;
	[tilespmem:$0x1C200] =	vst v63  }
0x61: {  	_ =	swait.ge [sflag:s16], $0x4000  }
0x62: {  	[sflag:s16] =	ssyncset.done $0x0  }
0x63: {  	[sflag:s16] =	ssyncadd.s32 $0xFFFFC000  }
0x64: {  	_ =	swait.ge [sflag:s19], $0x4000  }
0x65: {  	[sflag:s19] =	ssyncset.done $0x0  }
0x66: {  	[sflag:s19] =	ssyncadd.s32 $0xFFFFC000  }
0x67: {  	[spmem:s3] =	stream.indirect.scatter.add.f32 [tilespmem:s15], [sflag:$0x3], $0x80, s17, s17, $0xb8;
	[tilespmem:$0x1C200] =	vst v63  }
0x68: {  	_ =	swait.ge [sflag:s16], $0x4000  }
0x69: {  	s30 =	sshll.u32 s2, $0x6;
	s20 =	sadd.s32 $0x1, s20;
	[sflag:s16] =	ssyncset.done $0x0  }
0x6a: {  	s31 =	sshrl.u32 s6, $0x3;
	p0 =	sne.s32 s20, s13;
	[sflag:s16] =	ssyncadd.s32 $0xFFFFC000  }
.Ltmp2:
0x6b: {  	s21 =	sor.u32 $0x1C03, s30;
	[bflag:$0x0] =	sbarrier.arrive $0xFFFF;
	(pc) =	sbr.rel @p0 .LBB2_1-.Ltmp2, $4  }
0x6c: {  	[hbm:s12], [sflag:s21] =	dma.local [spmem:s31], $0x2800  }
0x6d: {  	_ =	swait.ge [sflag:s16], $0x2800  }
0x6e: {  	[sflag:s16] =	ssyncset.done $0x0  }
0x6f: {  	[sflag:s16] =	ssyncadd.s32 $0xFFFFD800  }
0x70: {  	_ =	sfence.sel $0x180000  }
0x71: {  	[bflag:$0x0] =	sbarrier.arrive $0xFFFF  }
0x72: {  	p0 =	sne.s32 s2, $0x0;
	_ =	strace $0x9000004D  }
0x73: {  	s0 =	sadd.s32 @!p0 $0x100000, s1;
	[bflag:$0x2] =	sbarrier.arrive $0xFFFF  }
0x74: {  	[sflag:s0] =	ssyncadd.tile.s32 @!p0 $0x1;
	_ =	shalt  }
.Lfunc_end2:
_tile_overlayer_lowered:
.L_overlay_start_2:
0x75: {  	(tag) =	ssettag $0x2  }
0x76: {  	s0 =	rddreg [dreg:$0x0];
	s2 =	stileid.u32  }
0x77: {  	s1 =	rddreg [dreg:$0x1];
	p0 =	sne.s32 s2, $0x0  }
0x78: {  	s3 =	rddreg [dreg:$0x2];
	[bflag:$0x3] =	sbarrier.arrive $0xFFFF;
	s2 =	simm.s32 @!p0 $0x1C03  }
0x79: {  	[timem:s3], [sflag:s2] =	dma.local @!p0 [hbm:s0], s1  }
0x7a: {  	s0 =	simm.s32 @!p0 $0x3  }
0x7b: {  	_ =	swait.ge @!p0 [sflag:s0], s1  }
0x7c: {  	s1 =	ssub.s32 @!p0 $0x0, s1;
	[sflag:s0] =	ssyncset.done @!p0 $0x0  }
0x7d: {  	[sflag:s0] =	ssyncadd.s32 @!p0 s1  }
0x7e: {  	[bflag:$0x3] =	sbarrier.arrive $0xFFFF  }
0x7f: {  	_ =	shalt  }

// kernel: kernel.8.cloned.1.call-start
scs
__scs_entry_jumppad:
0x0: {  	(pc) =	sbr.rel $0x88, $3  }
0x1: {  	(tag) =	ssettag $0x0;
	lr =	simm.s32 $0x1  }
0x2: {  	[smem:$0x3F9C] =	sst lr;
	_ =	strace $0xD0000000  }
0x3: {  	_ = 	snop  }
0x4: {  	_ = 	snop  }
0x5: {  	_ = 	snop  }
0x6: {  	_ = 	snop  }
0x7: {  	_ = 	snop  }
__scs_overlays_trampoline_lowered:
0x8: {  	[smem:$0x3FAB] =	sst s0  }
0x9: {  	[smem:$0x3FAC] =	sst s1  }
0xa: {  	[smem:$0x3FAD] =	sst s2  }
0xb: {  	[smem:$0x3FAE] =	sst s3  }
0xc: {  	[smem:$0x3FAF] =	sst s4  }
0xd: {  	[smem:$0x3FB0] =	sst s5  }
0xe: {  	[smem:$0x3FB1] =	sst s6  }
0xf: {  	[smem:$0x3FB2] =	sst s7  }
0x10: {  	[smem:$0x3FB3] =	sst s8  }
0x11: {  	[smem:$0x3FB4] =	sst s9;
	s0 =	simm.s32 @!p0 $0x0  }
0x12: {  	s1 =	sld [smem:$0x3F9A];
	s0 =	simm.s32 @p0 $0x1  }
0x13: {  	[smem:$0x3FB5] =	sst s0;
	s0 =	simm.s32 @!p1 $0x0  }
0x14: {  	s2 =	sld [smem:$0x3F99];
	s0 =	simm.s32 @p1 $0x1  }
0x15: {  	[smem:$0x3FB6] =	sst s0;
	s0 =	simm.s32 @!p2 $0x0  }
0x16: {  	s3 =	sld [smem:$0x3FDB];
	s0 =	simm.s32 @p2 $0x1  }
0x17: {  	s4 =	simm.s32 $0x1BF5;
	[smem:$0x3FB8] =	sst s0  }
0x18: {  	s0 =	sld [smem:$0x3F9B];
	_ =	swait.ge [sflag:s4], $0x0  }
0x19: {  	s7 =	sld [smem:$0x3F9C]  }
0x1a: {  	s8 =	sadd.s32 $0xFFFFE003, lr  }
0x1b: {  	s9 =	sadd.s32 $0xFFFFFEF7, lr;
	s5 =	simm.s32 $0xFFFFFFFF;
	p2 =	slt.u32 s8, $0xFFFFF086  }
0x1c: {  	p1 =	slt.u32 s9, $0xF7A;
	s5 =	simm.s32 @!p2 $0x0  }
0x1d: {  	s5 =	simm.s32 @p1 $0x1;
	p0 =	seq.s32 s7, s2  }
0x1e: {  	s7 =	smul.u32 @!p0 $0xF7A, s2;
	p2 =	seq.s32 @!p0 s5, $0x0  }
0x1f: {  	s9 =	smul.u32 $0xF7A, s1;
	s8 =	simm.s32 @!p0 $0x1BF5;
	p2 =	por !p2, p0  }
0x20: {  	[sflag:s8] =	ssyncset.s32 @!p0 $0xFFFFF086;
	s6 =	sadd.s32 @!p0 s3, s7;
	s7 =	simm.s32 @!p0 $0x108  }
0x21: {  	s3 =	sadd.s32 s3, s9;
	s6 =	sadd.s32 @!p0 $0x88, s6;
	s7 =	simm.s32 @p2 $0x1082  }
0x22: {  	[simem:s7], [sflag:s8] =	dma.local @!p0 [hbm:s6], $0xF7A  }
0x23: {  	s9 =	sor.u32 $0xD0000000, s2;
	s6 =	simm.s32 $0x108;
	_ =	swait.ge @!p0 [sflag:s8], $0x0  }
0x24: {  	s3 =	sadd.s32 $0x88, s3;
	s6 =	simm.s32 @!p1 $0x1082;
	[sflag:s4] =	ssyncset.s32 $0xFFFFF086  }
0x25: {  	[simem:s6], [sflag:s4] =	dma.local [hbm:s3], $0xF7A  }
0x26: {  	[smem:$0x3F9C] =	sst s1;
	(tag) =	ssettag s2;
	_ =	strace s9  }
0x27: {  	s1 =	sld [smem:$0x3FAC]  }
0x28: {  	s2 =	sld [smem:$0x3FAD]  }
0x29: {  	s4 =	sld [smem:$0x3FAF]  }
0x2a: {  	p0 =	seq.s32 s5, $0x0;
	s5 =	sld [smem:$0x3FB0]  }
0x2b: {  	s6 =	sld [smem:$0x3FB1]  }
0x2c: {  	s7 =	sld [smem:$0x3FB2]  }
0x2d: {  	s3 =	simm.s32 $0x108;
	s8 =	sld [smem:$0x3FB3]  }
0x2e: {  	s3 =	simm.s32 @!p0 $0x1082;
	s9 =	sld [smem:$0x3FB4]  }
0x2f: {  	lr =	sadd.s32 s0, s3;
	s0 =	sld [smem:$0x3FAB]  }
0x30: {  	s3 =	sld [smem:$0x3FAE]  }
0x31: {  	[smem:$0x3FB7] =	sst s10  }
0x32: {  	s10 =	sld [smem:$0x3FB5];
	_ =	sdelay $0x3  }
0x33: {  	p0 =	seq.s32 s10, $0x1;
	s10 =	sld [smem:$0x3FB7];
	_ =	sdelay $0x3  }
0x34: {  	[smem:$0x3FB7] =	sst s10  }
0x35: {  	s10 =	sld [smem:$0x3FB6];
	_ =	sdelay $0x3  }
0x36: {  	p1 =	seq.s32 s10, $0x1;
	s10 =	sld [smem:$0x3FB7];
	_ =	sdelay $0x3  }
0x37: {  	[smem:$0x3FB7] =	sst s10  }
0x38: {  	s10 =	sld [smem:$0x3FB8]  }
0x39: {  	_ = 	snop;
	(pc) =	sbr.ind lr, $3  }
0x3a: {  	_ = 	snop  }
0x3b: {  	_ = 	snop  }
0x3c: {  	p2 =	seq.s32 s10, $0x1;
	s10 =	sld [smem:$0x3FB7]  }
0x3d: {  	_ =	shalt  }
0x3e: {  	_ =	shalt  }
0x3f: {  	_ =	shalt  }
0x40: {  	_ =	shalt  }
0x41: {  	_ =	shalt  }
0x42: {  	_ =	shalt  }
0x43: {  	_ =	shalt  }
0x44: {  	_ =	shalt  }
0x45: {  	_ =	shalt  }
0x46: {  	_ =	shalt  }
0x47: {  	_ =	shalt  }
0x48: {  	_ =	shalt  }
0x49: {  	_ =	shalt  }
0x4a: {  	_ =	shalt  }
0x4b: {  	_ =	shalt  }
0x4c: {  	_ =	shalt  }
0x4d: {  	_ =	shalt  }
0x4e: {  	_ =	shalt  }
0x4f: {  	_ =	shalt  }
0x50: {  	_ =	shalt  }
0x51: {  	_ =	shalt  }
0x52: {  	_ =	shalt  }
0x53: {  	_ =	shalt  }
0x54: {  	_ =	shalt  }
0x55: {  	_ =	shalt  }
0x56: {  	_ =	shalt  }
0x57: {  	_ =	shalt  }
0x58: {  	_ =	shalt  }
0x59: {  	_ =	shalt  }
0x5a: {  	_ =	shalt  }
0x5b: {  	_ =	shalt  }
0x5c: {  	_ =	shalt  }
0x5d: {  	_ =	shalt  }
0x5e: {  	_ =	shalt  }
0x5f: {  	_ =	shalt  }
0x60: {  	_ =	shalt  }
0x61: {  	_ =	shalt  }
0x62: {  	_ =	shalt  }
0x63: {  	_ =	shalt  }
0x64: {  	_ =	shalt  }
0x65: {  	_ =	shalt  }
0x66: {  	_ =	shalt  }
0x67: {  	_ =	shalt  }
0x68: {  	_ =	shalt  }
0x69: {  	_ =	shalt  }
0x6a: {  	_ =	shalt  }
0x6b: {  	_ =	shalt  }
0x6c: {  	_ =	shalt  }
0x6d: {  	_ =	shalt  }
0x6e: {  	_ =	shalt  }
0x6f: {  	_ =	shalt  }
0x70: {  	_ =	shalt  }
0x71: {  	_ =	shalt  }
0x72: {  	_ =	shalt  }
0x73: {  	_ =	shalt  }
0x74: {  	_ =	shalt  }
0x75: {  	_ =	shalt  }
0x76: {  	_ =	shalt  }
0x77: {  	_ =	shalt  }
0x78: {  	_ =	shalt  }
0x79: {  	_ =	shalt  }
0x7a: {  	_ =	shalt  }
0x7b: {  	_ =	shalt  }
0x7c: {  	_ =	shalt  }
0x7d: {  	_ =	shalt  }
0x7e: {  	_ =	shalt  }
0x7f: {  	_ =	shalt  }
0x80: {  	_ =	shalt  }
0x81: {  	_ =	shalt  }
0x82: {  	_ =	shalt  }
0x83: {  	_ =	shalt  }
0x84: {  	_ =	shalt  }
0x85: {  	_ =	shalt  }
0x86: {  	_ =	shalt  }
0x87: {  	_ =	shalt  }
.Lfunc_end0:
.L_simem_size_0:
called_computation_lowered:
.L_overlay_start_0:
0x88: {  	s2 =	sld [smem:$0x3FD9]  }
0x89: {  	s3 =	sld [smem:$0x3FFE];
	_ =	sdelay $0x1  }
0x8a: {  	s1 =	srdreg.scid  }
0x8b: {  	s0 =	sand.u32 $0x1, s1  }
0x8c: {  	s17 =	sshll.u32 s0, $0xA;
	s2 =	sadd.s32 s3, s2  }
0x8d: {  	s2 =	sadd.s32 s2, s17  }
0x8e: {  	[smem:$0x3FC3] =	sst s2  }
0x8f: {  	_ = 	snop  }
0x90: {  	s2 =	sld [smem:$0x3FC7]  }
0x91: {  	s18 =	sld [smem:$0x3FD0];
	(tm) =	ssettm $0x1  }
0x92: {  	s4 =	sld [smem:$0x3FFB];
	_ =	sdelay $0x3  }
0x93: {  	_ =	strace s4  }
0x94: {  	s4 =	sld [smem:$0x3FFC];
	_ =	sdelay $0x3  }
0x95: {  	_ =	strace s4  }
0x96: {  	s4 =	sld [smem:$0x3FFD];
	_ =	sdelay $0x3  }
0x97: {  	_ =	strace s4  }
0x98: {  	_ =	strace $0x8FFFFFFF  }
0x99: {  	s19 =	sld [smem:$0x3FDB];
	_ =	sdelay $0x1  }
0x9a: {  	s5 =	simm.s32 $_scs_section_size  }
0x9b: {  	s6 =	simm.s32 $_size__tile_overlayer_lowered;
	s7 =	simm.s32 $_tile_overlayer_lowered  }
0x9c: {  	s22 =	simm.s32 $0x1BFF;
	s21 =	sshll.u32 s7, $0x1;
	s4 =	sadd.s32 s5, s19  }
0x9d: {  	s8 =	simm.s32 $0x0;
	s20 =	sshll.u32 s6, $0x1;
	s6 =	sadd.s32 s21, s4  }
0x9e: {  	[timem:s8], [sflag:s22] =	dma.local [hbm:s6], s20  }
0x9f: {  	_ =	swait.ge [sflag:s22], s20  }
0xa0: {  	s5 =	ssub.s32 $0x0, s20;
	[sflag:s22] =	ssyncset.done $0x0  }
0xa1: {  	[sflag:s22] =	ssyncadd.s32 s5;
	_ =	sdelay $0x1  }
0xa2: {  	s23 =	simm.s32 $0x1B8B  }
0xa3: {  	_ =	swait.ge [sflag:s23], $0x1  }
0xa4: {  	[sflag:s23] =	ssyncset.done $0x0  }
0xa5: {  	s25 =	simm.s32 $0x1B8E;
	s24 =	sld [smem:$0x3FFE];
	[sflag:s23] =	ssyncadd.s32 $0xFFFFFFFF  }
0xa6: {  	s26 =	simm.s32 $execute0_lowered;
	[smem:$0x3FD2] =	sst s25  }
0xa7: {  	s6 =	sshll.u32 s26, $0x1;
	_ =	strace $0x80000046;
	[dreg:$0x1] =	wrdreg $0xFFFFFFFF  }
0xa8: {  	s28 =	simm.s32 $_size_execute0_lowered;
	s4 =	sadd.s32 s4, s6;
	[dreg:$0x0] =	wrdreg $0x0  }
0xa9: {  	s6 =	sshll.u32 s28, $0x1;
	[dreg:$0x2] =	wrdreg s4  }
0xaa: {  	[dreg:$0x3] =	wrdreg s6  }
0xab: {  	[dreg:$0x4] =	wrdreg $0xC0  }
0xac: {  	_ =	task [dreg:s8], $0x5FFFF  }
0xad: {  	[dreg:$0x1] =	wrdreg $0xFFFFFFFF  }
0xae: {  	[dreg:$0x0] =	wrdreg $0x60  }
0xaf: {  	[dreg:$0x2] =	wrdreg s18  }
0xb0: {  	[dreg:$0x3] =	wrdreg s24  }
0xb1: {  	[dreg:$0x4] =	wrdreg s2  }
0xb2: {  	[dreg:$0x5] =	wrdreg $0x84000  }
0xb3: {  	[dreg:$0x6] =	wrdreg $0x9  }
0xb4: {  	_ =	task.clear_ibuf [dreg:s8], $0x7FFFF;
	_ =	strace $0x90000046  }
0xb5: {  	s29 =	simm.s32 $0x9;
	_ =	strace $0x80000048  }
0xb6: {  	_ =	swait.ge [sflag:s29], $0x1  }
0xb7: {  	[sflag:s29] =	ssyncadd.s32 $0xFFFFFFFF  }
0xb8: {  	_ =	strace $0x90000048  }
0xb9: {  	_ =	sfence  }
0xba: {  	s30 =	sld [smem:$0x0];
	_ =	sdelay $0x2  }
0xbb: {  	s31 =	sshll.u32 s1, $0xD;
	s1 =	sshrl.u32 s1, $0x2  }
0xbc: {  	s3 =	sand.u32 $0x4000, s31;
	s1 =	sadd.s32 s1, s30  }
0xbd: {  	s0 =	sor.u32 s3, s0;
	s1 =	sshll.u32 s1, $0x11  }
0xbe: {  	s0 =	sor.u32 s1, s0  }
0xbf: {  	s0 =	sadd.s32 $0x8F2B, s0  }
0xc0: {  	[sflag:s0] =	ssyncadd.remote.s32 $0x1  }
0xc1: {  	_ =	sfence.sel $0xFFFF  }
0xc2: {  	[dreg:$0x0] =	wrdreg $0xFFFFFFFF;
	(pc) =	sbr.abs _section_cstart, $3  }
0xc3: {  	[dreg:$0x1] =	wrdreg $0xFFFFFFFF  }
0xc4: {  	_ =	task.clear_ibuf [dreg:s8], $0x2FFFF;
	_ =	strace $0x9FFFFFFF  }
0xc5: {  	(tm) =	ssettm $0x7FFFFFFF  }
tec
execute0_lowered:
.L_overlay_start_1:
0x0: {  	(tag) =	ssettag $0x1  }
0x1: {  	s0 =	rddreg [dreg:$0x0]  }
0x2: {  	s2 =	rddreg [dreg:$0x1];
	s1 =	srdreg.scid  }
0x3: {  	s3 =	rddreg [dreg:$0x2];
	s22 =	stileid.u32  }
0x4: {  	s4 =	rddreg [dreg:$0x3];
	s7 =	smul.u32 $0x14000, s22  }
0x5: {  	s5 =	simm.s32 $0x0;
	s20 =	simm.s32 $0x2;
	s24 =	smul.u32 $0x50000, s22  }
0x6: {  	s21 =	simm.s32 $0x200;
	s11 =	sand.u32 $0x1, s1;
	s19 =	smul.u32 $0x4F00, s22  }
0x7: {  	s28 =	simm.s32 $0x0;
	[smem:$0x7FF] =	sst s5;
	s6 =	smul.u32 $0x140000, s11  }
0x8: {  	s8 =	sshll.u32 s11, $0x4;
	_ =	strace $0x80000047;
	s25 =	ssub.s32 $0x2, s11  }
0x9: {  	s18 =	smul.u32 $0x4F000, s11;
	s10 =	sor.u32 s22, s8;
	s26 =	sshrl.u32 s24, $0x2  }
0xa: {  	s29 =	sshrl.u32 s25, $0x1;
	s22 =	simm.s32 $0x80;
	s13 =	smul.u32 $0x1400, s10  }
0xb: {  	s24 =	simm.s32 $0x1;
	s6 =	sadd.s32 s7, s6;
	s14 =	smul.u32 $0xA000, s10  }
0xc: {  	s23 =	sshll.u32 s10, $0x6;
	s17 =	ssub.s32 s25, s29;
	s15 =	smul.u32 $0x4F00, s10  }
0xd: {  	s31 =	sadd.s32 s19, s18;
	s19 =	simm.s32 $0x400;
	s6 =	sshrl.u32 s6, $0x3  }
0xe: {  	s12 =	sadd.s32 s23, s2;
	s17 =	smax.u32 s17, $0x1;
	s18 =	sadd.s32 $0x100, s31  }
0xf: {  	s23 =	simm.s32 $0x4400;
	s16 =	sadd.s32 s6, s2;
	s2 =	sadd.s32 $0x2000, s2  }
0x10: {  	s6 =	sadd.s32 s26, s4;
	s14 =	sshrl.u32 s14, $0x3;
	s11 =	sadd.s32 $0x1800, s12  }
0x11: {  	s30 =	sshrl.u32 s15, $0x3;
	s26 =	simm.s32 $0x300;
	s7 =	sadd.s32 $0x4000, s6  }
0x12: {  	s8 =	sadd.s32 $0x8000, s6;
	s9 =	sadd.s32 $0xC000, s6;
	s10 =	sadd.s32 $0x10000, s6  }
0x13: {  	s14 =	sadd.s32 s2, s14;
	s12 =	sadd.s32 s2, s13;
	s15 =	sadd.s32 s0, s30  }
0x14: {  	v0 =	vimm.f32 $0.0e+00;
	v1 =	vimm.f32 $1.000000000e+00;
	s16 =	sadd.s32 $0x2A000, s16;
	s13 =	sadd.s32 $0x800, s14;
	s14 =	sadd.s32 $0x1000, s14  }
.LBB2_1:
0x15: {  	s29 =	simm.s32 $0x200;
	s2 =	simm.s32 $0x0  }
.LBB2_2:
0x16: {  	p0 =	sne.s32 s29, $0xFE00;
	[tilespmem:s2+$0x400] =	vst v0;
	s2 =	smov.u32 s29;
	s29 =	sadd.s32 $0x200, s29  }
.Ltmp0:
0x17: {  	(pc) =	sbr.rel @p0 .LBB2_2-.Ltmp0, $2  }
0x18: {  	_ =	sdelay $0x2  }
0x19: {  	s2 =	sshra.s32 s2, $0x2  }
0x1a: {  	[tilespmem:s2+$0x400] =	vst v0  }
0x1b: {  	[spmem:s6] =	stream.linear.scatter [tilespmem:s19], [sflag:$0x2], $0x4000, $0x38;
	[tilespmem:$0xAC00] =	vst v63  }
0x1c: {  	_ =	swait.ge [sflag:s20], $0x4000  }
0x1d: {  	[sflag:s20] =	ssyncset.done $0x0  }
0x1e: {  	[sflag:s20] =	ssyncadd.s32 $0xFFFFC000  }
0x1f: {  	[spmem:s7] =	stream.linear.scatter [tilespmem:s19], [sflag:$0x2], $0x4000, $0x38;
	[tilespmem:$0xAC00] =	vst v63  }
0x20: {  	_ =	swait.ge [sflag:s20], $0x4000  }
0x21: {  	[sflag:s20] =	ssyncset.done $0x0  }
0x22: {  	[sflag:s20] =	ssyncadd.s32 $0xFFFFC000  }
0x23: {  	[spmem:s8] =	stream.linear.scatter [tilespmem:s19], [sflag:$0x2], $0x4000, $0x38;
	[tilespmem:$0xAC00] =	vst v63  }
0x24: {  	_ =	swait.ge [sflag:s20], $0x4000  }
0x25: {  	[sflag:s20] =	ssyncset.done $0x0  }
0x26: {  	[sflag:s20] =	ssyncadd.s32 $0xFFFFC000  }
0x27: {  	[spmem:s9] =	stream.linear.scatter [tilespmem:s19], [sflag:$0x2], $0x4000, $0x38;
	[tilespmem:$0xAC00] =	vst v63  }
0x28: {  	_ =	swait.ge [sflag:s20], $0x4000  }
0x29: {  	[sflag:s20] =	ssyncset.done $0x0  }
0x2a: {  	[sflag:s20] =	ssyncadd.s32 $0xFFFFC000  }
0x2b: {  	[spmem:s10] =	stream.linear.scatter [tilespmem:s19], [sflag:$0x2], $0x4000, $0x38;
	[tilespmem:$0xAC00] =	vst v63  }
0x2c: {  	_ =	swait.ge [sflag:s20], $0x4000  }
0x2d: {  	[sflag:s20] =	ssyncset.done $0x0  }
0x2e: {  	s29 =	simm.s32 $0x200;
	s2 =	simm.s32 $0x0;
	[sflag:s20] =	ssyncadd.s32 $0xFFFFC000  }
.LBB2_4:
0x2f: {  	p0 =	sne.s32 s29, $0xFE00;
	[tilespmem:s2+$0x400] =	vst v1;
	s2 =	smov.u32 s29;
	s29 =	sadd.s32 $0x200, s29  }
.Ltmp1:
0x30: {  	(pc) =	sbr.rel @p0 .LBB2_4-.Ltmp1, $2  }
0x31: {  	_ =	sdelay $0x2  }
0x32: {  	s2 =	sshra.s32 s2, $0x2  }
0x33: {  	[tilespmem:s2+$0x400] =	vst v1;
	s25 =	simm.s32 $0x0  }
0x34: {  	[tilespmem:s21], [sflag:$0x2] =	stream.linear.gather [hbm4b:s11+s25], $0x180, $0x38;
	[tilespmem:$0xAC00] =	vst v63  }
0x35: {  	_ =	swait.ge [sflag:s20], $0x180  }
0x36: {  	[sflag:s20] =	ssyncset.done $0x0  }
0x37: {  	[sflag:s20] =	ssyncadd.s32 $0xFFFFFE80  }
0x38: {  	[tilespmem:s23], [sflag:$0x1] =	stream.indirect.gather [hbm4b:s3+s22], $0x80, s21, s22, $0xb8;
	[tilespmem:$0xAC00] =	vst v63  }
0x39: {  	_ =	swait.ge [sflag:s24], $0x4000  }
0x3a: {  	[sflag:s24] =	ssyncset.done $0x0  }
0x3b: {  	[sflag:s24] =	ssyncadd.s32 $0xFFFFC000  }
0x3c: {  	[hbm4b:s12+s25] =	stream.linear.scatter [tilespmem:s23], [sflag:$0x2], $0x4000, $0x38;
	[tilespmem:$0xAC00] =	vst v63  }
0x3d: {  	_ =	swait.ge [sflag:s20], $0x4000  }
0x3e: {  	[sflag:s20] =	ssyncset.done $0x0  }
0x3f: {  	s1 =	simm.s32 $0x280;
	[sflag:s20] =	ssyncadd.s32 $0xFFFFC000  }
0x40: {  	[tilespmem:s23], [sflag:$0x1] =	stream.indirect.gather [hbm4b:s3+s22], $0x80, s1, s22, $0xb8;
	[tilespmem:$0xAC00] =	vst v63  }
0x41: {  	_ =	swait.ge [sflag:s24], $0x4000  }
0x42: {  	[sflag:s24] =	ssyncset.done $0x0  }
0x43: {  	[sflag:s24] =	ssyncadd.s32 $0xFFFFC000  }
0x44: {  	[hbm4b:s13+s25] =	stream.linear.scatter [tilespmem:s23], [sflag:$0x2], $0x4000, $0x38;
	[tilespmem:$0xAC00] =	vst v63  }
0x45: {  	_ =	swait.ge [sflag:s20], $0x4000  }
0x46: {  	[sflag:s20] =	ssyncset.done $0x0  }
0x47: {  	[sflag:s20] =	ssyncadd.s32 $0xFFFFC000  }
0x48: {  	[tilespmem:s23], [sflag:$0x1] =	stream.indirect.gather [hbm4b:s3+s22], $0x80, s26, s22, $0xb8;
	[tilespmem:$0xAC00] =	vst v63  }
0x49: {  	_ =	swait.ge [sflag:s24], $0x4000  }
0x4a: {  	[sflag:s24] =	ssyncset.done $0x0  }
0x4b: {  	[sflag:s24] =	ssyncadd.s32 $0xFFFFC000  }
0x4c: {  	[hbm4b:s14+s25] =	stream.linear.scatter [tilespmem:s23], [sflag:$0x2], $0x2000, $0x38;
	[tilespmem:$0xAC00] =	vst v63  }
0x4d: {  	_ =	swait.ge [sflag:s20], $0x2000  }
0x4e: {  	[sflag:s20] =	ssyncset.done $0x0  }
0x4f: {  	[sflag:s20] =	ssyncadd.s32 $0xFFFFE000  }
0x50: {  	[bflag:$0x0] =	sbarrier.arrive $0xFFFF  }
0x51: {  	[tilespmem:s25], [sflag:$0x2] =	stream.linear.gather [hbm4b:s15+s25], $0x100, $0x38;
	[tilespmem:$0xAC00] =	vst v63  }
0x52: {  	s1 =	simm.s32 $0x0;
	_ =	swait.ge [sflag:s20], $0x100  }
0x53: {  	s29 =	sshrl.u32 s18, $0x3;
	s2 =	sand.u32 $0x100, s1;
	[sflag:s20] =	ssyncset.done $0x0  }
0x54: {  	s29 =	sadd.s32 s0, s29;
	s30 =	sxor.u32 $0x100, s2;
	[sflag:s20] =	ssyncadd.s32 $0xFFFFFF00  }
0x55: {  	[tilespmem:s30], [sflag:$0x1] =	stream.linear.gather [hbm4b:s29+s5], $0x100, $0x38;
	[tilespmem:$0xAC00] =	vst v63  }
0x56: {  	s2 =	sor.u32 $0x80, s2  }
0x57: {  	[spmem:s4] =	stream.indirect.scatter.add.f32 [tilespmem:s19], [sflag:$0x2], $0x10, s2, s22, $0xb8;
	[tilespmem:$0xAC00] =	vst v63  }
0x58: {  	_ =	swait.ge [sflag:s20], $0x800  }
0x59: {  	[sflag:s20] =	ssyncset.done $0x0  }
0x5a: {  	s25 =	simm.s32 $0x100;
	[sflag:s20] =	ssyncadd.s32 $0xFFFFF800  }
0x5b: {  	s31 =	sand.u32 $0x100, s25;
	s30 =	sadd.s32 $0x100, s18;
	_ =	swait.ge [sflag:s24], $0x100  }
0x5c: {  	s29 =	simm.s32 $0x2;
	s2 =	sshrl.u32 s30, $0x3;
	[sflag:s24] =	ssyncset.done $0x0  }
.LBB2_6:
0x5d: {  	s1 =	sxor.u32 $0x100, s31  }
0x5e: {  	s2 =	sadd.s32 s0, s2;
	[sflag:s24] =	ssyncadd.s32 $0xFFFFFF00;
	s25 =	smov.u32 s29  }
0x5f: {  	[tilespmem:s1], [sflag:$0x1] =	stream.linear.gather [hbm4b:s2+s5], $0x100, $0x38;
	[tilespmem:$0xAC00] =	vst v63  }
0x60: {  	p0 =	sne.s32 s29, $0x4D;
	s29 =	sadd.s32 $0x1, s29;
	s1 =	sor.u32 $0x80, s31  }
0x61: {  	[spmem:s4] =	stream.indirect.scatter.add.f32 [tilespmem:s19], [sflag:$0x2], $0x10, s1, s22, $0xb8;
	[tilespmem:$0xAC00] =	vst v63  }
.Ltmp2:
0x62: {  	_ =	swait.ge [sflag:s20], $0x800;
	(pc) =	sbr.rel @p0 .LBB2_6-.Ltmp2, $4  }
0x63: {  	[sflag:s20] =	ssyncset.done $0x0  }
0x64: {  	[sflag:s20] =	ssyncadd.s32 $0xFFFFF800  }
0x65: {  	s30 =	sadd.s32 $0x100, s30;
	s1 =	sshll.u32 s25, $0x8;
	_ =	swait.ge [sflag:s24], $0x100  }
0x66: {  	s2 =	sshrl.u32 s30, $0x3;
	s31 =	sand.u32 $0x100, s1;
	[sflag:s24] =	ssyncset.done $0x0  }
0x67: {  	s1 =	sxor.u32 $0x100, s31;
	s2 =	sadd.s32 s0, s2;
	[sflag:s24] =	ssyncadd.s32 $0xFFFFFF00  }
0x68: {  	[tilespmem:s1], [sflag:$0x1] =	stream.linear.gather [hbm4b:s2+s5], $0x100, $0x38;
	[tilespmem:$0xAC00] =	vst v63  }
0x69: {  	s29 =	sor.u32 $0x80, s31  }
0x6a: {  	[spmem:s4] =	stream.indirect.scatter.add.f32 [tilespmem:s19], [sflag:$0x2], $0x10, s29, s22, $0xb8;
	[tilespmem:$0xAC00] =	vst v63  }
0x6b: {  	_ =	swait.ge [sflag:s20], $0x800  }
0x6c: {  	[sflag:s20] =	ssyncset.done $0x0  }
0x6d: {  	[sflag:s20] =	ssyncadd.s32 $0xFFFFF800  }
0x6e: {  	_ =	swait.ge [sflag:s24], $0x100  }
0x6f: {  	[sflag:s24] =	ssyncset.done $0x0  }
0x70: {  	[sflag:s24] =	ssyncadd.s32 $0xFFFFFF00  }
0x71: {  	[spmem:s4] =	stream.indirect.scatter.add.f32 [tilespmem:s19], [sflag:$0x2], $0x10, s22, s22, $0xb8;
	[tilespmem:$0xAC00] =	vst v63  }
0x72: {  	s30 =	stileid.u32;
	_ =	swait.ge [sflag:s20], $0x800  }
0x73: {  	s31 =	sshrl.u32 s6, $0x3;
	s28 =	sadd.s32 $0x1, s28;
	[sflag:s20] =	ssyncset.done $0x0  }
0x74: {  	s1 =	sshll.u32 s30, $0x6;
	p0 =	sne.s32 s28, s17;
	[sflag:s20] =	ssyncadd.s32 $0xFFFFF800  }
.Ltmp3:
0x75: {  	s1 =	sor.u32 $0x1C02, s1;
	[bflag:$0x0] =	sbarrier.arrive $0xFFFF;
	(pc) =	sbr.rel @p0 .LBB2_1-.Ltmp3, $4  }
0x76: {  	[hbm:s16], [sflag:s1] =	dma.local [spmem:s31], $0x2800  }
0x77: {  	_ =	swait.ge [sflag:s20], $0x2800  }
0x78: {  	[sflag:s20] =	ssyncset.done $0x0  }
0x79: {  	[sflag:s20] =	ssyncadd.s32 $0xFFFFD800  }
0x7a: {  	_ =	sfence.sel $0x180000  }
0x7b: {  	[bflag:$0x0] =	sbarrier.arrive $0xFFFF  }
0x7c: {  	_ =	strace $0x90000047  }
0x7d: {  	s0 =	stileid.u32;
	[bflag:$0x2] =	sbarrier.arrive $0xFFFF  }
0x7e: {  	p0 =	sne.s32 s0, $0x0;
	s0 =	rddreg [dreg:$0x4]  }
0x7f: {  	s0 =	sadd.s32 @!p0 $0x100000, s0  }
0x80: {  	[sflag:s0] =	ssyncadd.tile.s32 @!p0 $0x1;
	_ =	shalt  }
.Lfunc_end2:
_tile_overlayer_lowered:
.L_overlay_start_2:
0x81: {  	(tag) =	ssettag $0x2  }
0x82: {  	s0 =	rddreg [dreg:$0x0];
	s2 =	stileid.u32  }
0x83: {  	s1 =	rddreg [dreg:$0x1];
	p0 =	sne.s32 s2, $0x0  }
0x84: {  	s3 =	rddreg [dreg:$0x2];
	[bflag:$0x3] =	sbarrier.arrive $0xFFFF;
	s2 =	simm.s32 @!p0 $0x1C02  }
0x85: {  	[timem:s3], [sflag:s2] =	dma.local @!p0 [hbm:s0], s1  }
0x86: {  	s0 =	simm.s32 @!p0 $0x2  }
0x87: {  	_ =	swait.ge @!p0 [sflag:s0], s1  }
0x88: {  	s1 =	ssub.s32 @!p0 $0x0, s1;
	[sflag:s0] =	ssyncset.done @!p0 $0x0  }
0x89: {  	[sflag:s0] =	ssyncadd.s32 @!p0 s1  }
0x8a: {  	[bflag:$0x3] =	sbarrier.arrive $0xFFFF  }
0x8b: {  	_ =	shalt  }

</sc_bundles>
